<compile_context>
chip_gen: v7x
topology: tpu7x:2x2x1
jax: 0.10.2.dev20260603
libtpu: 0.0.44.dev20260713+nightly
codegen_flags: <defaults>
</compile_context>

<pallas_src>
import functools

import jax
import jax.numpy as jnp
from jax import lax
from jax.experimental import pallas as pl
from jax.experimental.pallas import tpu as pltpu
from jax.experimental.pallas import tpu_sc as plsc

_B, _L, _D = 4, 2048, 1024
_NC, _NS = 2, 16
_NW = _NC * _NS
_LS = 256
_RPW = _LS // _NW
_CROWS = 4
_NCH = _RPW // _CROWS
_UNROLL = 4
_LB = 256


def _sc_add_head(x, enc):
    mesh = plsc.VectorSubcoreMesh(core_axis_name="c", subcore_axis_name="s")

    @functools.partial(
        pl.kernel,
        out_type=jax.ShapeDtypeStruct((_B, _LS, _D), jnp.float32),
        mesh=mesh,
        scratch_types=[
            [pltpu.VMEM((_CROWS, _D), jnp.float32) for _ in range(5)],
            [pltpu.VMEM((_CROWS, _D), jnp.float32) for _ in range(5)],
            [pltpu.SemaphoreType.DMA for _ in range(2)],
            [pltpu.SemaphoreType.DMA for _ in range(2)],
        ],
    )
    def k(x_hbm, enc_hbm, out_hbm, set0, set1, lsem, ssem):
        sets = (set0, set1)
        wid = lax.axis_index("s") * _NC + lax.axis_index("c")
        base = wid * _RPW

        def start_loads(i):
            s = i % 2
            bufs = sets[s]
            row0 = base + i * _CROWS
            ds = [pltpu.async_copy(enc_hbm.at[pl.ds(row0, _CROWS)], bufs[0], lsem[s])]
            for b in range(_B):
                ds.append(
                    pltpu.async_copy(x_hbm.at[b, pl.ds(row0, _CROWS)], bufs[1 + b], lsem[s])
                )
            return ds

        loads = {0: start_loads(0)}
        stores = {}
        for i in range(_NCH):
            s = i % 2
            bufs = sets[s]
            row0 = base + i * _CROWS
            if i + 1 < _NCH:
                if (i - 1) in stores:
                    for d in stores.pop(i - 1):
                        d.wait()
                loads[i + 1] = start_loads(i + 1)
            for d in loads.pop(i):
                d.wait()
            for r in range(_CROWS):
                def cbody(j, _, r=r, bufs=bufs):
                    for u in range(_UNROLL):
                        sl = pl.ds((j * _UNROLL + u) * 16, 16)
                        e = bufs[0][r, sl]
                        for b in range(_B):
                            bufs[1 + b][r, sl] = bufs[1 + b][r, sl] + e
                    return 0

                lax.fori_loop(0, _D // (16 * _UNROLL), cbody, 0)
            stores[i] = [
                pltpu.async_copy(bufs[1 + b], out_hbm.at[b, pl.ds(row0, _CROWS)], ssem[s])
                for b in range(_B)
            ]
        for sds in stores.values():
            for d in sds:
                d.wait()

    return k(x, enc)


def _tc_body(x_ref, enc_ref, out_ref):
    out_ref[...] = x_ref[...] + enc_ref[...][None]


def _tc_add_tail(x, enc):
    off = _LS // _LB
    return pl.pallas_call(
        _tc_body,
        grid=((_L - _LS) // _LB,),
        in_specs=[
            pl.BlockSpec((_B, _LB, _D), lambda i: (0, i + off, 0)),
            pl.BlockSpec((_LB, _D), lambda i: (i + off, 0)),
        ],
        out_specs=pl.BlockSpec((_B, _LB, _D), lambda i: (0, i + off, 0)),
        out_shape=jax.ShapeDtypeStruct((_B, _L, _D), jnp.float32),
    )(x, enc)


def kernel(x, encoding):
    enc = encoding[:_L]
    out_full = _tc_add_tail(x, enc)
    out_sc = _sc_add_head(x, enc)
    return lax.dynamic_update_slice(out_full, out_sc, (0, 0, 0))

# --- scband reference (transcript-rebuilt; emitter-appended) ---
"""Pipeline reference for scband-positional-encoding-58755152609811 (READ-ONLY COPY).

The authoritative reference and input builder live on the scoring server;
editing this copy changes nothing except your own understanding.
"""

import jax, jax.numpy as jnp
import numpy as np

EMBED_DIM = 1024
PE_LEN = 2048
B, L, D = 4, 2048, 1024


def setup_inputs(seed: int = 0) -> dict:
    key = jax.random.key(seed)
    k1, k2 = jax.random.split(key)
    x = jax.random.normal(k1, (B, L, D), dtype=jnp.float32)
    # nn.Embedding default init: N(0, 1)
    encoding = jax.random.normal(k2, (PE_LEN, EMBED_DIM), dtype=jnp.float32)
    return {"x": x, "encoding": encoding}


def reference(x, encoding):
    Bx, Lx, Dx = x.shape
    positions = jnp.arange(PE_LEN)[None, :]          # buffer 'positions', shape (1, PE_LEN)
    pos = positions[:, :Lx]                          # (1, L)
    pos_emb = jnp.take(encoding, pos, axis=0)        # embedding lookup -> (1, L, D)
    out = x + pos_emb
    # dropout in eval mode is identity
    return out

if __name__ == "__main__":
    import jax
    _d = setup_inputs()
    print(jax.jit(kernel)(*tuple(_d.values())))

</pallas_src>

<mosaic_0001>
#map = affine_map<(d0, d1) -> (0, 0, 0)>
#map1 = affine_map<(d0, d1) -> (0, 0)>
module attributes {stable_mosaic.version = 14 : i64} {
  func.func @k(%arg0: i32, %arg1: i32, %arg2: memref<4x2048x1024xf32, #tpu.memory_space<hbm>>, %arg3: memref<2048x1024xf32, #tpu.memory_space<hbm>>, %arg4: memref<4x256x1024xf32, #tpu.memory_space<hbm>>, %arg5: memref<4x1024xf32, #tpu.memory_space<vmem>>, %arg6: memref<4x1024xf32, #tpu.memory_space<vmem>>, %arg7: memref<4x1024xf32, #tpu.memory_space<vmem>>, %arg8: memref<4x1024xf32, #tpu.memory_space<vmem>>, %arg9: memref<4x1024xf32, #tpu.memory_space<vmem>>, %arg10: memref<4x1024xf32, #tpu.memory_space<vmem>>, %arg11: memref<4x1024xf32, #tpu.memory_space<vmem>>, %arg12: memref<4x1024xf32, #tpu.memory_space<vmem>>, %arg13: memref<4x1024xf32, #tpu.memory_space<vmem>>, %arg14: memref<4x1024xf32, #tpu.memory_space<vmem>>, %arg15: memref<!tpu.dma_semaphore, #tpu.memory_space<semaphore_mem>>, %arg16: memref<!tpu.dma_semaphore, #tpu.memory_space<semaphore_mem>>, %arg17: memref<!tpu.dma_semaphore, #tpu.memory_space<semaphore_mem>>, %arg18: memref<!tpu.dma_semaphore, #tpu.memory_space<semaphore_mem>>) attributes {dimension_semantics = [#tpu.dimension_semantics<core_parallel>, #tpu.dimension_semantics<subcore_parallel>], iteration_bounds = array<i64: 2, 16>, scalar_prefetch = 0 : i64, scratch_operands = 14 : i64, tpu.core_type = #tpu.core_type<sc_vector_subcore>, window_params = [{transform_indices = #map}, {transform_indices = #map1}, {transform_indices = #map}]} {
    %mul3A = arith.constant 2 : i32
    %mul3A_0 = arith.muli %arg1, %mul3A : i32
    %add3A = arith.addi %mul3A_0, %arg0 : i32
    %mul3A_1 = arith.constant 8 : i32
    %mul3A_2 = arith.muli %add3A, %mul3A_1 : i32
    %add3A_3 = arith.constant 0 : i32
    %add3A_4 = arith.addi %mul3A_2, %add3A_3 : i32
    %dma_start3A = arith.constant 0 : i32
    %dma_start3A_5 = tpu.memref_slice %arg3[%add3A_4, %dma_start3A] : memref<2048x1024xf32, #tpu.memory_space<hbm>> -> memref<4x1024xf32, #tpu.memory_space<hbm>>
    %dma_start3A_6 = arith.constant 0 : i32
    %dma_start3A_7 = tpu.memref_slice %arg3[%add3A_4, %dma_start3A_6] : memref<2048x1024xf32, #tpu.memory_space<hbm>> -> memref<4x1024xf32, #tpu.memory_space<hbm>>
    tpu.enqueue_dma source(%dma_start3A_7 : memref<4x1024xf32, #tpu.memory_space<hbm>>) target(%arg5 : memref<4x1024xf32, #tpu.memory_space<vmem>>) target_semaphore(%arg15 : memref<!tpu.dma_semaphore, #tpu.memory_space<semaphore_mem>>)
    %dma_start3A_8 = arith.constant 0 : i32
    %dma_start3A_9 = arith.constant 0 : i32
    %dma_start3A_10 = tpu.memref_slice %arg2[%dma_start3A_8, %add3A_4, %dma_start3A_9] : memref<4x2048x1024xf32, #tpu.memory_space<hbm>> -> memref<1x4x1024xf32, #tpu.memory_space<hbm>>
    %dma_start3A_11 = tpu.memref_squeeze %dma_start3A_10 : memref<1x4x1024xf32, #tpu.memory_space<hbm>> -> memref<4x1024xf32, #tpu.memory_space<hbm>>
    %dma_start3A_12 = arith.constant 0 : i32
    %dma_start3A_13 = tpu.memref_slice %arg2[%dma_start3A_8, %add3A_4, %dma_start3A_12] : memref<4x2048x1024xf32, #tpu.memory_space<hbm>> -> memref<1x4x1024xf32, #tpu.memory_space<hbm>>
    %dma_start3A_14 = tpu.memref_squeeze %dma_start3A_13 : memref<1x4x1024xf32, #tpu.memory_space<hbm>> -> memref<4x1024xf32, #tpu.memory_space<hbm>>
    tpu.enqueue_dma source(%dma_start3A_14 : memref<4x1024xf32, #tpu.memory_space<hbm>>) target(%arg6 : memref<4x1024xf32, #tpu.memory_space<vmem>>) target_semaphore(%arg15 : memref<!tpu.dma_semaphore, #tpu.memory_space<semaphore_mem>>)
    %dma_start3A_15 = arith.constant 1 : i32
    %dma_start3A_16 = arith.constant 0 : i32
    %dma_start3A_17 = tpu.memref_slice %arg2[%dma_start3A_15, %add3A_4, %dma_start3A_16] : memref<4x2048x1024xf32, #tpu.memory_space<hbm>> -> memref<1x4x1024xf32, #tpu.memory_space<hbm>>
    %dma_start3A_18 = tpu.memref_squeeze %dma_start3A_17 : memref<1x4x1024xf32, #tpu.memory_space<hbm>> -> memref<4x1024xf32, #tpu.memory_space<hbm>>
    %dma_start3A_19 = arith.constant 0 : i32
    %dma_start3A_20 = tpu.memref_slice %arg2[%dma_start3A_15, %add3A_4, %dma_start3A_19] : memref<4x2048x1024xf32, #tpu.memory_space<hbm>> -> memref<1x4x1024xf32, #tpu.memory_space<hbm>>
    %dma_start3A_21 = tpu.memref_squeeze %dma_start3A_20 : memref<1x4x1024xf32, #tpu.memory_space<hbm>> -> memref<4x1024xf32, #tpu.memory_space<hbm>>
    tpu.enqueue_dma source(%dma_start3A_21 : memref<4x1024xf32, #tpu.memory_space<hbm>>) target(%arg7 : memref<4x1024xf32, #tpu.memory_space<vmem>>) target_semaphore(%arg15 : memref<!tpu.dma_semaphore, #tpu.memory_space<semaphore_mem>>)
    %dma_start3A_22 = arith.constant 2 : i32
    %dma_start3A_23 = arith.constant 0 : i32
    %dma_start3A_24 = tpu.memref_slice %arg2[%dma_start3A_22, %add3A_4, %dma_start3A_23] : memref<4x2048x1024xf32, #tpu.memory_space<hbm>> -> memref<1x4x1024xf32, #tpu.memory_space<hbm>>
    %dma_start3A_25 = tpu.memref_squeeze %dma_start3A_24 : memref<1x4x1024xf32, #tpu.memory_space<hbm>> -> memref<4x1024xf32, #tpu.memory_space<hbm>>
    %dma_start3A_26 = arith.constant 0 : i32
    %dma_start3A_27 = tpu.memref_slice %arg2[%dma_start3A_22, %add3A_4, %dma_start3A_26] : memref<4x2048x1024xf32, #tpu.memory_space<hbm>> -> memref<1x4x1024xf32, #tpu.memory_space<hbm>>
    %dma_start3A_28 = tpu.memref_squeeze %dma_start3A_27 : memref<1x4x1024xf32, #tpu.memory_space<hbm>> -> memref<4x1024xf32, #tpu.memory_space<hbm>>
    tpu.enqueue_dma source(%dma_start3A_28 : memref<4x1024xf32, #tpu.memory_space<hbm>>) target(%arg8 : memref<4x1024xf32, #tpu.memory_space<vmem>>) target_semaphore(%arg15 : memref<!tpu.dma_semaphore, #tpu.memory_space<semaphore_mem>>)
    %dma_start3A_29 = arith.constant 3 : i32
    %dma_start3A_30 = arith.constant 0 : i32
    %dma_start3A_31 = tpu.memref_slice %arg2[%dma_start3A_29, %add3A_4, %dma_start3A_30] : memref<4x2048x1024xf32, #tpu.memory_space<hbm>> -> memref<1x4x1024xf32, #tpu.memory_space<hbm>>
    %dma_start3A_32 = tpu.memref_squeeze %dma_start3A_31 : memref<1x4x1024xf32, #tpu.memory_space<hbm>> -> memref<4x1024xf32, #tpu.memory_space<hbm>>
    %dma_start3A_33 = arith.constant 0 : i32
    %dma_start3A_34 = tpu.memref_slice %arg2[%dma_start3A_29, %add3A_4, %dma_start3A_33] : memref<4x2048x1024xf32, #tpu.memory_space<hbm>> -> memref<1x4x1024xf32, #tpu.memory_space<hbm>>
    %dma_start3A_35 = tpu.memref_squeeze %dma_start3A_34 : memref<1x4x1024xf32, #tpu.memory_space<hbm>> -> memref<4x1024xf32, #tpu.memory_space<hbm>>
    tpu.enqueue_dma source(%dma_start3A_35 : memref<4x1024xf32, #tpu.memory_space<hbm>>) target(%arg9 : memref<4x1024xf32, #tpu.memory_space<vmem>>) target_semaphore(%arg15 : memref<!tpu.dma_semaphore, #tpu.memory_space<semaphore_mem>>)
    %add3A_36 = arith.constant 0 : i32
    %add3A_37 = arith.addi %mul3A_2, %add3A_36 : i32
    %add3A_38 = arith.constant 4 : i32
    %add3A_39 = arith.addi %mul3A_2, %add3A_38 : i32
    %dma_start3A_40 = arith.constant 0 : i32
    %dma_start3A_41 = tpu.memref_slice %arg3[%add3A_39, %dma_start3A_40] : memref<2048x1024xf32, #tpu.memory_space<hbm>> -> memref<4x1024xf32, #tpu.memory_space<hbm>>
    %dma_start3A_42 = arith.constant 0 : i32
    %dma_start3A_43 = tpu.memref_slice %arg3[%add3A_39, %dma_start3A_42] : memref<2048x1024xf32, #tpu.memory_space<hbm>> -> memref<4x1024xf32, #tpu.memory_space<hbm>>
    tpu.enqueue_dma source(%dma_start3A_43 : memref<4x1024xf32, #tpu.memory_space<hbm>>) target(%arg10 : memref<4x1024xf32, #tpu.memory_space<vmem>>) target_semaphore(%arg16 : memref<!tpu.dma_semaphore, #tpu.memory_space<semaphore_mem>>)
    %dma_start3A_44 = arith.constant 0 : i32
    %dma_start3A_45 = arith.constant 0 : i32
    %dma_start3A_46 = tpu.memref_slice %arg2[%dma_start3A_44, %add3A_39, %dma_start3A_45] : memref<4x2048x1024xf32, #tpu.memory_space<hbm>> -> memref<1x4x1024xf32, #tpu.memory_space<hbm>>
    %dma_start3A_47 = tpu.memref_squeeze %dma_start3A_46 : memref<1x4x1024xf32, #tpu.memory_space<hbm>> -> memref<4x1024xf32, #tpu.memory_space<hbm>>
    %dma_start3A_48 = arith.constant 0 : i32
    %dma_start3A_49 = tpu.memref_slice %arg2[%dma_start3A_44, %add3A_39, %dma_start3A_48] : memref<4x2048x1024xf32, #tpu.memory_space<hbm>> -> memref<1x4x1024xf32, #tpu.memory_space<hbm>>
    %dma_start3A_50 = tpu.memref_squeeze %dma_start3A_49 : memref<1x4x1024xf32, #tpu.memory_space<hbm>> -> memref<4x1024xf32, #tpu.memory_space<hbm>>
    tpu.enqueue_dma source(%dma_start3A_50 : memref<4x1024xf32, #tpu.memory_space<hbm>>) target(%arg11 : memref<4x1024xf32, #tpu.memory_space<vmem>>) target_semaphore(%arg16 : memref<!tpu.dma_semaphore, #tpu.memory_space<semaphore_mem>>)
    %dma_start3A_51 = arith.constant 1 : i32
    %dma_start3A_52 = arith.constant 0 : i32
    %dma_start3A_53 = tpu.memref_slice %arg2[%dma_start3A_51, %add3A_39, %dma_start3A_52] : memref<4x2048x1024xf32, #tpu.memory_space<hbm>> -> memref<1x4x1024xf32, #tpu.memory_space<hbm>>
    %dma_start3A_54 = tpu.memref_squeeze %dma_start3A_53 : memref<1x4x1024xf32, #tpu.memory_space<hbm>> -> memref<4x1024xf32, #tpu.memory_space<hbm>>
    %dma_start3A_55 = arith.constant 0 : i32
    %dma_start3A_56 = tpu.memref_slice %arg2[%dma_start3A_51, %add3A_39, %dma_start3A_55] : memref<4x2048x1024xf32, #tpu.memory_space<hbm>> -> memref<1x4x1024xf32, #tpu.memory_space<hbm>>
    %dma_start3A_57 = tpu.memref_squeeze %dma_start3A_56 : memref<1x4x1024xf32, #tpu.memory_space<hbm>> -> memref<4x1024xf32, #tpu.memory_space<hbm>>
    tpu.enqueue_dma source(%dma_start3A_57 : memref<4x1024xf32, #tpu.memory_space<hbm>>) target(%arg12 : memref<4x1024xf32, #tpu.memory_space<vmem>>) target_semaphore(%arg16 : memref<!tpu.dma_semaphore, #tpu.memory_space<semaphore_mem>>)
    %dma_start3A_58 = arith.constant 2 : i32
    %dma_start3A_59 = arith.constant 0 : i32
    %dma_start3A_60 = tpu.memref_slice %arg2[%dma_start3A_58, %add3A_39, %dma_start3A_59] : memref<4x2048x1024xf32, #tpu.memory_space<hbm>> -> memref<1x4x1024xf32, #tpu.memory_space<hbm>>
    %dma_start3A_61 = tpu.memref_squeeze %dma_start3A_60 : memref<1x4x1024xf32, #tpu.memory_space<hbm>> -> memref<4x1024xf32, #tpu.memory_space<hbm>>
    %dma_start3A_62 = arith.constant 0 : i32
    %dma_start3A_63 = tpu.memref_slice %arg2[%dma_start3A_58, %add3A_39, %dma_start3A_62] : memref<4x2048x1024xf32, #tpu.memory_space<hbm>> -> memref<1x4x1024xf32, #tpu.memory_space<hbm>>
    %dma_start3A_64 = tpu.memref_squeeze %dma_start3A_63 : memref<1x4x1024xf32, #tpu.memory_space<hbm>> -> memref<4x1024xf32, #tpu.memory_space<hbm>>
    tpu.enqueue_dma source(%dma_start3A_64 : memref<4x1024xf32, #tpu.memory_space<hbm>>) target(%arg13 : memref<4x1024xf32, #tpu.memory_space<vmem>>) target_semaphore(%arg16 : memref<!tpu.dma_semaphore, #tpu.memory_space<semaphore_mem>>)
    %dma_start3A_65 = arith.constant 3 : i32
    %dma_start3A_66 = arith.constant 0 : i32
    %dma_start3A_67 = tpu.memref_slice %arg2[%dma_start3A_65, %add3A_39, %dma_start3A_66] : memref<4x2048x1024xf32, #tpu.memory_space<hbm>> -> memref<1x4x1024xf32, #tpu.memory_space<hbm>>
    %dma_start3A_68 = tpu.memref_squeeze %dma_start3A_67 : memref<1x4x1024xf32, #tpu.memory_space<hbm>> -> memref<4x1024xf32, #tpu.memory_space<hbm>>
    %dma_start3A_69 = arith.constant 0 : i32
    %dma_start3A_70 = tpu.memref_slice %arg2[%dma_start3A_65, %add3A_39, %dma_start3A_69] : memref<4x2048x1024xf32, #tpu.memory_space<hbm>> -> memref<1x4x1024xf32, #tpu.memory_space<hbm>>
    %dma_start3A_71 = tpu.memref_squeeze %dma_start3A_70 : memref<1x4x1024xf32, #tpu.memory_space<hbm>> -> memref<4x1024xf32, #tpu.memory_space<hbm>>
    tpu.enqueue_dma source(%dma_start3A_71 : memref<4x1024xf32, #tpu.memory_space<hbm>>) target(%arg14 : memref<4x1024xf32, #tpu.memory_space<vmem>>) target_semaphore(%arg16 : memref<!tpu.dma_semaphore, #tpu.memory_space<semaphore_mem>>)
    %dma_wait3A = arith.constant 0 : i32
    %dma_wait3A_72 = tpu.memref_slice %arg3[%add3A_4, %dma_wait3A] : memref<2048x1024xf32, #tpu.memory_space<hbm>> -> memref<4x1024xf32, #tpu.memory_space<hbm>>
    %dma_wait3A_73 = arith.constant 0 : i32
    %dma_wait3A_74 = tpu.memref_slice %arg3[%add3A_4, %dma_wait3A_73] : memref<2048x1024xf32, #tpu.memory_space<hbm>> -> memref<4x1024xf32, #tpu.memory_space<hbm>>
    tpu.wait_dma2 semaphore(%arg15 : memref<!tpu.dma_semaphore, #tpu.memory_space<semaphore_mem>>) src(%dma_wait3A_74 : memref<4x1024xf32, #tpu.memory_space<hbm>>) dst(%arg5 : memref<4x1024xf32, #tpu.memory_space<vmem>>)
    %dma_wait3A_75 = arith.constant 0 : i32
    %dma_wait3A_76 = arith.constant 0 : i32
    %dma_wait3A_77 = tpu.memref_slice %arg2[%dma_wait3A_75, %add3A_4, %dma_wait3A_76] : memref<4x2048x1024xf32, #tpu.memory_space<hbm>> -> memref<1x4x1024xf32, #tpu.memory_space<hbm>>
    %dma_wait3A_78 = tpu.memref_squeeze %dma_wait3A_77 : memref<1x4x1024xf32, #tpu.memory_space<hbm>> -> memref<4x1024xf32, #tpu.memory_space<hbm>>
    %dma_wait3A_79 = arith.constant 0 : i32
    %dma_wait3A_80 = tpu.memref_slice %arg2[%dma_wait3A_75, %add3A_4, %dma_wait3A_79] : memref<4x2048x1024xf32, #tpu.memory_space<hbm>> -> memref<1x4x1024xf32, #tpu.memory_space<hbm>>
    %dma_wait3A_81 = tpu.memref_squeeze %dma_wait3A_80 : memref<1x4x1024xf32, #tpu.memory_space<hbm>> -> memref<4x1024xf32, #tpu.memory_space<hbm>>
    tpu.wait_dma2 semaphore(%arg15 : memref<!tpu.dma_semaphore, #tpu.memory_space<semaphore_mem>>) src(%dma_wait3A_81 : memref<4x1024xf32, #tpu.memory_space<hbm>>) dst(%arg6 : memref<4x1024xf32, #tpu.memory_space<vmem>>)
    %dma_wait3A_82 = arith.constant 1 : i32
    %dma_wait3A_83 = arith.constant 0 : i32
    %dma_wait3A_84 = tpu.memref_slice %arg2[%dma_wait3A_82, %add3A_4, %dma_wait3A_83] : memref<4x2048x1024xf32, #tpu.memory_space<hbm>> -> memref<1x4x1024xf32, #tpu.memory_space<hbm>>
    %dma_wait3A_85 = tpu.memref_squeeze %dma_wait3A_84 : memref<1x4x1024xf32, #tpu.memory_space<hbm>> -> memref<4x1024xf32, #tpu.memory_space<hbm>>
    %dma_wait3A_86 = arith.constant 0 : i32
    %dma_wait3A_87 = tpu.memref_slice %arg2[%dma_wait3A_82, %add3A_4, %dma_wait3A_86] : memref<4x2048x1024xf32, #tpu.memory_space<hbm>> -> memref<1x4x1024xf32, #tpu.memory_space<hbm>>
    %dma_wait3A_88 = tpu.memref_squeeze %dma_wait3A_87 : memref<1x4x1024xf32, #tpu.memory_space<hbm>> -> memref<4x1024xf32, #tpu.memory_space<hbm>>
    tpu.wait_dma2 semaphore(%arg15 : memref<!tpu.dma_semaphore, #tpu.memory_space<semaphore_mem>>) src(%dma_wait3A_88 : memref<4x1024xf32, #tpu.memory_space<hbm>>) dst(%arg7 : memref<4x1024xf32, #tpu.memory_space<vmem>>)
    %dma_wait3A_89 = arith.constant 2 : i32
    %dma_wait3A_90 = arith.constant 0 : i32
    %dma_wait3A_91 = tpu.memref_slice %arg2[%dma_wait3A_89, %add3A_4, %dma_wait3A_90] : memref<4x2048x1024xf32, #tpu.memory_space<hbm>> -> memref<1x4x1024xf32, #tpu.memory_space<hbm>>
    %dma_wait3A_92 = tpu.memref_squeeze %dma_wait3A_91 : memref<1x4x1024xf32, #tpu.memory_space<hbm>> -> memref<4x1024xf32, #tpu.memory_space<hbm>>
    %dma_wait3A_93 = arith.constant 0 : i32
    %dma_wait3A_94 = tpu.memref_slice %arg2[%dma_wait3A_89, %add3A_4, %dma_wait3A_93] : memref<4x2048x1024xf32, #tpu.memory_space<hbm>> -> memref<1x4x1024xf32, #tpu.memory_space<hbm>>
    %dma_wait3A_95 = tpu.memref_squeeze %dma_wait3A_94 : memref<1x4x1024xf32, #tpu.memory_space<hbm>> -> memref<4x1024xf32, #tpu.memory_space<hbm>>
    tpu.wait_dma2 semaphore(%arg15 : memref<!tpu.dma_semaphore, #tpu.memory_space<semaphore_mem>>) src(%dma_wait3A_95 : memref<4x1024xf32, #tpu.memory_space<hbm>>) dst(%arg8 : memref<4x1024xf32, #tpu.memory_space<vmem>>)
    %dma_wait3A_96 = arith.constant 3 : i32
    %dma_wait3A_97 = arith.constant 0 : i32
    %dma_wait3A_98 = tpu.memref_slice %arg2[%dma_wait3A_96, %add3A_4, %dma_wait3A_97] : memref<4x2048x1024xf32, #tpu.memory_space<hbm>> -> memref<1x4x1024xf32, #tpu.memory_space<hbm>>
    %dma_wait3A_99 = tpu.memref_squeeze %dma_wait3A_98 : memref<1x4x1024xf32, #tpu.memory_space<hbm>> -> memref<4x1024xf32, #tpu.memory_space<hbm>>
    %dma_wait3A_100 = arith.constant 0 : i32
    %dma_wait3A_101 = tpu.memref_slice %arg2[%dma_wait3A_96, %add3A_4, %dma_wait3A_100] : memref<4x2048x1024xf32, #tpu.memory_space<hbm>> -> memref<1x4x1024xf32, #tpu.memory_space<hbm>>
    %dma_wait3A_102 = tpu.memref_squeeze %dma_wait3A_101 : memref<1x4x1024xf32, #tpu.memory_space<hbm>> -> memref<4x1024xf32, #tpu.memory_space<hbm>>
    tpu.wait_dma2 semaphore(%arg15 : memref<!tpu.dma_semaphore, #tpu.memory_space<semaphore_mem>>) src(%dma_wait3A_102 : memref<4x1024xf32, #tpu.memory_space<hbm>>) dst(%arg9 : memref<4x1024xf32, #tpu.memory_space<vmem>>)
    %scan3A = arith.constant 0 : i32
    %scan3A_103 = arith.constant 0 : i32
    %scan3A_104 = arith.constant 16 : i32
    %scan3A_105 = arith.addi %scan3A_103, %scan3A_104 : i32
    %scan3A_106 = arith.constant 1 : i32
    %scan3A_107 = scf.for %scan3A_304 = %scan3A_103 to %scan3A_105 step %scan3A_106 iter_args(%scan3A_305 = %scan3A) -> (i32)  : i32 {
      %mul3A_306 = arith.constant 4 : i32
      %mul3A_307 = arith.muli %scan3A_304, %mul3A_306 : i32
      %add3A_308 = arith.constant 0 : i32
      %add3A_309 = arith.addi %mul3A_307, %add3A_308 : i32
      %mul3A_310 = arith.constant 16 : i32
      %mul3A_311 = arith.muli %add3A_309, %mul3A_310 : i32
      %get3A = arith.constant 0 : i32
      %get3A_312 = arith.index_cast %get3A : i32 to index
      %get3A_313 = arith.index_cast %mul3A_311 : i32 to index
      %get3A_314 = tpu.vector_load %arg5[%get3A_312, %get3A_313] {strides = array<i32>} : memref<4x1024xf32, #tpu.memory_space<vmem>>, vector<1x16xf32>,
      %get3A_315 = vector.shape_cast %get3A_314 : vector<1x16xf32> to vector<16xf32>
      %get3A_316 = arith.constant 0 : i32
      %get3A_317 = arith.index_cast %get3A_316 : i32 to index
      %get3A_318 = arith.index_cast %mul3A_311 : i32 to index
      %get3A_319 = tpu.vector_load %arg6[%get3A_317, %get3A_318] {strides = array<i32>} : memref<4x1024xf32, #tpu.memory_space<vmem>>, vector<1x16xf32>,
      %get3A_320 = vector.shape_cast %get3A_319 : vector<1x16xf32> to vector<16xf32>
      %add3A_321 = arith.addf %get3A_320, %get3A_315 : vector<16xf32>
      %swap3A = arith.constant 0 : i32
      %swap3A_322 = arith.index_cast %swap3A : i32 to index
      %swap3A_323 = arith.index_cast %mul3A_311 : i32 to index
      %swap3A_324 = tpu.vector_load %arg6[%swap3A_322, %swap3A_323] {strides = array<i32>} : memref<4x1024xf32, #tpu.memory_space<vmem>>, vector<1x16xf32>,
      %swap3A_325 = vector.shape_cast %swap3A_324 : vector<1x16xf32> to vector<16xf32>
      %swap3A_326 = vector.shape_cast %add3A_321 : vector<16xf32> to vector<1x16xf32>
      tpu.vector_store %arg6[%swap3A_322, %swap3A_323], %swap3A_326 {strides = array<i32>} : memref<4x1024xf32, #tpu.memory_space<vmem>>, vector<1x16xf32>,
      %get3A_327 = arith.constant 0 : i32
      %get3A_328 = arith.index_cast %get3A_327 : i32 to index
      %get3A_329 = arith.index_cast %mul3A_311 : i32 to index
      %get3A_330 = tpu.vector_load %arg7[%get3A_328, %get3A_329] {strides = array<i32>} : memref<4x1024xf32, #tpu.memory_space<vmem>>, vector<1x16xf32>,
      %get3A_331 = vector.shape_cast %get3A_330 : vector<1x16xf32> to vector<16xf32>
      %add3A_332 = arith.addf %get3A_331, %get3A_315 : vector<16xf32>
      %swap3A_333 = arith.constant 0 : i32
      %swap3A_334 = arith.index_cast %swap3A_333 : i32 to index
      %swap3A_335 = arith.index_cast %mul3A_311 : i32 to index
      %swap3A_336 = tpu.vector_load %arg7[%swap3A_334, %swap3A_335] {strides = array<i32>} : memref<4x1024xf32, #tpu.memory_space<vmem>>, vector<1x16xf32>,
      %swap3A_337 = vector.shape_cast %swap3A_336 : vector<1x16xf32> to vector<16xf32>
      %swap3A_338 = vector.shape_cast %add3A_332 : vector<16xf32> to vector<1x16xf32>
      tpu.vector_store %arg7[%swap3A_334, %swap3A_335], %swap3A_338 {strides = array<i32>} : memref<4x1024xf32, #tpu.memory_space<vmem>>, vector<1x16xf32>,
      %get3A_339 = arith.constant 0 : i32
      %get3A_340 = arith.index_cast %get3A_339 : i32 to index
      %get3A_341 = arith.index_cast %mul3A_311 : i32 to index
      %get3A_342 = tpu.vector_load %arg8[%get3A_340, %get3A_341] {strides = array<i32>} : memref<4x1024xf32, #tpu.memory_space<vmem>>, vector<1x16xf32>,
      %get3A_343 = vector.shape_cast %get3A_342 : vector<1x16xf32> to vector<16xf32>
      %add3A_344 = arith.addf %get3A_343, %get3A_315 : vector<16xf32>
      %swap3A_345 = arith.constant 0 : i32
      %swap3A_346 = arith.index_cast %swap3A_345 : i32 to index
      %swap3A_347 = arith.index_cast %mul3A_311 : i32 to index
      %swap3A_348 = tpu.vector_load %arg8[%swap3A_346, %swap3A_347] {strides = array<i32>} : memref<4x1024xf32, #tpu.memory_space<vmem>>, vector<1x16xf32>,
      %swap3A_349 = vector.shape_cast %swap3A_348 : vector<1x16xf32> to vector<16xf32>
      %swap3A_350 = vector.shape_cast %add3A_344 : vector<16xf32> to vector<1x16xf32>
      tpu.vector_store %arg8[%swap3A_346, %swap3A_347], %swap3A_350 {strides = array<i32>} : memref<4x1024xf32, #tpu.memory_space<vmem>>, vector<1x16xf32>,
      %get3A_351 = arith.constant 0 : i32
      %get3A_352 = arith.index_cast %get3A_351 : i32 to index
      %get3A_353 = arith.index_cast %mul3A_311 : i32 to index
      %get3A_354 = tpu.vector_load %arg9[%get3A_352, %get3A_353] {strides = array<i32>} : memref<4x1024xf32, #tpu.memory_space<vmem>>, vector<1x16xf32>,
      %get3A_355 = vector.shape_cast %get3A_354 : vector<1x16xf32> to vector<16xf32>
      %add3A_356 = arith.addf %get3A_355, %get3A_315 : vector<16xf32>
      %swap3A_357 = arith.constant 0 : i32
      %swap3A_358 = arith.index_cast %swap3A_357 : i32 to index
      %swap3A_359 = arith.index_cast %mul3A_311 : i32 to index
      %swap3A_360 = tpu.vector_load %arg9[%swap3A_358, %swap3A_359] {strides = array<i32>} : memref<4x1024xf32, #tpu.memory_space<vmem>>, vector<1x16xf32>,
      %swap3A_361 = vector.shape_cast %swap3A_360 : vector<1x16xf32> to vector<16xf32>
      %swap3A_362 = vector.shape_cast %add3A_356 : vector<16xf32> to vector<1x16xf32>
      tpu.vector_store %arg9[%swap3A_358, %swap3A_359], %swap3A_362 {strides = array<i32>} : memref<4x1024xf32, #tpu.memory_space<vmem>>, vector<1x16xf32>,
      %mul3A_363 = arith.constant 4 : i32
      %mul3A_364 = arith.muli %scan3A_304, %mul3A_363 : i32
      %add3A_365 = arith.constant 1 : i32
      %add3A_366 = arith.addi %mul3A_364, %add3A_365 : i32
      %mul3A_367 = arith.constant 16 : i32
      %mul3A_368 = arith.muli %add3A_366, %mul3A_367 : i32
      %get3A_369 = arith.constant 0 : i32
      %get3A_370 = arith.index_cast %get3A_369 : i32 to index
      %get3A_371 = arith.index_cast %mul3A_368 : i32 to index
      %get3A_372 = tpu.vector_load %arg5[%get3A_370, %get3A_371] {strides = array<i32>} : memref<4x1024xf32, #tpu.memory_space<vmem>>, vector<1x16xf32>,
      %get3A_373 = vector.shape_cast %get3A_372 : vector<1x16xf32> to vector<16xf32>
      %get3A_374 = arith.constant 0 : i32
      %get3A_375 = arith.index_cast %get3A_374 : i32 to index
      %get3A_376 = arith.index_cast %mul3A_368 : i32 to index
      %get3A_377 = tpu.vector_load %arg6[%get3A_375, %get3A_376] {strides = array<i32>} : memref<4x1024xf32, #tpu.memory_space<vmem>>, vector<1x16xf32>,
      %get3A_378 = vector.shape_cast %get3A_377 : vector<1x16xf32> to vector<16xf32>
      %add3A_379 = arith.addf %get3A_378, %get3A_373 : vector<16xf32>
      %swap3A_380 = arith.constant 0 : i32
      %swap3A_381 = arith.index_cast %swap3A_380 : i32 to index
      %swap3A_382 = arith.index_cast %mul3A_368 : i32 to index
      %swap3A_383 = tpu.vector_load %arg6[%swap3A_381, %swap3A_382] {strides = array<i32>} : memref<4x1024xf32, #tpu.memory_space<vmem>>, vector<1x16xf32>,
      %swap3A_384 = vector.shape_cast %swap3A_383 : vector<1x16xf32> to vector<16xf32>
      %swap3A_385 = vector.shape_cast %add3A_379 : vector<16xf32> to vector<1x16xf32>
      tpu.vector_store %arg6[%swap3A_381, %swap3A_382], %swap3A_385 {strides = array<i32>} : memref<4x1024xf32, #tpu.memory_space<vmem>>, vector<1x16xf32>,
      %get3A_386 = arith.constant 0 : i32
      %get3A_387 = arith.index_cast %get3A_386 : i32 to index
      %get3A_388 = arith.index_cast %mul3A_368 : i32 to index
      %get3A_389 = tpu.vector_load %arg7[%get3A_387, %get3A_388] {strides = array<i32>} : memref<4x1024xf32, #tpu.memory_space<vmem>>, vector<1x16xf32>,
      %get3A_390 = vector.shape_cast %get3A_389 : vector<1x16xf32> to vector<16xf32>
      %add3A_391 = arith.addf %get3A_390, %get3A_373 : vector<16xf32>
      %swap3A_392 = arith.constant 0 : i32
      %swap3A_393 = arith.index_cast %swap3A_392 : i32 to index
      %swap3A_394 = arith.index_cast %mul3A_368 : i32 to index
      %swap3A_395 = tpu.vector_load %arg7[%swap3A_393, %swap3A_394] {strides = array<i32>} : memref<4x1024xf32, #tpu.memory_space<vmem>>, vector<1x16xf32>,
      %swap3A_396 = vector.shape_cast %swap3A_395 : vector<1x16xf32> to vector<16xf32>
      %swap3A_397 = vector.shape_cast %add3A_391 : vector<16xf32> to vector<1x16xf32>
      tpu.vector_store %arg7[%swap3A_393, %swap3A_394], %swap3A_397 {strides = array<i32>} : memref<4x1024xf32, #tpu.memory_space<vmem>>, vector<1x16xf32>,
      %get3A_398 = arith.constant 0 : i32
      %get3A_399 = arith.index_cast %get3A_398 : i32 to index
      %get3A_400 = arith.index_cast %mul3A_368 : i32 to index
      %get3A_401 = tpu.vector_load %arg8[%get3A_399, %get3A_400] {strides = array<i32>} : memref<4x1024xf32, #tpu.memory_space<vmem>>, vector<1x16xf32>,
      %get3A_402 = vector.shape_cast %get3A_401 : vector<1x16xf32> to vector<16xf32>
      %add3A_403 = arith.addf %get3A_402, %get3A_373 : vector<16xf32>
      %swap3A_404 = arith.constant 0 : i32
      %swap3A_405 = arith.index_cast %swap3A_404 : i32 to index
      %swap3A_406 = arith.index_cast %mul3A_368 : i32 to index
      %swap3A_407 = tpu.vector_load %arg8[%swap3A_405, %swap3A_406] {strides = array<i32>} : memref<4x1024xf32, #tpu.memory_space<vmem>>, vector<1x16xf32>,
      %swap3A_408 = vector.shape_cast %swap3A_407 : vector<1x16xf32> to vector<16xf32>
      %swap3A_409 = vector.shape_cast %add3A_403 : vector<16xf32> to vector<1x16xf32>
      tpu.vector_store %arg8[%swap3A_405, %swap3A_406], %swap3A_409 {strides = array<i32>} : memref<4x1024xf32, #tpu.memory_space<vmem>>, vector<1x16xf32>,
      %get3A_410 = arith.constant 0 : i32
      %get3A_411 = arith.index_cast %get3A_410 : i32 to index
      %get3A_412 = arith.index_cast %mul3A_368 : i32 to index
      %get3A_413 = tpu.vector_load %arg9[%get3A_411, %get3A_412] {strides = array<i32>} : memref<4x1024xf32, #tpu.memory_space<vmem>>, vector<1x16xf32>,
      %get3A_414 = vector.shape_cast %get3A_413 : vector<1x16xf32> to vector<16xf32>
      %add3A_415 = arith.addf %get3A_414, %get3A_373 : vector<16xf32>
      %swap3A_416 = arith.constant 0 : i32
      %swap3A_417 = arith.index_cast %swap3A_416 : i32 to index
      %swap3A_418 = arith.index_cast %mul3A_368 : i32 to index
      %swap3A_419 = tpu.vector_load %arg9[%swap3A_417, %swap3A_418] {strides = array<i32>} : memref<4x1024xf32, #tpu.memory_space<vmem>>, vector<1x16xf32>,
      %swap3A_420 = vector.shape_cast %swap3A_419 : vector<1x16xf32> to vector<16xf32>
      %swap3A_421 = vector.shape_cast %add3A_415 : vector<16xf32> to vector<1x16xf32>
      tpu.vector_store %arg9[%swap3A_417, %swap3A_418], %swap3A_421 {strides = array<i32>} : memref<4x1024xf32, #tpu.memory_space<vmem>>, vector<1x16xf32>,
      %mul3A_422 = arith.constant 4 : i32
      %mul3A_423 = arith.muli %scan3A_304, %mul3A_422 : i32
      %add3A_424 = arith.constant 2 : i32
      %add3A_425 = arith.addi %mul3A_423, %add3A_424 : i32
      %mul3A_426 = arith.constant 16 : i32
      %mul3A_427 = arith.muli %add3A_425, %mul3A_426 : i32
      %get3A_428 = arith.constant 0 : i32
      %get3A_429 = arith.index_cast %get3A_428 : i32 to index
      %get3A_430 = arith.index_cast %mul3A_427 : i32 to index
      %get3A_431 = tpu.vector_load %arg5[%get3A_429, %get3A_430] {strides = array<i32>} : memref<4x1024xf32, #tpu.memory_space<vmem>>, vector<1x16xf32>,
      %get3A_432 = vector.shape_cast %get3A_431 : vector<1x16xf32> to vector<16xf32>
      %get3A_433 = arith.constant 0 : i32
      %get3A_434 = arith.index_cast %get3A_433 : i32 to index
      %get3A_435 = arith.index_cast %mul3A_427 : i32 to index
      %get3A_436 = tpu.vector_load %arg6[%get3A_434, %get3A_435] {strides = array<i32>} : memref<4x1024xf32, #tpu.memory_space<vmem>>, vector<1x16xf32>,
      %get3A_437 = vector.shape_cast %get3A_436 : vector<1x16xf32> to vector<16xf32>
      %add3A_438 = arith.addf %get3A_437, %get3A_432 : vector<16xf32>
      %swap3A_439 = arith.constant 0 : i32
      %swap3A_440 = arith.index_cast %swap3A_439 : i32 to index
      %swap3A_441 = arith.index_cast %mul3A_427 : i32 to index
      %swap3A_442 = tpu.vector_load %arg6[%swap3A_440, %swap3A_441] {strides = array<i32>} : memref<4x1024xf32, #tpu.memory_space<vmem>>, vector<1x16xf32>,
      %swap3A_443 = vector.shape_cast %swap3A_442 : vector<1x16xf32> to vector<16xf32>
      %swap3A_444 = vector.shape_cast %add3A_438 : vector<16xf32> to vector<1x16xf32>
      tpu.vector_store %arg6[%swap3A_440, %swap3A_441], %swap3A_444 {strides = array<i32>} : memref<4x1024xf32, #tpu.memory_space<vmem>>, vector<1x16xf32>,
      %get3A_445 = arith.constant 0 : i32
      %get3A_446 = arith.index_cast %get3A_445 : i32 to index
      %get3A_447 = arith.index_cast %mul3A_427 : i32 to index
      %get3A_448 = tpu.vector_load %arg7[%get3A_446, %get3A_447] {strides = array<i32>} : memref<4x1024xf32, #tpu.memory_space<vmem>>, vector<1x16xf32>,
      %get3A_449 = vector.shape_cast %get3A_448 : vector<1x16xf32> to vector<16xf32>
      %add3A_450 = arith.addf %get3A_449, %get3A_432 : vector<16xf32>
      %swap3A_451 = arith.constant 0 : i32
      %swap3A_452 = arith.index_cast %swap3A_451 : i32 to index
      %swap3A_453 = arith.index_cast %mul3A_427 : i32 to index
      %swap3A_454 = tpu.vector_load %arg7[%swap3A_452, %swap3A_453] {strides = array<i32>} : memref<4x1024xf32, #tpu.memory_space<vmem>>, vector<1x16xf32>,
      %swap3A_455 = vector.shape_cast %swap3A_454 : vector<1x16xf32> to vector<16xf32>
      %swap3A_456 = vector.shape_cast %add3A_450 : vector<16xf32> to vector<1x16xf32>
      tpu.vector_store %arg7[%swap3A_452, %swap3A_453], %swap3A_456 {strides = array<i32>} : memref<4x1024xf32, #tpu.memory_space<vmem>>, vector<1x16xf32>,
      %get3A_457 = arith.constant 0 : i32
      %get3A_458 = arith.index_cast %get3A_457 : i32 to index
      %get3A_459 = arith.index_cast %mul3A_427 : i32 to index
      %get3A_460 = tpu.vector_load %arg8[%get3A_458, %get3A_459] {strides = array<i32>} : memref<4x1024xf32, #tpu.memory_space<vmem>>, vector<1x16xf32>,
      %get3A_461 = vector.shape_cast %get3A_460 : vector<1x16xf32> to vector<16xf32>
      %add3A_462 = arith.addf %get3A_461, %get3A_432 : vector<16xf32>
      %swap3A_463 = arith.constant 0 : i32
      %swap3A_464 = arith.index_cast %swap3A_463 : i32 to index
      %swap3A_465 = arith.index_cast %mul3A_427 : i32 to index
      %swap3A_466 = tpu.vector_load %arg8[%swap3A_464, %swap3A_465] {strides = array<i32>} : memref<4x1024xf32, #tpu.memory_space<vmem>>, vector<1x16xf32>,
      %swap3A_467 = vector.shape_cast %swap3A_466 : vector<1x16xf32> to vector<16xf32>
      %swap3A_468 = vector.shape_cast %add3A_462 : vector<16xf32> to vector<1x16xf32>
      tpu.vector_store %arg8[%swap3A_464, %swap3A_465], %swap3A_468 {strides = array<i32>} : memref<4x1024xf32, #tpu.memory_space<vmem>>, vector<1x16xf32>,
      %get3A_469 = arith.constant 0 : i32
      %get3A_470 = arith.index_cast %get3A_469 : i32 to index
      %get3A_471 = arith.index_cast %mul3A_427 : i32 to index
      %get3A_472 = tpu.vector_load %arg9[%get3A_470, %get3A_471] {strides = array<i32>} : memref<4x1024xf32, #tpu.memory_space<vmem>>, vector<1x16xf32>,
      %get3A_473 = vector.shape_cast %get3A_472 : vector<1x16xf32> to vector<16xf32>
      %add3A_474 = arith.addf %get3A_473, %get3A_432 : vector<16xf32>
      %swap3A_475 = arith.constant 0 : i32
      %swap3A_476 = arith.index_cast %swap3A_475 : i32 to index
      %swap3A_477 = arith.index_cast %mul3A_427 : i32 to index
      %swap3A_478 = tpu.vector_load %arg9[%swap3A_476, %swap3A_477] {strides = array<i32>} : memref<4x1024xf32, #tpu.memory_space<vmem>>, vector<1x16xf32>,
      %swap3A_479 = vector.shape_cast %swap3A_478 : vector<1x16xf32> to vector<16xf32>
      %swap3A_480 = vector.shape_cast %add3A_474 : vector<16xf32> to vector<1x16xf32>
      tpu.vector_store %arg9[%swap3A_476, %swap3A_477], %swap3A_480 {strides = array<i32>} : memref<4x1024xf32, #tpu.memory_space<vmem>>, vector<1x16xf32>,
      %mul3A_481 = arith.constant 4 : i32
      %mul3A_482 = arith.muli %scan3A_304, %mul3A_481 : i32
      %add3A_483 = arith.constant 3 : i32
      %add3A_484 = arith.addi %mul3A_482, %add3A_483 : i32
      %mul3A_485 = arith.constant 16 : i32
      %mul3A_486 = arith.muli %add3A_484, %mul3A_485 : i32
      %get3A_487 = arith.constant 0 : i32
      %get3A_488 = arith.index_cast %get3A_487 : i32 to index
      %get3A_489 = arith.index_cast %mul3A_486 : i32 to index
      %get3A_490 = tpu.vector_load %arg5[%get3A_488, %get3A_489] {strides = array<i32>} : memref<4x1024xf32, #tpu.memory_space<vmem>>, vector<1x16xf32>,
      %get3A_491 = vector.shape_cast %get3A_490 : vector<1x16xf32> to vector<16xf32>
      %get3A_492 = arith.constant 0 : i32
      %get3A_493 = arith.index_cast %get3A_492 : i32 to index
      %get3A_494 = arith.index_cast %mul3A_486 : i32 to index
      %get3A_495 = tpu.vector_load %arg6[%get3A_493, %get3A_494] {strides = array<i32>} : memref<4x1024xf32, #tpu.memory_space<vmem>>, vector<1x16xf32>,
      %get3A_496 = vector.shape_cast %get3A_495 : vector<1x16xf32> to vector<16xf32>
      %add3A_497 = arith.addf %get3A_496, %get3A_491 : vector<16xf32>
      %swap3A_498 = arith.constant 0 : i32
      %swap3A_499 = arith.index_cast %swap3A_498 : i32 to index
      %swap3A_500 = arith.index_cast %mul3A_486 : i32 to index
      %swap3A_501 = tpu.vector_load %arg6[%swap3A_499, %swap3A_500] {strides = array<i32>} : memref<4x1024xf32, #tpu.memory_space<vmem>>, vector<1x16xf32>,
      %swap3A_502 = vector.shape_cast %swap3A_501 : vector<1x16xf32> to vector<16xf32>
      %swap3A_503 = vector.shape_cast %add3A_497 : vector<16xf32> to vector<1x16xf32>
      tpu.vector_store %arg6[%swap3A_499, %swap3A_500], %swap3A_503 {strides = array<i32>} : memref<4x1024xf32, #tpu.memory_space<vmem>>, vector<1x16xf32>,
      %get3A_504 = arith.constant 0 : i32
      %get3A_505 = arith.index_cast %get3A_504 : i32 to index
      %get3A_506 = arith.index_cast %mul3A_486 : i32 to index
      %get3A_507 = tpu.vector_load %arg7[%get3A_505, %get3A_506] {strides = array<i32>} : memref<4x1024xf32, #tpu.memory_space<vmem>>, vector<1x16xf32>,
      %get3A_508 = vector.shape_cast %get3A_507 : vector<1x16xf32> to vector<16xf32>
      %add3A_509 = arith.addf %get3A_508, %get3A_491 : vector<16xf32>
      %swap3A_510 = arith.constant 0 : i32
      %swap3A_511 = arith.index_cast %swap3A_510 : i32 to index
      %swap3A_512 = arith.index_cast %mul3A_486 : i32 to index
      %swap3A_513 = tpu.vector_load %arg7[%swap3A_511, %swap3A_512] {strides = array<i32>} : memref<4x1024xf32, #tpu.memory_space<vmem>>, vector<1x16xf32>,
      %swap3A_514 = vector.shape_cast %swap3A_513 : vector<1x16xf32> to vector<16xf32>
      %swap3A_515 = vector.shape_cast %add3A_509 : vector<16xf32> to vector<1x16xf32>
      tpu.vector_store %arg7[%swap3A_511, %swap3A_512], %swap3A_515 {strides = array<i32>} : memref<4x1024xf32, #tpu.memory_space<vmem>>, vector<1x16xf32>,
      %get3A_516 = arith.constant 0 : i32
      %get3A_517 = arith.index_cast %get3A_516 : i32 to index
      %get3A_518 = arith.index_cast %mul3A_486 : i32 to index
      %get3A_519 = tpu.vector_load %arg8[%get3A_517, %get3A_518] {strides = array<i32>} : memref<4x1024xf32, #tpu.memory_space<vmem>>, vector<1x16xf32>,
      %get3A_520 = vector.shape_cast %get3A_519 : vector<1x16xf32> to vector<16xf32>
      %add3A_521 = arith.addf %get3A_520, %get3A_491 : vector<16xf32>
      %swap3A_522 = arith.constant 0 : i32
      %swap3A_523 = arith.index_cast %swap3A_522 : i32 to index
      %swap3A_524 = arith.index_cast %mul3A_486 : i32 to index
      %swap3A_525 = tpu.vector_load %arg8[%swap3A_523, %swap3A_524] {strides = array<i32>} : memref<4x1024xf32, #tpu.memory_space<vmem>>, vector<1x16xf32>,
      %swap3A_526 = vector.shape_cast %swap3A_525 : vector<1x16xf32> to vector<16xf32>
      %swap3A_527 = vector.shape_cast %add3A_521 : vector<16xf32> to vector<1x16xf32>
      tpu.vector_store %arg8[%swap3A_523, %swap3A_524], %swap3A_527 {strides = array<i32>} : memref<4x1024xf32, #tpu.memory_space<vmem>>, vector<1x16xf32>,
      %get3A_528 = arith.constant 0 : i32
      %get3A_529 = arith.index_cast %get3A_528 : i32 to index
      %get3A_530 = arith.index_cast %mul3A_486 : i32 to index
      %get3A_531 = tpu.vector_load %arg9[%get3A_529, %get3A_530] {strides = array<i32>} : memref<4x1024xf32, #tpu.memory_space<vmem>>, vector<1x16xf32>,
      %get3A_532 = vector.shape_cast %get3A_531 : vector<1x16xf32> to vector<16xf32>
      %add3A_533 = arith.addf %get3A_532, %get3A_491 : vector<16xf32>
      %swap3A_534 = arith.constant 0 : i32
      %swap3A_535 = arith.index_cast %swap3A_534 : i32 to index
      %swap3A_536 = arith.index_cast %mul3A_486 : i32 to index
      %swap3A_537 = tpu.vector_load %arg9[%swap3A_535, %swap3A_536] {strides = array<i32>} : memref<4x1024xf32, #tpu.memory_space<vmem>>, vector<1x16xf32>,
      %swap3A_538 = vector.shape_cast %swap3A_537 : vector<1x16xf32> to vector<16xf32>
      %swap3A_539 = vector.shape_cast %add3A_533 : vector<16xf32> to vector<1x16xf32>
      tpu.vector_store %arg9[%swap3A_535, %swap3A_536], %swap3A_539 {strides = array<i32>} : memref<4x1024xf32, #tpu.memory_space<vmem>>, vector<1x16xf32>,
      %scan3A_540 = arith.constant 0 : i32
      scf.yield %scan3A_540 : i32
    }
    %scan3A_108 = arith.constant 16 : i32
    %scan3A_109 = arith.constant 0 : i32
    %scan3A_110 = arith.constant 0 : i32
    %scan3A_111 = arith.constant 16 : i32
    %scan3A_112 = arith.addi %scan3A_110, %scan3A_111 : i32
    %scan3A_113 = arith.constant 1 : i32
    %scan3A_114 = scf.for %scan3A_304 = %scan3A_110 to %scan3A_112 step %scan3A_113 iter_args(%scan3A_305 = %scan3A_109) -> (i32)  : i32 {
      %mul3A_306 = arith.constant 4 : i32
      %mul3A_307 = arith.muli %scan3A_304, %mul3A_306 : i32
      %add3A_308 = arith.constant 0 : i32
      %add3A_309 = arith.addi %mul3A_307, %add3A_308 : i32
      %mul3A_310 = arith.constant 16 : i32
      %mul3A_311 = arith.muli %add3A_309, %mul3A_310 : i32
      %get3A = arith.constant 1 : i32
      %get3A_312 = arith.index_cast %get3A : i32 to index
      %get3A_313 = arith.index_cast %mul3A_311 : i32 to index
      %get3A_314 = tpu.vector_load %arg5[%get3A_312, %get3A_313] {strides = array<i32>} : memref<4x1024xf32, #tpu.memory_space<vmem>>, vector<1x16xf32>,
      %get3A_315 = vector.shape_cast %get3A_314 : vector<1x16xf32> to vector<16xf32>
      %get3A_316 = arith.constant 1 : i32
      %get3A_317 = arith.index_cast %get3A_316 : i32 to index
      %get3A_318 = arith.index_cast %mul3A_311 : i32 to index
      %get3A_319 = tpu.vector_load %arg6[%get3A_317, %get3A_318] {strides = array<i32>} : memref<4x1024xf32, #tpu.memory_space<vmem>>, vector<1x16xf32>,
      %get3A_320 = vector.shape_cast %get3A_319 : vector<1x16xf32> to vector<16xf32>
      %add3A_321 = arith.addf %get3A_320, %get3A_315 : vector<16xf32>
      %swap3A = arith.constant 1 : i32
      %swap3A_322 = arith.index_cast %swap3A : i32 to index
      %swap3A_323 = arith.index_cast %mul3A_311 : i32 to index
      %swap3A_324 = tpu.vector_load %arg6[%swap3A_322, %swap3A_323] {strides = array<i32>} : memref<4x1024xf32, #tpu.memory_space<vmem>>, vector<1x16xf32>,
      %swap3A_325 = vector.shape_cast %swap3A_324 : vector<1x16xf32> to vector<16xf32>
      %swap3A_326 = vector.shape_cast %add3A_321 : vector<16xf32> to vector<1x16xf32>
      tpu.vector_store %arg6[%swap3A_322, %swap3A_323], %swap3A_326 {strides = array<i32>} : memref<4x1024xf32, #tpu.memory_space<vmem>>, vector<1x16xf32>,
      %get3A_327 = arith.constant 1 : i32
      %get3A_328 = arith.index_cast %get3A_327 : i32 to index
      %get3A_329 = arith.index_cast %mul3A_311 : i32 to index
      %get3A_330 = tpu.vector_load %arg7[%get3A_328, %get3A_329] {strides = array<i32>} : memref<4x1024xf32, #tpu.memory_space<vmem>>, vector<1x16xf32>,
      %get3A_331 = vector.shape_cast %get3A_330 : vector<1x16xf32> to vector<16xf32>
      %add3A_332 = arith.addf %get3A_331, %get3A_315 : vector<16xf32>
      %swap3A_333 = arith.constant 1 : i32
      %swap3A_334 = arith.index_cast %swap3A_333 : i32 to index
      %swap3A_335 = arith.index_cast %mul3A_311 : i32 to index
      %swap3A_336 = tpu.vector_load %arg7[%swap3A_334, %swap3A_335] {strides = array<i32>} : memref<4x1024xf32, #tpu.memory_space<vmem>>, vector<1x16xf32>,
      %swap3A_337 = vector.shape_cast %swap3A_336 : vector<1x16xf32> to vector<16xf32>
      %swap3A_338 = vector.shape_cast %add3A_332 : vector<16xf32> to vector<1x16xf32>
      tpu.vector_store %arg7[%swap3A_334, %swap3A_335], %swap3A_338 {strides = array<i32>} : memref<4x1024xf32, #tpu.memory_space<vmem>>, vector<1x16xf32>,
      %get3A_339 = arith.constant 1 : i32
      %get3A_340 = arith.index_cast %get3A_339 : i32 to index
      %get3A_341 = arith.index_cast %mul3A_311 : i32 to index
      %get3A_342 = tpu.vector_load %arg8[%get3A_340, %get3A_341] {strides = array<i32>} : memref<4x1024xf32, #tpu.memory_space<vmem>>, vector<1x16xf32>,
      %get3A_343 = vector.shape_cast %get3A_342 : vector<1x16xf32> to vector<16xf32>
      %add3A_344 = arith.addf %get3A_343, %get3A_315 : vector<16xf32>
      %swap3A_345 = arith.constant 1 : i32
      %swap3A_346 = arith.index_cast %swap3A_345 : i32 to index
      %swap3A_347 = arith.index_cast %mul3A_311 : i32 to index
      %swap3A_348 = tpu.vector_load %arg8[%swap3A_346, %swap3A_347] {strides = array<i32>} : memref<4x1024xf32, #tpu.memory_space<vmem>>, vector<1x16xf32>,
      %swap3A_349 = vector.shape_cast %swap3A_348 : vector<1x16xf32> to vector<16xf32>
      %swap3A_350 = vector.shape_cast %add3A_344 : vector<16xf32> to vector<1x16xf32>
      tpu.vector_store %arg8[%swap3A_346, %swap3A_347], %swap3A_350 {strides = array<i32>} : memref<4x1024xf32, #tpu.memory_space<vmem>>, vector<1x16xf32>,
      %get3A_351 = arith.constant 1 : i32
      %get3A_352 = arith.index_cast %get3A_351 : i32 to index
      %get3A_353 = arith.index_cast %mul3A_311 : i32 to index
      %get3A_354 = tpu.vector_load %arg9[%get3A_352, %get3A_353] {strides = array<i32>} : memref<4x1024xf32, #tpu.memory_space<vmem>>, vector<1x16xf32>,
      %get3A_355 = vector.shape_cast %get3A_354 : vector<1x16xf32> to vector<16xf32>
      %add3A_356 = arith.addf %get3A_355, %get3A_315 : vector<16xf32>
      %swap3A_357 = arith.constant 1 : i32
      %swap3A_358 = arith.index_cast %swap3A_357 : i32 to index
      %swap3A_359 = arith.index_cast %mul3A_311 : i32 to index
      %swap3A_360 = tpu.vector_load %arg9[%swap3A_358, %swap3A_359] {strides = array<i32>} : memref<4x1024xf32, #tpu.memory_space<vmem>>, vector<1x16xf32>,
      %swap3A_361 = vector.shape_cast %swap3A_360 : vector<1x16xf32> to vector<16xf32>
      %swap3A_362 = vector.shape_cast %add3A_356 : vector<16xf32> to vector<1x16xf32>
      tpu.vector_store %arg9[%swap3A_358, %swap3A_359], %swap3A_362 {strides = array<i32>} : memref<4x1024xf32, #tpu.memory_space<vmem>>, vector<1x16xf32>,
      %mul3A_363 = arith.constant 4 : i32
      %mul3A_364 = arith.muli %scan3A_304, %mul3A_363 : i32
      %add3A_365 = arith.constant 1 : i32
      %add3A_366 = arith.addi %mul3A_364, %add3A_365 : i32
      %mul3A_367 = arith.constant 16 : i32
      %mul3A_368 = arith.muli %add3A_366, %mul3A_367 : i32
      %get3A_369 = arith.constant 1 : i32
      %get3A_370 = arith.index_cast %get3A_369 : i32 to index
      %get3A_371 = arith.index_cast %mul3A_368 : i32 to index
      %get3A_372 = tpu.vector_load %arg5[%get3A_370, %get3A_371] {strides = array<i32>} : memref<4x1024xf32, #tpu.memory_space<vmem>>, vector<1x16xf32>,
      %get3A_373 = vector.shape_cast %get3A_372 : vector<1x16xf32> to vector<16xf32>
      %get3A_374 = arith.constant 1 : i32
      %get3A_375 = arith.index_cast %get3A_374 : i32 to index
      %get3A_376 = arith.index_cast %mul3A_368 : i32 to index
      %get3A_377 = tpu.vector_load %arg6[%get3A_375, %get3A_376] {strides = array<i32>} : memref<4x1024xf32, #tpu.memory_space<vmem>>, vector<1x16xf32>,
      %get3A_378 = vector.shape_cast %get3A_377 : vector<1x16xf32> to vector<16xf32>
      %add3A_379 = arith.addf %get3A_378, %get3A_373 : vector<16xf32>
      %swap3A_380 = arith.constant 1 : i32
      %swap3A_381 = arith.index_cast %swap3A_380 : i32 to index
      %swap3A_382 = arith.index_cast %mul3A_368 : i32 to index
      %swap3A_383 = tpu.vector_load %arg6[%swap3A_381, %swap3A_382] {strides = array<i32>} : memref<4x1024xf32, #tpu.memory_space<vmem>>, vector<1x16xf32>,
      %swap3A_384 = vector.shape_cast %swap3A_383 : vector<1x16xf32> to vector<16xf32>
      %swap3A_385 = vector.shape_cast %add3A_379 : vector<16xf32> to vector<1x16xf32>
      tpu.vector_store %arg6[%swap3A_381, %swap3A_382], %swap3A_385 {strides = array<i32>} : memref<4x1024xf32, #tpu.memory_space<vmem>>, vector<1x16xf32>,
      %get3A_386 = arith.constant 1 : i32
      %get3A_387 = arith.index_cast %get3A_386 : i32 to index
      %get3A_388 = arith.index_cast %mul3A_368 : i32 to index
      %get3A_389 = tpu.vector_load %arg7[%get3A_387, %get3A_388] {strides = array<i32>} : memref<4x1024xf32, #tpu.memory_space<vmem>>, vector<1x16xf32>,
      %get3A_390 = vector.shape_cast %get3A_389 : vector<1x16xf32> to vector<16xf32>
      %add3A_391 = arith.addf %get3A_390, %get3A_373 : vector<16xf32>
      %swap3A_392 = arith.constant 1 : i32
      %swap3A_393 = arith.index_cast %swap3A_392 : i32 to index
      %swap3A_394 = arith.index_cast %mul3A_368 : i32 to index
      %swap3A_395 = tpu.vector_load %arg7[%swap3A_393, %swap3A_394] {strides = array<i32>} : memref<4x1024xf32, #tpu.memory_space<vmem>>, vector<1x16xf32>,
      %swap3A_396 = vector.shape_cast %swap3A_395 : vector<1x16xf32> to vector<16xf32>
      %swap3A_397 = vector.shape_cast %add3A_391 : vector<16xf32> to vector<1x16xf32>
      tpu.vector_store %arg7[%swap3A_393, %swap3A_394], %swap3A_397 {strides = array<i32>} : memref<4x1024xf32, #tpu.memory_space<vmem>>, vector<1x16xf32>,
      %get3A_398 = arith.constant 1 : i32
      %get3A_399 = arith.index_cast %get3A_398 : i32 to index
      %get3A_400 = arith.index_cast %mul3A_368 : i32 to index
      %get3A_401 = tpu.vector_load %arg8[%get3A_399, %get3A_400] {strides = array<i32>} : memref<4x1024xf32, #tpu.memory_space<vmem>>, vector<1x16xf32>,
      %get3A_402 = vector.shape_cast %get3A_401 : vector<1x16xf32> to vector<16xf32>
      %add3A_403 = arith.addf %get3A_402, %get3A_373 : vector<16xf32>
      %swap3A_404 = arith.constant 1 : i32
      %swap3A_405 = arith.index_cast %swap3A_404 : i32 to index
      %swap3A_406 = arith.index_cast %mul3A_368 : i32 to index
      %swap3A_407 = tpu.vector_load %arg8[%swap3A_405, %swap3A_406] {strides = array<i32>} : memref<4x1024xf32, #tpu.memory_space<vmem>>, vector<1x16xf32>,
      %swap3A_408 = vector.shape_cast %swap3A_407 : vector<1x16xf32> to vector<16xf32>
      %swap3A_409 = vector.shape_cast %add3A_403 : vector<16xf32> to vector<1x16xf32>
      tpu.vector_store %arg8[%swap3A_405, %swap3A_406], %swap3A_409 {strides = array<i32>} : memref<4x1024xf32, #tpu.memory_space<vmem>>, vector<1x16xf32>,
      %get3A_410 = arith.constant 1 : i32
      %get3A_411 = arith.index_cast %get3A_410 : i32 to index
      %get3A_412 = arith.index_cast %mul3A_368 : i32 to index
      %get3A_413 = tpu.vector_load %arg9[%get3A_411, %get3A_412] {strides = array<i32>} : memref<4x1024xf32, #tpu.memory_space<vmem>>, vector<1x16xf32>,
      %get3A_414 = vector.shape_cast %get3A_413 : vector<1x16xf32> to vector<16xf32>
      %add3A_415 = arith.addf %get3A_414, %get3A_373 : vector<16xf32>
      %swap3A_416 = arith.constant 1 : i32
      %swap3A_417 = arith.index_cast %swap3A_416 : i32 to index
      %swap3A_418 = arith.index_cast %mul3A_368 : i32 to index
      %swap3A_419 = tpu.vector_load %arg9[%swap3A_417, %swap3A_418] {strides = array<i32>} : memref<4x1024xf32, #tpu.memory_space<vmem>>, vector<1x16xf32>,
      %swap3A_420 = vector.shape_cast %swap3A_419 : vector<1x16xf32> to vector<16xf32>
      %swap3A_421 = vector.shape_cast %add3A_415 : vector<16xf32> to vector<1x16xf32>
      tpu.vector_store %arg9[%swap3A_417, %swap3A_418], %swap3A_421 {strides = array<i32>} : memref<4x1024xf32, #tpu.memory_space<vmem>>, vector<1x16xf32>,
      %mul3A_422 = arith.constant 4 : i32
      %mul3A_423 = arith.muli %scan3A_304, %mul3A_422 : i32
      %add3A_424 = arith.constant 2 : i32
      %add3A_425 = arith.addi %mul3A_423, %add3A_424 : i32
      %mul3A_426 = arith.constant 16 : i32
      %mul3A_427 = arith.muli %add3A_425, %mul3A_426 : i32
      %get3A_428 = arith.constant 1 : i32
      %get3A_429 = arith.index_cast %get3A_428 : i32 to index
      %get3A_430 = arith.index_cast %mul3A_427 : i32 to index
      %get3A_431 = tpu.vector_load %arg5[%get3A_429, %get3A_430] {strides = array<i32>} : memref<4x1024xf32, #tpu.memory_space<vmem>>, vector<1x16xf32>,
      %get3A_432 = vector.shape_cast %get3A_431 : vector<1x16xf32> to vector<16xf32>
      %get3A_433 = arith.constant 1 : i32
      %get3A_434 = arith.index_cast %get3A_433 : i32 to index
      %get3A_435 = arith.index_cast %mul3A_427 : i32 to index
      %get3A_436 = tpu.vector_load %arg6[%get3A_434, %get3A_435] {strides = array<i32>} : memref<4x1024xf32, #tpu.memory_space<vmem>>, vector<1x16xf32>,
      %get3A_437 = vector.shape_cast %get3A_436 : vector<1x16xf32> to vector<16xf32>
      %add3A_438 = arith.addf %get3A_437, %get3A_432 : vector<16xf32>
      %swap3A_439 = arith.constant 1 : i32
      %swap3A_440 = arith.index_cast %swap3A_439 : i32 to index
      %swap3A_441 = arith.index_cast %mul3A_427 : i32 to index
      %swap3A_442 = tpu.vector_load %arg6[%swap3A_440, %swap3A_441] {strides = array<i32>} : memref<4x1024xf32, #tpu.memory_space<vmem>>, vector<1x16xf32>,
      %swap3A_443 = vector.shape_cast %swap3A_442 : vector<1x16xf32> to vector<16xf32>
      %swap3A_444 = vector.shape_cast %add3A_438 : vector<16xf32> to vector<1x16xf32>
      tpu.vector_store %arg6[%swap3A_440, %swap3A_441], %swap3A_444 {strides = array<i32>} : memref<4x1024xf32, #tpu.memory_space<vmem>>, vector<1x16xf32>,
      %get3A_445 = arith.constant 1 : i32
      %get3A_446 = arith.index_cast %get3A_445 : i32 to index
      %get3A_447 = arith.index_cast %mul3A_427 : i32 to index
      %get3A_448 = tpu.vector_load %arg7[%get3A_446, %get3A_447] {strides = array<i32>} : memref<4x1024xf32, #tpu.memory_space<vmem>>, vector<1x16xf32>,
      %get3A_449 = vector.shape_cast %get3A_448 : vector<1x16xf32> to vector<16xf32>
      %add3A_450 = arith.addf %get3A_449, %get3A_432 : vector<16xf32>
      %swap3A_451 = arith.constant 1 : i32
      %swap3A_452 = arith.index_cast %swap3A_451 : i32 to index
      %swap3A_453 = arith.index_cast %mul3A_427 : i32 to index
      %swap3A_454 = tpu.vector_load %arg7[%swap3A_452, %swap3A_453] {strides = array<i32>} : memref<4x1024xf32, #tpu.memory_space<vmem>>, vector<1x16xf32>,
      %swap3A_455 = vector.shape_cast %swap3A_454 : vector<1x16xf32> to vector<16xf32>
      %swap3A_456 = vector.shape_cast %add3A_450 : vector<16xf32> to vector<1x16xf32>
      tpu.vector_store %arg7[%swap3A_452, %swap3A_453], %swap3A_456 {strides = array<i32>} : memref<4x1024xf32, #tpu.memory_space<vmem>>, vector<1x16xf32>,
      %get3A_457 = arith.constant 1 : i32
      %get3A_458 = arith.index_cast %get3A_457 : i32 to index
      %get3A_459 = arith.index_cast %mul3A_427 : i32 to index
      %get3A_460 = tpu.vector_load %arg8[%get3A_458, %get3A_459] {strides = array<i32>} : memref<4x1024xf32, #tpu.memory_space<vmem>>, vector<1x16xf32>,
      %get3A_461 = vector.shape_cast %get3A_460 : vector<1x16xf32> to vector<16xf32>
      %add3A_462 = arith.addf %get3A_461, %get3A_432 : vector<16xf32>
      %swap3A_463 = arith.constant 1 : i32
      %swap3A_464 = arith.index_cast %swap3A_463 : i32 to index
      %swap3A_465 = arith.index_cast %mul3A_427 : i32 to index
      %swap3A_466 = tpu.vector_load %arg8[%swap3A_464, %swap3A_465] {strides = array<i32>} : memref<4x1024xf32, #tpu.memory_space<vmem>>, vector<1x16xf32>,
      %swap3A_467 = vector.shape_cast %swap3A_466 : vector<1x16xf32> to vector<16xf32>
      %swap3A_468 = vector.shape_cast %add3A_462 : vector<16xf32> to vector<1x16xf32>
      tpu.vector_store %arg8[%swap3A_464, %swap3A_465], %swap3A_468 {strides = array<i32>} : memref<4x1024xf32, #tpu.memory_space<vmem>>, vector<1x16xf32>,
      %get3A_469 = arith.constant 1 : i32
      %get3A_470 = arith.index_cast %get3A_469 : i32 to index
      %get3A_471 = arith.index_cast %mul3A_427 : i32 to index
      %get3A_472 = tpu.vector_load %arg9[%get3A_470, %get3A_471] {strides = array<i32>} : memref<4x1024xf32, #tpu.memory_space<vmem>>, vector<1x16xf32>,
      %get3A_473 = vector.shape_cast %get3A_472 : vector<1x16xf32> to vector<16xf32>
      %add3A_474 = arith.addf %get3A_473, %get3A_432 : vector<16xf32>
      %swap3A_475 = arith.constant 1 : i32
      %swap3A_476 = arith.index_cast %swap3A_475 : i32 to index
      %swap3A_477 = arith.index_cast %mul3A_427 : i32 to index
      %swap3A_478 = tpu.vector_load %arg9[%swap3A_476, %swap3A_477] {strides = array<i32>} : memref<4x1024xf32, #tpu.memory_space<vmem>>, vector<1x16xf32>,
      %swap3A_479 = vector.shape_cast %swap3A_478 : vector<1x16xf32> to vector<16xf32>
      %swap3A_480 = vector.shape_cast %add3A_474 : vector<16xf32> to vector<1x16xf32>
      tpu.vector_store %arg9[%swap3A_476, %swap3A_477], %swap3A_480 {strides = array<i32>} : memref<4x1024xf32, #tpu.memory_space<vmem>>, vector<1x16xf32>,
      %mul3A_481 = arith.constant 4 : i32
      %mul3A_482 = arith.muli %scan3A_304, %mul3A_481 : i32
      %add3A_483 = arith.constant 3 : i32
      %add3A_484 = arith.addi %mul3A_482, %add3A_483 : i32
      %mul3A_485 = arith.constant 16 : i32
      %mul3A_486 = arith.muli %add3A_484, %mul3A_485 : i32
      %get3A_487 = arith.constant 1 : i32
      %get3A_488 = arith.index_cast %get3A_487 : i32 to index
      %get3A_489 = arith.index_cast %mul3A_486 : i32 to index
      %get3A_490 = tpu.vector_load %arg5[%get3A_488, %get3A_489] {strides = array<i32>} : memref<4x1024xf32, #tpu.memory_space<vmem>>, vector<1x16xf32>,
      %get3A_491 = vector.shape_cast %get3A_490 : vector<1x16xf32> to vector<16xf32>
      %get3A_492 = arith.constant 1 : i32
      %get3A_493 = arith.index_cast %get3A_492 : i32 to index
      %get3A_494 = arith.index_cast %mul3A_486 : i32 to index
      %get3A_495 = tpu.vector_load %arg6[%get3A_493, %get3A_494] {strides = array<i32>} : memref<4x1024xf32, #tpu.memory_space<vmem>>, vector<1x16xf32>,
      %get3A_496 = vector.shape_cast %get3A_495 : vector<1x16xf32> to vector<16xf32>
      %add3A_497 = arith.addf %get3A_496, %get3A_491 : vector<16xf32>
      %swap3A_498 = arith.constant 1 : i32
      %swap3A_499 = arith.index_cast %swap3A_498 : i32 to index
      %swap3A_500 = arith.index_cast %mul3A_486 : i32 to index
      %swap3A_501 = tpu.vector_load %arg6[%swap3A_499, %swap3A_500] {strides = array<i32>} : memref<4x1024xf32, #tpu.memory_space<vmem>>, vector<1x16xf32>,
      %swap3A_502 = vector.shape_cast %swap3A_501 : vector<1x16xf32> to vector<16xf32>
      %swap3A_503 = vector.shape_cast %add3A_497 : vector<16xf32> to vector<1x16xf32>
      tpu.vector_store %arg6[%swap3A_499, %swap3A_500], %swap3A_503 {strides = array<i32>} : memref<4x1024xf32, #tpu.memory_space<vmem>>, vector<1x16xf32>,
      %get3A_504 = arith.constant 1 : i32
      %get3A_505 = arith.index_cast %get3A_504 : i32 to index
      %get3A_506 = arith.index_cast %mul3A_486 : i32 to index
      %get3A_507 = tpu.vector_load %arg7[%get3A_505, %get3A_506] {strides = array<i32>} : memref<4x1024xf32, #tpu.memory_space<vmem>>, vector<1x16xf32>,
      %get3A_508 = vector.shape_cast %get3A_507 : vector<1x16xf32> to vector<16xf32>
      %add3A_509 = arith.addf %get3A_508, %get3A_491 : vector<16xf32>
      %swap3A_510 = arith.constant 1 : i32
      %swap3A_511 = arith.index_cast %swap3A_510 : i32 to index
      %swap3A_512 = arith.index_cast %mul3A_486 : i32 to index
      %swap3A_513 = tpu.vector_load %arg7[%swap3A_511, %swap3A_512] {strides = array<i32>} : memref<4x1024xf32, #tpu.memory_space<vmem>>, vector<1x16xf32>,
      %swap3A_514 = vector.shape_cast %swap3A_513 : vector<1x16xf32> to vector<16xf32>
      %swap3A_515 = vector.shape_cast %add3A_509 : vector<16xf32> to vector<1x16xf32>
      tpu.vector_store %arg7[%swap3A_511, %swap3A_512], %swap3A_515 {strides = array<i32>} : memref<4x1024xf32, #tpu.memory_space<vmem>>, vector<1x16xf32>,
      %get3A_516 = arith.constant 1 : i32
      %get3A_517 = arith.index_cast %get3A_516 : i32 to index
      %get3A_518 = arith.index_cast %mul3A_486 : i32 to index
      %get3A_519 = tpu.vector_load %arg8[%get3A_517, %get3A_518] {strides = array<i32>} : memref<4x1024xf32, #tpu.memory_space<vmem>>, vector<1x16xf32>,
      %get3A_520 = vector.shape_cast %get3A_519 : vector<1x16xf32> to vector<16xf32>
      %add3A_521 = arith.addf %get3A_520, %get3A_491 : vector<16xf32>
      %swap3A_522 = arith.constant 1 : i32
      %swap3A_523 = arith.index_cast %swap3A_522 : i32 to index
      %swap3A_524 = arith.index_cast %mul3A_486 : i32 to index
      %swap3A_525 = tpu.vector_load %arg8[%swap3A_523, %swap3A_524] {strides = array<i32>} : memref<4x1024xf32, #tpu.memory_space<vmem>>, vector<1x16xf32>,
      %swap3A_526 = vector.shape_cast %swap3A_525 : vector<1x16xf32> to vector<16xf32>
      %swap3A_527 = vector.shape_cast %add3A_521 : vector<16xf32> to vector<1x16xf32>
      tpu.vector_store %arg8[%swap3A_523, %swap3A_524], %swap3A_527 {strides = array<i32>} : memref<4x1024xf32, #tpu.memory_space<vmem>>, vector<1x16xf32>,
      %get3A_528 = arith.constant 1 : i32
      %get3A_529 = arith.index_cast %get3A_528 : i32 to index
      %get3A_530 = arith.index_cast %mul3A_486 : i32 to index
      %get3A_531 = tpu.vector_load %arg9[%get3A_529, %get3A_530] {strides = array<i32>} : memref<4x1024xf32, #tpu.memory_space<vmem>>, vector<1x16xf32>,
      %get3A_532 = vector.shape_cast %get3A_531 : vector<1x16xf32> to vector<16xf32>
      %add3A_533 = arith.addf %get3A_532, %get3A_491 : vector<16xf32>
      %swap3A_534 = arith.constant 1 : i32
      %swap3A_535 = arith.index_cast %swap3A_534 : i32 to index
      %swap3A_536 = arith.index_cast %mul3A_486 : i32 to index
      %swap3A_537 = tpu.vector_load %arg9[%swap3A_535, %swap3A_536] {strides = array<i32>} : memref<4x1024xf32, #tpu.memory_space<vmem>>, vector<1x16xf32>,
      %swap3A_538 = vector.shape_cast %swap3A_537 : vector<1x16xf32> to vector<16xf32>
      %swap3A_539 = vector.shape_cast %add3A_533 : vector<16xf32> to vector<1x16xf32>
      tpu.vector_store %arg9[%swap3A_535, %swap3A_536], %swap3A_539 {strides = array<i32>} : memref<4x1024xf32, #tpu.memory_space<vmem>>, vector<1x16xf32>,
      %scan3A_540 = arith.constant 0 : i32
      scf.yield %scan3A_540 : i32
    }
    %scan3A_115 = arith.constant 16 : i32
    %scan3A_116 = arith.constant 0 : i32
    %scan3A_117 = arith.constant 0 : i32
    %scan3A_118 = arith.constant 16 : i32
    %scan3A_119 = arith.addi %scan3A_117, %scan3A_118 : i32
    %scan3A_120 = arith.constant 1 : i32
    %scan3A_121 = scf.for %scan3A_304 = %scan3A_117 to %scan3A_119 step %scan3A_120 iter_args(%scan3A_305 = %scan3A_116) -> (i32)  : i32 {
      %mul3A_306 = arith.constant 4 : i32
      %mul3A_307 = arith.muli %scan3A_304, %mul3A_306 : i32
      %add3A_308 = arith.constant 0 : i32
      %add3A_309 = arith.addi %mul3A_307, %add3A_308 : i32
      %mul3A_310 = arith.constant 16 : i32
      %mul3A_311 = arith.muli %add3A_309, %mul3A_310 : i32
      %get3A = arith.constant 2 : i32
      %get3A_312 = arith.index_cast %get3A : i32 to index
      %get3A_313 = arith.index_cast %mul3A_311 : i32 to index
      %get3A_314 = tpu.vector_load %arg5[%get3A_312, %get3A_313] {strides = array<i32>} : memref<4x1024xf32, #tpu.memory_space<vmem>>, vector<1x16xf32>,
      %get3A_315 = vector.shape_cast %get3A_314 : vector<1x16xf32> to vector<16xf32>
      %get3A_316 = arith.constant 2 : i32
      %get3A_317 = arith.index_cast %get3A_316 : i32 to index
      %get3A_318 = arith.index_cast %mul3A_311 : i32 to index
      %get3A_319 = tpu.vector_load %arg6[%get3A_317, %get3A_318] {strides = array<i32>} : memref<4x1024xf32, #tpu.memory_space<vmem>>, vector<1x16xf32>,
      %get3A_320 = vector.shape_cast %get3A_319 : vector<1x16xf32> to vector<16xf32>
      %add3A_321 = arith.addf %get3A_320, %get3A_315 : vector<16xf32>
      %swap3A = arith.constant 2 : i32
      %swap3A_322 = arith.index_cast %swap3A : i32 to index
      %swap3A_323 = arith.index_cast %mul3A_311 : i32 to index
      %swap3A_324 = tpu.vector_load %arg6[%swap3A_322, %swap3A_323] {strides = array<i32>} : memref<4x1024xf32, #tpu.memory_space<vmem>>, vector<1x16xf32>,
      %swap3A_325 = vector.shape_cast %swap3A_324 : vector<1x16xf32> to vector<16xf32>
      %swap3A_326 = vector.shape_cast %add3A_321 : vector<16xf32> to vector<1x16xf32>
      tpu.vector_store %arg6[%swap3A_322, %swap3A_323], %swap3A_326 {strides = array<i32>} : memref<4x1024xf32, #tpu.memory_space<vmem>>, vector<1x16xf32>,
      %get3A_327 = arith.constant 2 : i32
      %get3A_328 = arith.index_cast %get3A_327 : i32 to index
      %get3A_329 = arith.index_cast %mul3A_311 : i32 to index
      %get3A_330 = tpu.vector_load %arg7[%get3A_328, %get3A_329] {strides = array<i32>} : memref<4x1024xf32, #tpu.memory_space<vmem>>, vector<1x16xf32>,
      %get3A_331 = vector.shape_cast %get3A_330 : vector<1x16xf32> to vector<16xf32>
      %add3A_332 = arith.addf %get3A_331, %get3A_315 : vector<16xf32>
      %swap3A_333 = arith.constant 2 : i32
      %swap3A_334 = arith.index_cast %swap3A_333 : i32 to index
      %swap3A_335 = arith.index_cast %mul3A_311 : i32 to index
      %swap3A_336 = tpu.vector_load %arg7[%swap3A_334, %swap3A_335] {strides = array<i32>} : memref<4x1024xf32, #tpu.memory_space<vmem>>, vector<1x16xf32>,
      %swap3A_337 = vector.shape_cast %swap3A_336 : vector<1x16xf32> to vector<16xf32>
      %swap3A_338 = vector.shape_cast %add3A_332 : vector<16xf32> to vector<1x16xf32>
      tpu.vector_store %arg7[%swap3A_334, %swap3A_335], %swap3A_338 {strides = array<i32>} : memref<4x1024xf32, #tpu.memory_space<vmem>>, vector<1x16xf32>,
      %get3A_339 = arith.constant 2 : i32
      %get3A_340 = arith.index_cast %get3A_339 : i32 to index
      %get3A_341 = arith.index_cast %mul3A_311 : i32 to index
      %get3A_342 = tpu.vector_load %arg8[%get3A_340, %get3A_341] {strides = array<i32>} : memref<4x1024xf32, #tpu.memory_space<vmem>>, vector<1x16xf32>,
      %get3A_343 = vector.shape_cast %get3A_342 : vector<1x16xf32> to vector<16xf32>
      %add3A_344 = arith.addf %get3A_343, %get3A_315 : vector<16xf32>
      %swap3A_345 = arith.constant 2 : i32
      %swap3A_346 = arith.index_cast %swap3A_345 : i32 to index
      %swap3A_347 = arith.index_cast %mul3A_311 : i32 to index
      %swap3A_348 = tpu.vector_load %arg8[%swap3A_346, %swap3A_347] {strides = array<i32>} : memref<4x1024xf32, #tpu.memory_space<vmem>>, vector<1x16xf32>,
      %swap3A_349 = vector.shape_cast %swap3A_348 : vector<1x16xf32> to vector<16xf32>
      %swap3A_350 = vector.shape_cast %add3A_344 : vector<16xf32> to vector<1x16xf32>
      tpu.vector_store %arg8[%swap3A_346, %swap3A_347], %swap3A_350 {strides = array<i32>} : memref<4x1024xf32, #tpu.memory_space<vmem>>, vector<1x16xf32>,
      %get3A_351 = arith.constant 2 : i32
      %get3A_352 = arith.index_cast %get3A_351 : i32 to index
      %get3A_353 = arith.index_cast %mul3A_311 : i32 to index
      %get3A_354 = tpu.vector_load %arg9[%get3A_352, %get3A_353] {strides = array<i32>} : memref<4x1024xf32, #tpu.memory_space<vmem>>, vector<1x16xf32>,
      %get3A_355 = vector.shape_cast %get3A_354 : vector<1x16xf32> to vector<16xf32>
      %add3A_356 = arith.addf %get3A_355, %get3A_315 : vector<16xf32>
      %swap3A_357 = arith.constant 2 : i32
      %swap3A_358 = arith.index_cast %swap3A_357 : i32 to index
      %swap3A_359 = arith.index_cast %mul3A_311 : i32 to index
      %swap3A_360 = tpu.vector_load %arg9[%swap3A_358, %swap3A_359] {strides = array<i32>} : memref<4x1024xf32, #tpu.memory_space<vmem>>, vector<1x16xf32>,
      %swap3A_361 = vector.shape_cast %swap3A_360 : vector<1x16xf32> to vector<16xf32>
      %swap3A_362 = vector.shape_cast %add3A_356 : vector<16xf32> to vector<1x16xf32>
      tpu.vector_store %arg9[%swap3A_358, %swap3A_359], %swap3A_362 {strides = array<i32>} : memref<4x1024xf32, #tpu.memory_space<vmem>>, vector<1x16xf32>,
      %mul3A_363 = arith.constant 4 : i32
      %mul3A_364 = arith.muli %scan3A_304, %mul3A_363 : i32
      %add3A_365 = arith.constant 1 : i32
      %add3A_366 = arith.addi %mul3A_364, %add3A_365 : i32
      %mul3A_367 = arith.constant 16 : i32
      %mul3A_368 = arith.muli %add3A_366, %mul3A_367 : i32
      %get3A_369 = arith.constant 2 : i32
      %get3A_370 = arith.index_cast %get3A_369 : i32 to index
      %get3A_371 = arith.index_cast %mul3A_368 : i32 to index
      %get3A_372 = tpu.vector_load %arg5[%get3A_370, %get3A_371] {strides = array<i32>} : memref<4x1024xf32, #tpu.memory_space<vmem>>, vector<1x16xf32>,
      %get3A_373 = vector.shape_cast %get3A_372 : vector<1x16xf32> to vector<16xf32>
      %get3A_374 = arith.constant 2 : i32
      %get3A_375 = arith.index_cast %get3A_374 : i32 to index
      %get3A_376 = arith.index_cast %mul3A_368 : i32 to index
      %get3A_377 = tpu.vector_load %arg6[%get3A_375, %get3A_376] {strides = array<i32>} : memref<4x1024xf32, #tpu.memory_space<vmem>>, vector<1x16xf32>,
      %get3A_378 = vector.shape_cast %get3A_377 : vector<1x16xf32> to vector<16xf32>
      %add3A_379 = arith.addf %get3A_378, %get3A_373 : vector<16xf32>
      %swap3A_380 = arith.constant 2 : i32
      %swap3A_381 = arith.index_cast %swap3A_380 : i32 to index
      %swap3A_382 = arith.index_cast %mul3A_368 : i32 to index
      %swap3A_383 = tpu.vector_load %arg6[%swap3A_381, %swap3A_382] {strides = array<i32>} : memref<4x1024xf32, #tpu.memory_space<vmem>>, vector<1x16xf32>,
      %swap3A_384 = vector.shape_cast %swap3A_383 : vector<1x16xf32> to vector<16xf32>
      %swap3A_385 = vector.shape_cast %add3A_379 : vector<16xf32> to vector<1x16xf32>
      tpu.vector_store %arg6[%swap3A_381, %swap3A_382], %swap3A_385 {strides = array<i32>} : memref<4x1024xf32, #tpu.memory_space<vmem>>, vector<1x16xf32>,
      %get3A_386 = arith.constant 2 : i32
      %get3A_387 = arith.index_cast %get3A_386 : i32 to index
      %get3A_388 = arith.index_cast %mul3A_368 : i32 to index
      %get3A_389 = tpu.vector_load %arg7[%get3A_387, %get3A_388] {strides = array<i32>} : memref<4x1024xf32, #tpu.memory_space<vmem>>, vector<1x16xf32>,
      %get3A_390 = vector.shape_cast %get3A_389 : vector<1x16xf32> to vector<16xf32>
      %add3A_391 = arith.addf %get3A_390, %get3A_373 : vector<16xf32>
      %swap3A_392 = arith.constant 2 : i32
      %swap3A_393 = arith.index_cast %swap3A_392 : i32 to index
      %swap3A_394 = arith.index_cast %mul3A_368 : i32 to index
      %swap3A_395 = tpu.vector_load %arg7[%swap3A_393, %swap3A_394] {strides = array<i32>} : memref<4x1024xf32, #tpu.memory_space<vmem>>, vector<1x16xf32>,
      %swap3A_396 = vector.shape_cast %swap3A_395 : vector<1x16xf32> to vector<16xf32>
      %swap3A_397 = vector.shape_cast %add3A_391 : vector<16xf32> to vector<1x16xf32>
      tpu.vector_store %arg7[%swap3A_393, %swap3A_394], %swap3A_397 {strides = array<i32>} : memref<4x1024xf32, #tpu.memory_space<vmem>>, vector<1x16xf32>,
      %get3A_398 = arith.constant 2 : i32
      %get3A_399 = arith.index_cast %get3A_398 : i32 to index
      %get3A_400 = arith.index_cast %mul3A_368 : i32 to index
      %get3A_401 = tpu.vector_load %arg8[%get3A_399, %get3A_400] {strides = array<i32>} : memref<4x1024xf32, #tpu.memory_space<vmem>>, vector<1x16xf32>,
      %get3A_402 = vector.shape_cast %get3A_401 : vector<1x16xf32> to vector<16xf32>
      %add3A_403 = arith.addf %get3A_402, %get3A_373 : vector<16xf32>
      %swap3A_404 = arith.constant 2 : i32
      %swap3A_405 = arith.index_cast %swap3A_404 : i32 to index
      %swap3A_406 = arith.index_cast %mul3A_368 : i32 to index
      %swap3A_407 = tpu.vector_load %arg8[%swap3A_405, %swap3A_406] {strides = array<i32>} : memref<4x1024xf32, #tpu.memory_space<vmem>>, vector<1x16xf32>,
      %swap3A_408 = vector.shape_cast %swap3A_407 : vector<1x16xf32> to vector<16xf32>
      %swap3A_409 = vector.shape_cast %add3A_403 : vector<16xf32> to vector<1x16xf32>
      tpu.vector_store %arg8[%swap3A_405, %swap3A_406], %swap3A_409 {strides = array<i32>} : memref<4x1024xf32, #tpu.memory_space<vmem>>, vector<1x16xf32>,
      %get3A_410 = arith.constant 2 : i32
      %get3A_411 = arith.index_cast %get3A_410 : i32 to index
      %get3A_412 = arith.index_cast %mul3A_368 : i32 to index
      %get3A_413 = tpu.vector_load %arg9[%get3A_411, %get3A_412] {strides = array<i32>} : memref<4x1024xf32, #tpu.memory_space<vmem>>, vector<1x16xf32>,
      %get3A_414 = vector.shape_cast %get3A_413 : vector<1x16xf32> to vector<16xf32>
      %add3A_415 = arith.addf %get3A_414, %get3A_373 : vector<16xf32>
      %swap3A_416 = arith.constant 2 : i32
      %swap3A_417 = arith.index_cast %swap3A_416 : i32 to index
      %swap3A_418 = arith.index_cast %mul3A_368 : i32 to index
      %swap3A_419 = tpu.vector_load %arg9[%swap3A_417, %swap3A_418] {strides = array<i32>} : memref<4x1024xf32, #tpu.memory_space<vmem>>, vector<1x16xf32>,
      %swap3A_420 = vector.shape_cast %swap3A_419 : vector<1x16xf32> to vector<16xf32>
      %swap3A_421 = vector.shape_cast %add3A_415 : vector<16xf32> to vector<1x16xf32>
      tpu.vector_store %arg9[%swap3A_417, %swap3A_418], %swap3A_421 {strides = array<i32>} : memref<4x1024xf32, #tpu.memory_space<vmem>>, vector<1x16xf32>,
      %mul3A_422 = arith.constant 4 : i32
      %mul3A_423 = arith.muli %scan3A_304, %mul3A_422 : i32
      %add3A_424 = arith.constant 2 : i32
      %add3A_425 = arith.addi %mul3A_423, %add3A_424 : i32
      %mul3A_426 = arith.constant 16 : i32
      %mul3A_427 = arith.muli %add3A_425, %mul3A_426 : i32
      %get3A_428 = arith.constant 2 : i32
      %get3A_429 = arith.index_cast %get3A_428 : i32 to index
      %get3A_430 = arith.index_cast %mul3A_427 : i32 to index
      %get3A_431 = tpu.vector_load %arg5[%get3A_429, %get3A_430] {strides = array<i32>} : memref<4x1024xf32, #tpu.memory_space<vmem>>, vector<1x16xf32>,
      %get3A_432 = vector.shape_cast %get3A_431 : vector<1x16xf32> to vector<16xf32>
      %get3A_433 = arith.constant 2 : i32
      %get3A_434 = arith.index_cast %get3A_433 : i32 to index
      %get3A_435 = arith.index_cast %mul3A_427 : i32 to index
      %get3A_436 = tpu.vector_load %arg6[%get3A_434, %get3A_435] {strides = array<i32>} : memref<4x1024xf32, #tpu.memory_space<vmem>>, vector<1x16xf32>,
      %get3A_437 = vector.shape_cast %get3A_436 : vector<1x16xf32> to vector<16xf32>
      %add3A_438 = arith.addf %get3A_437, %get3A_432 : vector<16xf32>
      %swap3A_439 = arith.constant 2 : i32
      %swap3A_440 = arith.index_cast %swap3A_439 : i32 to index
      %swap3A_441 = arith.index_cast %mul3A_427 : i32 to index
      %swap3A_442 = tpu.vector_load %arg6[%swap3A_440, %swap3A_441] {strides = array<i32>} : memref<4x1024xf32, #tpu.memory_space<vmem>>, vector<1x16xf32>,
      %swap3A_443 = vector.shape_cast %swap3A_442 : vector<1x16xf32> to vector<16xf32>
      %swap3A_444 = vector.shape_cast %add3A_438 : vector<16xf32> to vector<1x16xf32>
      tpu.vector_store %arg6[%swap3A_440, %swap3A_441], %swap3A_444 {strides = array<i32>} : memref<4x1024xf32, #tpu.memory_space<vmem>>, vector<1x16xf32>,
      %get3A_445 = arith.constant 2 : i32
      %get3A_446 = arith.index_cast %get3A_445 : i32 to index
      %get3A_447 = arith.index_cast %mul3A_427 : i32 to index
      %get3A_448 = tpu.vector_load %arg7[%get3A_446, %get3A_447] {strides = array<i32>} : memref<4x1024xf32, #tpu.memory_space<vmem>>, vector<1x16xf32>,
      %get3A_449 = vector.shape_cast %get3A_448 : vector<1x16xf32> to vector<16xf32>
      %add3A_450 = arith.addf %get3A_449, %get3A_432 : vector<16xf32>
      %swap3A_451 = arith.constant 2 : i32
      %swap3A_452 = arith.index_cast %swap3A_451 : i32 to index
      %swap3A_453 = arith.index_cast %mul3A_427 : i32 to index
      %swap3A_454 = tpu.vector_load %arg7[%swap3A_452, %swap3A_453] {strides = array<i32>} : memref<4x1024xf32, #tpu.memory_space<vmem>>, vector<1x16xf32>,
      %swap3A_455 = vector.shape_cast %swap3A_454 : vector<1x16xf32> to vector<16xf32>
      %swap3A_456 = vector.shape_cast %add3A_450 : vector<16xf32> to vector<1x16xf32>
      tpu.vector_store %arg7[%swap3A_452, %swap3A_453], %swap3A_456 {strides = array<i32>} : memref<4x1024xf32, #tpu.memory_space<vmem>>, vector<1x16xf32>,
      %get3A_457 = arith.constant 2 : i32
      %get3A_458 = arith.index_cast %get3A_457 : i32 to index
      %get3A_459 = arith.index_cast %mul3A_427 : i32 to index
      %get3A_460 = tpu.vector_load %arg8[%get3A_458, %get3A_459] {strides = array<i32>} : memref<4x1024xf32, #tpu.memory_space<vmem>>, vector<1x16xf32>,
      %get3A_461 = vector.shape_cast %get3A_460 : vector<1x16xf32> to vector<16xf32>
      %add3A_462 = arith.addf %get3A_461, %get3A_432 : vector<16xf32>
      %swap3A_463 = arith.constant 2 : i32
      %swap3A_464 = arith.index_cast %swap3A_463 : i32 to index
      %swap3A_465 = arith.index_cast %mul3A_427 : i32 to index
      %swap3A_466 = tpu.vector_load %arg8[%swap3A_464, %swap3A_465] {strides = array<i32>} : memref<4x1024xf32, #tpu.memory_space<vmem>>, vector<1x16xf32>,
      %swap3A_467 = vector.shape_cast %swap3A_466 : vector<1x16xf32> to vector<16xf32>
      %swap3A_468 = vector.shape_cast %add3A_462 : vector<16xf32> to vector<1x16xf32>
      tpu.vector_store %arg8[%swap3A_464, %swap3A_465], %swap3A_468 {strides = array<i32>} : memref<4x1024xf32, #tpu.memory_space<vmem>>, vector<1x16xf32>,
      %get3A_469 = arith.constant 2 : i32
      %get3A_470 = arith.index_cast %get3A_469 : i32 to index
      %get3A_471 = arith.index_cast %mul3A_427 : i32 to index
      %get3A_472 = tpu.vector_load %arg9[%get3A_470, %get3A_471] {strides = array<i32>} : memref<4x1024xf32, #tpu.memory_space<vmem>>, vector<1x16xf32>,
      %get3A_473 = vector.shape_cast %get3A_472 : vector<1x16xf32> to vector<16xf32>
      %add3A_474 = arith.addf %get3A_473, %get3A_432 : vector<16xf32>
      %swap3A_475 = arith.constant 2 : i32
      %swap3A_476 = arith.index_cast %swap3A_475 : i32 to index
      %swap3A_477 = arith.index_cast %mul3A_427 : i32 to index
      %swap3A_478 = tpu.vector_load %arg9[%swap3A_476, %swap3A_477] {strides = array<i32>} : memref<4x1024xf32, #tpu.memory_space<vmem>>, vector<1x16xf32>,
      %swap3A_479 = vector.shape_cast %swap3A_478 : vector<1x16xf32> to vector<16xf32>
      %swap3A_480 = vector.shape_cast %add3A_474 : vector<16xf32> to vector<1x16xf32>
      tpu.vector_store %arg9[%swap3A_476, %swap3A_477], %swap3A_480 {strides = array<i32>} : memref<4x1024xf32, #tpu.memory_space<vmem>>, vector<1x16xf32>,
      %mul3A_481 = arith.constant 4 : i32
      %mul3A_482 = arith.muli %scan3A_304, %mul3A_481 : i32
      %add3A_483 = arith.constant 3 : i32
      %add3A_484 = arith.addi %mul3A_482, %add3A_483 : i32
      %mul3A_485 = arith.constant 16 : i32
      %mul3A_486 = arith.muli %add3A_484, %mul3A_485 : i32
      %get3A_487 = arith.constant 2 : i32
      %get3A_488 = arith.index_cast %get3A_487 : i32 to index
      %get3A_489 = arith.index_cast %mul3A_486 : i32 to index
      %get3A_490 = tpu.vector_load %arg5[%get3A_488, %get3A_489] {strides = array<i32>} : memref<4x1024xf32, #tpu.memory_space<vmem>>, vector<1x16xf32>,
      %get3A_491 = vector.shape_cast %get3A_490 : vector<1x16xf32> to vector<16xf32>
      %get3A_492 = arith.constant 2 : i32
      %get3A_493 = arith.index_cast %get3A_492 : i32 to index
      %get3A_494 = arith.index_cast %mul3A_486 : i32 to index
      %get3A_495 = tpu.vector_load %arg6[%get3A_493, %get3A_494] {strides = array<i32>} : memref<4x1024xf32, #tpu.memory_space<vmem>>, vector<1x16xf32>,
      %get3A_496 = vector.shape_cast %get3A_495 : vector<1x16xf32> to vector<16xf32>
      %add3A_497 = arith.addf %get3A_496, %get3A_491 : vector<16xf32>
      %swap3A_498 = arith.constant 2 : i32
      %swap3A_499 = arith.index_cast %swap3A_498 : i32 to index
      %swap3A_500 = arith.index_cast %mul3A_486 : i32 to index
      %swap3A_501 = tpu.vector_load %arg6[%swap3A_499, %swap3A_500] {strides = array<i32>} : memref<4x1024xf32, #tpu.memory_space<vmem>>, vector<1x16xf32>,
      %swap3A_502 = vector.shape_cast %swap3A_501 : vector<1x16xf32> to vector<16xf32>
      %swap3A_503 = vector.shape_cast %add3A_497 : vector<16xf32> to vector<1x16xf32>
      tpu.vector_store %arg6[%swap3A_499, %swap3A_500], %swap3A_503 {strides = array<i32>} : memref<4x1024xf32, #tpu.memory_space<vmem>>, vector<1x16xf32>,
      %get3A_504 = arith.constant 2 : i32
      %get3A_505 = arith.index_cast %get3A_504 : i32 to index
      %get3A_506 = arith.index_cast %mul3A_486 : i32 to index
      %get3A_507 = tpu.vector_load %arg7[%get3A_505, %get3A_506] {strides = array<i32>} : memref<4x1024xf32, #tpu.memory_space<vmem>>, vector<1x16xf32>,
      %get3A_508 = vector.shape_cast %get3A_507 : vector<1x16xf32> to vector<16xf32>
      %add3A_509 = arith.addf %get3A_508, %get3A_491 : vector<16xf32>
      %swap3A_510 = arith.constant 2 : i32
      %swap3A_511 = arith.index_cast %swap3A_510 : i32 to index
      %swap3A_512 = arith.index_cast %mul3A_486 : i32 to index
      %swap3A_513 = tpu.vector_load %arg7[%swap3A_511, %swap3A_512] {strides = array<i32>} : memref<4x1024xf32, #tpu.memory_space<vmem>>, vector<1x16xf32>,
      %swap3A_514 = vector.shape_cast %swap3A_513 : vector<1x16xf32> to vector<16xf32>
      %swap3A_515 = vector.shape_cast %add3A_509 : vector<16xf32> to vector<1x16xf32>
      tpu.vector_store %arg7[%swap3A_511, %swap3A_512], %swap3A_515 {strides = array<i32>} : memref<4x1024xf32, #tpu.memory_space<vmem>>, vector<1x16xf32>,
      %get3A_516 = arith.constant 2 : i32
      %get3A_517 = arith.index_cast %get3A_516 : i32 to index
      %get3A_518 = arith.index_cast %mul3A_486 : i32 to index
      %get3A_519 = tpu.vector_load %arg8[%get3A_517, %get3A_518] {strides = array<i32>} : memref<4x1024xf32, #tpu.memory_space<vmem>>, vector<1x16xf32>,
      %get3A_520 = vector.shape_cast %get3A_519 : vector<1x16xf32> to vector<16xf32>
      %add3A_521 = arith.addf %get3A_520, %get3A_491 : vector<16xf32>
      %swap3A_522 = arith.constant 2 : i32
      %swap3A_523 = arith.index_cast %swap3A_522 : i32 to index
      %swap3A_524 = arith.index_cast %mul3A_486 : i32 to index
      %swap3A_525 = tpu.vector_load %arg8[%swap3A_523, %swap3A_524] {strides = array<i32>} : memref<4x1024xf32, #tpu.memory_space<vmem>>, vector<1x16xf32>,
      %swap3A_526 = vector.shape_cast %swap3A_525 : vector<1x16xf32> to vector<16xf32>
      %swap3A_527 = vector.shape_cast %add3A_521 : vector<16xf32> to vector<1x16xf32>
      tpu.vector_store %arg8[%swap3A_523, %swap3A_524], %swap3A_527 {strides = array<i32>} : memref<4x1024xf32, #tpu.memory_space<vmem>>, vector<1x16xf32>,
      %get3A_528 = arith.constant 2 : i32
      %get3A_529 = arith.index_cast %get3A_528 : i32 to index
      %get3A_530 = arith.index_cast %mul3A_486 : i32 to index
      %get3A_531 = tpu.vector_load %arg9[%get3A_529, %get3A_530] {strides = array<i32>} : memref<4x1024xf32, #tpu.memory_space<vmem>>, vector<1x16xf32>,
      %get3A_532 = vector.shape_cast %get3A_531 : vector<1x16xf32> to vector<16xf32>
      %add3A_533 = arith.addf %get3A_532, %get3A_491 : vector<16xf32>
      %swap3A_534 = arith.constant 2 : i32
      %swap3A_535 = arith.index_cast %swap3A_534 : i32 to index
      %swap3A_536 = arith.index_cast %mul3A_486 : i32 to index
      %swap3A_537 = tpu.vector_load %arg9[%swap3A_535, %swap3A_536] {strides = array<i32>} : memref<4x1024xf32, #tpu.memory_space<vmem>>, vector<1x16xf32>,
      %swap3A_538 = vector.shape_cast %swap3A_537 : vector<1x16xf32> to vector<16xf32>
      %swap3A_539 = vector.shape_cast %add3A_533 : vector<16xf32> to vector<1x16xf32>
      tpu.vector_store %arg9[%swap3A_535, %swap3A_536], %swap3A_539 {strides = array<i32>} : memref<4x1024xf32, #tpu.memory_space<vmem>>, vector<1x16xf32>,
      %scan3A_540 = arith.constant 0 : i32
      scf.yield %scan3A_540 : i32
    }
    %scan3A_122 = arith.constant 16 : i32
    %scan3A_123 = arith.constant 0 : i32
    %scan3A_124 = arith.constant 0 : i32
    %scan3A_125 = arith.constant 16 : i32
    %scan3A_126 = arith.addi %scan3A_124, %scan3A_125 : i32
    %scan3A_127 = arith.constant 1 : i32
    %scan3A_128 = scf.for %scan3A_304 = %scan3A_124 to %scan3A_126 step %scan3A_127 iter_args(%scan3A_305 = %scan3A_123) -> (i32)  : i32 {
      %mul3A_306 = arith.constant 4 : i32
      %mul3A_307 = arith.muli %scan3A_304, %mul3A_306 : i32
      %add3A_308 = arith.constant 0 : i32
      %add3A_309 = arith.addi %mul3A_307, %add3A_308 : i32
      %mul3A_310 = arith.constant 16 : i32
      %mul3A_311 = arith.muli %add3A_309, %mul3A_310 : i32
      %get3A = arith.constant 3 : i32
      %get3A_312 = arith.index_cast %get3A : i32 to index
      %get3A_313 = arith.index_cast %mul3A_311 : i32 to index
      %get3A_314 = tpu.vector_load %arg5[%get3A_312, %get3A_313] {strides = array<i32>} : memref<4x1024xf32, #tpu.memory_space<vmem>>, vector<1x16xf32>,
      %get3A_315 = vector.shape_cast %get3A_314 : vector<1x16xf32> to vector<16xf32>
      %get3A_316 = arith.constant 3 : i32
      %get3A_317 = arith.index_cast %get3A_316 : i32 to index
      %get3A_318 = arith.index_cast %mul3A_311 : i32 to index
      %get3A_319 = tpu.vector_load %arg6[%get3A_317, %get3A_318] {strides = array<i32>} : memref<4x1024xf32, #tpu.memory_space<vmem>>, vector<1x16xf32>,
      %get3A_320 = vector.shape_cast %get3A_319 : vector<1x16xf32> to vector<16xf32>
      %add3A_321 = arith.addf %get3A_320, %get3A_315 : vector<16xf32>
      %swap3A = arith.constant 3 : i32
      %swap3A_322 = arith.index_cast %swap3A : i32 to index
      %swap3A_323 = arith.index_cast %mul3A_311 : i32 to index
      %swap3A_324 = tpu.vector_load %arg6[%swap3A_322, %swap3A_323] {strides = array<i32>} : memref<4x1024xf32, #tpu.memory_space<vmem>>, vector<1x16xf32>,
      %swap3A_325 = vector.shape_cast %swap3A_324 : vector<1x16xf32> to vector<16xf32>
      %swap3A_326 = vector.shape_cast %add3A_321 : vector<16xf32> to vector<1x16xf32>
      tpu.vector_store %arg6[%swap3A_322, %swap3A_323], %swap3A_326 {strides = array<i32>} : memref<4x1024xf32, #tpu.memory_space<vmem>>, vector<1x16xf32>,
      %get3A_327 = arith.constant 3 : i32
      %get3A_328 = arith.index_cast %get3A_327 : i32 to index
      %get3A_329 = arith.index_cast %mul3A_311 : i32 to index
      %get3A_330 = tpu.vector_load %arg7[%get3A_328, %get3A_329] {strides = array<i32>} : memref<4x1024xf32, #tpu.memory_space<vmem>>, vector<1x16xf32>,
      %get3A_331 = vector.shape_cast %get3A_330 : vector<1x16xf32> to vector<16xf32>
      %add3A_332 = arith.addf %get3A_331, %get3A_315 : vector<16xf32>
      %swap3A_333 = arith.constant 3 : i32
      %swap3A_334 = arith.index_cast %swap3A_333 : i32 to index
      %swap3A_335 = arith.index_cast %mul3A_311 : i32 to index
      %swap3A_336 = tpu.vector_load %arg7[%swap3A_334, %swap3A_335] {strides = array<i32>} : memref<4x1024xf32, #tpu.memory_space<vmem>>, vector<1x16xf32>,
      %swap3A_337 = vector.shape_cast %swap3A_336 : vector<1x16xf32> to vector<16xf32>
      %swap3A_338 = vector.shape_cast %add3A_332 : vector<16xf32> to vector<1x16xf32>
      tpu.vector_store %arg7[%swap3A_334, %swap3A_335], %swap3A_338 {strides = array<i32>} : memref<4x1024xf32, #tpu.memory_space<vmem>>, vector<1x16xf32>,
      %get3A_339 = arith.constant 3 : i32
      %get3A_340 = arith.index_cast %get3A_339 : i32 to index
      %get3A_341 = arith.index_cast %mul3A_311 : i32 to index
      %get3A_342 = tpu.vector_load %arg8[%get3A_340, %get3A_341] {strides = array<i32>} : memref<4x1024xf32, #tpu.memory_space<vmem>>, vector<1x16xf32>,
      %get3A_343 = vector.shape_cast %get3A_342 : vector<1x16xf32> to vector<16xf32>
      %add3A_344 = arith.addf %get3A_343, %get3A_315 : vector<16xf32>
      %swap3A_345 = arith.constant 3 : i32
      %swap3A_346 = arith.index_cast %swap3A_345 : i32 to index
      %swap3A_347 = arith.index_cast %mul3A_311 : i32 to index
      %swap3A_348 = tpu.vector_load %arg8[%swap3A_346, %swap3A_347] {strides = array<i32>} : memref<4x1024xf32, #tpu.memory_space<vmem>>, vector<1x16xf32>,
      %swap3A_349 = vector.shape_cast %swap3A_348 : vector<1x16xf32> to vector<16xf32>
      %swap3A_350 = vector.shape_cast %add3A_344 : vector<16xf32> to vector<1x16xf32>
      tpu.vector_store %arg8[%swap3A_346, %swap3A_347], %swap3A_350 {strides = array<i32>} : memref<4x1024xf32, #tpu.memory_space<vmem>>, vector<1x16xf32>,
      %get3A_351 = arith.constant 3 : i32
      %get3A_352 = arith.index_cast %get3A_351 : i32 to index
      %get3A_353 = arith.index_cast %mul3A_311 : i32 to index
      %get3A_354 = tpu.vector_load %arg9[%get3A_352, %get3A_353] {strides = array<i32>} : memref<4x1024xf32, #tpu.memory_space<vmem>>, vector<1x16xf32>,
      %get3A_355 = vector.shape_cast %get3A_354 : vector<1x16xf32> to vector<16xf32>
      %add3A_356 = arith.addf %get3A_355, %get3A_315 : vector<16xf32>
      %swap3A_357 = arith.constant 3 : i32
      %swap3A_358 = arith.index_cast %swap3A_357 : i32 to index
      %swap3A_359 = arith.index_cast %mul3A_311 : i32 to index
      %swap3A_360 = tpu.vector_load %arg9[%swap3A_358, %swap3A_359] {strides = array<i32>} : memref<4x1024xf32, #tpu.memory_space<vmem>>, vector<1x16xf32>,
      %swap3A_361 = vector.shape_cast %swap3A_360 : vector<1x16xf32> to vector<16xf32>
      %swap3A_362 = vector.shape_cast %add3A_356 : vector<16xf32> to vector<1x16xf32>
      tpu.vector_store %arg9[%swap3A_358, %swap3A_359], %swap3A_362 {strides = array<i32>} : memref<4x1024xf32, #tpu.memory_space<vmem>>, vector<1x16xf32>,
      %mul3A_363 = arith.constant 4 : i32
      %mul3A_364 = arith.muli %scan3A_304, %mul3A_363 : i32
      %add3A_365 = arith.constant 1 : i32
      %add3A_366 = arith.addi %mul3A_364, %add3A_365 : i32
      %mul3A_367 = arith.constant 16 : i32
      %mul3A_368 = arith.muli %add3A_366, %mul3A_367 : i32
      %get3A_369 = arith.constant 3 : i32
      %get3A_370 = arith.index_cast %get3A_369 : i32 to index
      %get3A_371 = arith.index_cast %mul3A_368 : i32 to index
      %get3A_372 = tpu.vector_load %arg5[%get3A_370, %get3A_371] {strides = array<i32>} : memref<4x1024xf32, #tpu.memory_space<vmem>>, vector<1x16xf32>,
      %get3A_373 = vector.shape_cast %get3A_372 : vector<1x16xf32> to vector<16xf32>
      %get3A_374 = arith.constant 3 : i32
      %get3A_375 = arith.index_cast %get3A_374 : i32 to index
      %get3A_376 = arith.index_cast %mul3A_368 : i32 to index
      %get3A_377 = tpu.vector_load %arg6[%get3A_375, %get3A_376] {strides = array<i32>} : memref<4x1024xf32, #tpu.memory_space<vmem>>, vector<1x16xf32>,
      %get3A_378 = vector.shape_cast %get3A_377 : vector<1x16xf32> to vector<16xf32>
      %add3A_379 = arith.addf %get3A_378, %get3A_373 : vector<16xf32>
      %swap3A_380 = arith.constant 3 : i32
      %swap3A_381 = arith.index_cast %swap3A_380 : i32 to index
      %swap3A_382 = arith.index_cast %mul3A_368 : i32 to index
      %swap3A_383 = tpu.vector_load %arg6[%swap3A_381, %swap3A_382] {strides = array<i32>} : memref<4x1024xf32, #tpu.memory_space<vmem>>, vector<1x16xf32>,
      %swap3A_384 = vector.shape_cast %swap3A_383 : vector<1x16xf32> to vector<16xf32>
      %swap3A_385 = vector.shape_cast %add3A_379 : vector<16xf32> to vector<1x16xf32>
      tpu.vector_store %arg6[%swap3A_381, %swap3A_382], %swap3A_385 {strides = array<i32>} : memref<4x1024xf32, #tpu.memory_space<vmem>>, vector<1x16xf32>,
      %get3A_386 = arith.constant 3 : i32
      %get3A_387 = arith.index_cast %get3A_386 : i32 to index
      %get3A_388 = arith.index_cast %mul3A_368 : i32 to index
      %get3A_389 = tpu.vector_load %arg7[%get3A_387, %get3A_388] {strides = array<i32>} : memref<4x1024xf32, #tpu.memory_space<vmem>>, vector<1x16xf32>,
      %get3A_390 = vector.shape_cast %get3A_389 : vector<1x16xf32> to vector<16xf32>
      %add3A_391 = arith.addf %get3A_390, %get3A_373 : vector<16xf32>
      %swap3A_392 = arith.constant 3 : i32
      %swap3A_393 = arith.index_cast %swap3A_392 : i32 to index
      %swap3A_394 = arith.index_cast %mul3A_368 : i32 to index
      %swap3A_395 = tpu.vector_load %arg7[%swap3A_393, %swap3A_394] {strides = array<i32>} : memref<4x1024xf32, #tpu.memory_space<vmem>>, vector<1x16xf32>,
      %swap3A_396 = vector.shape_cast %swap3A_395 : vector<1x16xf32> to vector<16xf32>
      %swap3A_397 = vector.shape_cast %add3A_391 : vector<16xf32> to vector<1x16xf32>
      tpu.vector_store %arg7[%swap3A_393, %swap3A_394], %swap3A_397 {strides = array<i32>} : memref<4x1024xf32, #tpu.memory_space<vmem>>, vector<1x16xf32>,
      %get3A_398 = arith.constant 3 : i32
      %get3A_399 = arith.index_cast %get3A_398 : i32 to index
      %get3A_400 = arith.index_cast %mul3A_368 : i32 to index
      %get3A_401 = tpu.vector_load %arg8[%get3A_399, %get3A_400] {strides = array<i32>} : memref<4x1024xf32, #tpu.memory_space<vmem>>, vector<1x16xf32>,
      %get3A_402 = vector.shape_cast %get3A_401 : vector<1x16xf32> to vector<16xf32>
      %add3A_403 = arith.addf %get3A_402, %get3A_373 : vector<16xf32>
      %swap3A_404 = arith.constant 3 : i32
      %swap3A_405 = arith.index_cast %swap3A_404 : i32 to index
      %swap3A_406 = arith.index_cast %mul3A_368 : i32 to index
      %swap3A_407 = tpu.vector_load %arg8[%swap3A_405, %swap3A_406] {strides = array<i32>} : memref<4x1024xf32, #tpu.memory_space<vmem>>, vector<1x16xf32>,
      %swap3A_408 = vector.shape_cast %swap3A_407 : vector<1x16xf32> to vector<16xf32>
      %swap3A_409 = vector.shape_cast %add3A_403 : vector<16xf32> to vector<1x16xf32>
      tpu.vector_store %arg8[%swap3A_405, %swap3A_406], %swap3A_409 {strides = array<i32>} : memref<4x1024xf32, #tpu.memory_space<vmem>>, vector<1x16xf32>,
      %get3A_410 = arith.constant 3 : i32
      %get3A_411 = arith.index_cast %get3A_410 : i32 to index
      %get3A_412 = arith.index_cast %mul3A_368 : i32 to index
      %get3A_413 = tpu.vector_load %arg9[%get3A_411, %get3A_412] {strides = array<i32>} : memref<4x1024xf32, #tpu.memory_space<vmem>>, vector<1x16xf32>,
      %get3A_414 = vector.shape_cast %get3A_413 : vector<1x16xf32> to vector<16xf32>
      %add3A_415 = arith.addf %get3A_414, %get3A_373 : vector<16xf32>
      %swap3A_416 = arith.constant 3 : i32
      %swap3A_417 = arith.index_cast %swap3A_416 : i32 to index
      %swap3A_418 = arith.index_cast %mul3A_368 : i32 to index
      %swap3A_419 = tpu.vector_load %arg9[%swap3A_417, %swap3A_418] {strides = array<i32>} : memref<4x1024xf32, #tpu.memory_space<vmem>>, vector<1x16xf32>,
      %swap3A_420 = vector.shape_cast %swap3A_419 : vector<1x16xf32> to vector<16xf32>
      %swap3A_421 = vector.shape_cast %add3A_415 : vector<16xf32> to vector<1x16xf32>
      tpu.vector_store %arg9[%swap3A_417, %swap3A_418], %swap3A_421 {strides = array<i32>} : memref<4x1024xf32, #tpu.memory_space<vmem>>, vector<1x16xf32>,
      %mul3A_422 = arith.constant 4 : i32
      %mul3A_423 = arith.muli %scan3A_304, %mul3A_422 : i32
      %add3A_424 = arith.constant 2 : i32
      %add3A_425 = arith.addi %mul3A_423, %add3A_424 : i32
      %mul3A_426 = arith.constant 16 : i32
      %mul3A_427 = arith.muli %add3A_425, %mul3A_426 : i32
      %get3A_428 = arith.constant 3 : i32
      %get3A_429 = arith.index_cast %get3A_428 : i32 to index
      %get3A_430 = arith.index_cast %mul3A_427 : i32 to index
      %get3A_431 = tpu.vector_load %arg5[%get3A_429, %get3A_430] {strides = array<i32>} : memref<4x1024xf32, #tpu.memory_space<vmem>>, vector<1x16xf32>,
      %get3A_432 = vector.shape_cast %get3A_431 : vector<1x16xf32> to vector<16xf32>
      %get3A_433 = arith.constant 3 : i32
      %get3A_434 = arith.index_cast %get3A_433 : i32 to index
      %get3A_435 = arith.index_cast %mul3A_427 : i32 to index
      %get3A_436 = tpu.vector_load %arg6[%get3A_434, %get3A_435] {strides = array<i32>} : memref<4x1024xf32, #tpu.memory_space<vmem>>, vector<1x16xf32>,
      %get3A_437 = vector.shape_cast %get3A_436 : vector<1x16xf32> to vector<16xf32>
      %add3A_438 = arith.addf %get3A_437, %get3A_432 : vector<16xf32>
      %swap3A_439 = arith.constant 3 : i32
      %swap3A_440 = arith.index_cast %swap3A_439 : i32 to index
      %swap3A_441 = arith.index_cast %mul3A_427 : i32 to index
      %swap3A_442 = tpu.vector_load %arg6[%swap3A_440, %swap3A_441] {strides = array<i32>} : memref<4x1024xf32, #tpu.memory_space<vmem>>, vector<1x16xf32>,
      %swap3A_443 = vector.shape_cast %swap3A_442 : vector<1x16xf32> to vector<16xf32>
      %swap3A_444 = vector.shape_cast %add3A_438 : vector<16xf32> to vector<1x16xf32>
      tpu.vector_store %arg6[%swap3A_440, %swap3A_441], %swap3A_444 {strides = array<i32>} : memref<4x1024xf32, #tpu.memory_space<vmem>>, vector<1x16xf32>,
      %get3A_445 = arith.constant 3 : i32
      %get3A_446 = arith.index_cast %get3A_445 : i32 to index
      %get3A_447 = arith.index_cast %mul3A_427 : i32 to index
      %get3A_448 = tpu.vector_load %arg7[%get3A_446, %get3A_447] {strides = array<i32>} : memref<4x1024xf32, #tpu.memory_space<vmem>>, vector<1x16xf32>,
      %get3A_449 = vector.shape_cast %get3A_448 : vector<1x16xf32> to vector<16xf32>
      %add3A_450 = arith.addf %get3A_449, %get3A_432 : vector<16xf32>
      %swap3A_451 = arith.constant 3 : i32
      %swap3A_452 = arith.index_cast %swap3A_451 : i32 to index
      %swap3A_453 = arith.index_cast %mul3A_427 : i32 to index
      %swap3A_454 = tpu.vector_load %arg7[%swap3A_452, %swap3A_453] {strides = array<i32>} : memref<4x1024xf32, #tpu.memory_space<vmem>>, vector<1x16xf32>,
      %swap3A_455 = vector.shape_cast %swap3A_454 : vector<1x16xf32> to vector<16xf32>
      %swap3A_456 = vector.shape_cast %add3A_450 : vector<16xf32> to vector<1x16xf32>
      tpu.vector_store %arg7[%swap3A_452, %swap3A_453], %swap3A_456 {strides = array<i32>} : memref<4x1024xf32, #tpu.memory_space<vmem>>, vector<1x16xf32>,
      %get3A_457 = arith.constant 3 : i32
      %get3A_458 = arith.index_cast %get3A_457 : i32 to index
      %get3A_459 = arith.index_cast %mul3A_427 : i32 to index
      %get3A_460 = tpu.vector_load %arg8[%get3A_458, %get3A_459] {strides = array<i32>} : memref<4x1024xf32, #tpu.memory_space<vmem>>, vector<1x16xf32>,
      %get3A_461 = vector.shape_cast %get3A_460 : vector<1x16xf32> to vector<16xf32>
      %add3A_462 = arith.addf %get3A_461, %get3A_432 : vector<16xf32>
      %swap3A_463 = arith.constant 3 : i32
      %swap3A_464 = arith.index_cast %swap3A_463 : i32 to index
      %swap3A_465 = arith.index_cast %mul3A_427 : i32 to index
      %swap3A_466 = tpu.vector_load %arg8[%swap3A_464, %swap3A_465] {strides = array<i32>} : memref<4x1024xf32, #tpu.memory_space<vmem>>, vector<1x16xf32>,
      %swap3A_467 = vector.shape_cast %swap3A_466 : vector<1x16xf32> to vector<16xf32>
      %swap3A_468 = vector.shape_cast %add3A_462 : vector<16xf32> to vector<1x16xf32>
      tpu.vector_store %arg8[%swap3A_464, %swap3A_465], %swap3A_468 {strides = array<i32>} : memref<4x1024xf32, #tpu.memory_space<vmem>>, vector<1x16xf32>,
      %get3A_469 = arith.constant 3 : i32
      %get3A_470 = arith.index_cast %get3A_469 : i32 to index
      %get3A_471 = arith.index_cast %mul3A_427 : i32 to index
      %get3A_472 = tpu.vector_load %arg9[%get3A_470, %get3A_471] {strides = array<i32>} : memref<4x1024xf32, #tpu.memory_space<vmem>>, vector<1x16xf32>,
      %get3A_473 = vector.shape_cast %get3A_472 : vector<1x16xf32> to vector<16xf32>
      %add3A_474 = arith.addf %get3A_473, %get3A_432 : vector<16xf32>
      %swap3A_475 = arith.constant 3 : i32
      %swap3A_476 = arith.index_cast %swap3A_475 : i32 to index
      %swap3A_477 = arith.index_cast %mul3A_427 : i32 to index
      %swap3A_478 = tpu.vector_load %arg9[%swap3A_476, %swap3A_477] {strides = array<i32>} : memref<4x1024xf32, #tpu.memory_space<vmem>>, vector<1x16xf32>,
      %swap3A_479 = vector.shape_cast %swap3A_478 : vector<1x16xf32> to vector<16xf32>
      %swap3A_480 = vector.shape_cast %add3A_474 : vector<16xf32> to vector<1x16xf32>
      tpu.vector_store %arg9[%swap3A_476, %swap3A_477], %swap3A_480 {strides = array<i32>} : memref<4x1024xf32, #tpu.memory_space<vmem>>, vector<1x16xf32>,
      %mul3A_481 = arith.constant 4 : i32
      %mul3A_482 = arith.muli %scan3A_304, %mul3A_481 : i32
      %add3A_483 = arith.constant 3 : i32
      %add3A_484 = arith.addi %mul3A_482, %add3A_483 : i32
      %mul3A_485 = arith.constant 16 : i32
      %mul3A_486 = arith.muli %add3A_484, %mul3A_485 : i32
      %get3A_487 = arith.constant 3 : i32
      %get3A_488 = arith.index_cast %get3A_487 : i32 to index
      %get3A_489 = arith.index_cast %mul3A_486 : i32 to index
      %get3A_490 = tpu.vector_load %arg5[%get3A_488, %get3A_489] {strides = array<i32>} : memref<4x1024xf32, #tpu.memory_space<vmem>>, vector<1x16xf32>,
      %get3A_491 = vector.shape_cast %get3A_490 : vector<1x16xf32> to vector<16xf32>
      %get3A_492 = arith.constant 3 : i32
      %get3A_493 = arith.index_cast %get3A_492 : i32 to index
      %get3A_494 = arith.index_cast %mul3A_486 : i32 to index
      %get3A_495 = tpu.vector_load %arg6[%get3A_493, %get3A_494] {strides = array<i32>} : memref<4x1024xf32, #tpu.memory_space<vmem>>, vector<1x16xf32>,
      %get3A_496 = vector.shape_cast %get3A_495 : vector<1x16xf32> to vector<16xf32>
      %add3A_497 = arith.addf %get3A_496, %get3A_491 : vector<16xf32>
      %swap3A_498 = arith.constant 3 : i32
      %swap3A_499 = arith.index_cast %swap3A_498 : i32 to index
      %swap3A_500 = arith.index_cast %mul3A_486 : i32 to index
      %swap3A_501 = tpu.vector_load %arg6[%swap3A_499, %swap3A_500] {strides = array<i32>} : memref<4x1024xf32, #tpu.memory_space<vmem>>, vector<1x16xf32>,
      %swap3A_502 = vector.shape_cast %swap3A_501 : vector<1x16xf32> to vector<16xf32>
      %swap3A_503 = vector.shape_cast %add3A_497 : vector<16xf32> to vector<1x16xf32>
      tpu.vector_store %arg6[%swap3A_499, %swap3A_500], %swap3A_503 {strides = array<i32>} : memref<4x1024xf32, #tpu.memory_space<vmem>>, vector<1x16xf32>,
      %get3A_504 = arith.constant 3 : i32
      %get3A_505 = arith.index_cast %get3A_504 : i32 to index
      %get3A_506 = arith.index_cast %mul3A_486 : i32 to index
      %get3A_507 = tpu.vector_load %arg7[%get3A_505, %get3A_506] {strides = array<i32>} : memref<4x1024xf32, #tpu.memory_space<vmem>>, vector<1x16xf32>,
      %get3A_508 = vector.shape_cast %get3A_507 : vector<1x16xf32> to vector<16xf32>
      %add3A_509 = arith.addf %get3A_508, %get3A_491 : vector<16xf32>
      %swap3A_510 = arith.constant 3 : i32
      %swap3A_511 = arith.index_cast %swap3A_510 : i32 to index
      %swap3A_512 = arith.index_cast %mul3A_486 : i32 to index
      %swap3A_513 = tpu.vector_load %arg7[%swap3A_511, %swap3A_512] {strides = array<i32>} : memref<4x1024xf32, #tpu.memory_space<vmem>>, vector<1x16xf32>,
      %swap3A_514 = vector.shape_cast %swap3A_513 : vector<1x16xf32> to vector<16xf32>
      %swap3A_515 = vector.shape_cast %add3A_509 : vector<16xf32> to vector<1x16xf32>
      tpu.vector_store %arg7[%swap3A_511, %swap3A_512], %swap3A_515 {strides = array<i32>} : memref<4x1024xf32, #tpu.memory_space<vmem>>, vector<1x16xf32>,
      %get3A_516 = arith.constant 3 : i32
      %get3A_517 = arith.index_cast %get3A_516 : i32 to index
      %get3A_518 = arith.index_cast %mul3A_486 : i32 to index
      %get3A_519 = tpu.vector_load %arg8[%get3A_517, %get3A_518] {strides = array<i32>} : memref<4x1024xf32, #tpu.memory_space<vmem>>, vector<1x16xf32>,
      %get3A_520 = vector.shape_cast %get3A_519 : vector<1x16xf32> to vector<16xf32>
      %add3A_521 = arith.addf %get3A_520, %get3A_491 : vector<16xf32>
      %swap3A_522 = arith.constant 3 : i32
      %swap3A_523 = arith.index_cast %swap3A_522 : i32 to index
      %swap3A_524 = arith.index_cast %mul3A_486 : i32 to index
      %swap3A_525 = tpu.vector_load %arg8[%swap3A_523, %swap3A_524] {strides = array<i32>} : memref<4x1024xf32, #tpu.memory_space<vmem>>, vector<1x16xf32>,
      %swap3A_526 = vector.shape_cast %swap3A_525 : vector<1x16xf32> to vector<16xf32>
      %swap3A_527 = vector.shape_cast %add3A_521 : vector<16xf32> to vector<1x16xf32>
      tpu.vector_store %arg8[%swap3A_523, %swap3A_524], %swap3A_527 {strides = array<i32>} : memref<4x1024xf32, #tpu.memory_space<vmem>>, vector<1x16xf32>,
      %get3A_528 = arith.constant 3 : i32
      %get3A_529 = arith.index_cast %get3A_528 : i32 to index
      %get3A_530 = arith.index_cast %mul3A_486 : i32 to index
      %get3A_531 = tpu.vector_load %arg9[%get3A_529, %get3A_530] {strides = array<i32>} : memref<4x1024xf32, #tpu.memory_space<vmem>>, vector<1x16xf32>,
      %get3A_532 = vector.shape_cast %get3A_531 : vector<1x16xf32> to vector<16xf32>
      %add3A_533 = arith.addf %get3A_532, %get3A_491 : vector<16xf32>
      %swap3A_534 = arith.constant 3 : i32
      %swap3A_535 = arith.index_cast %swap3A_534 : i32 to index
      %swap3A_536 = arith.index_cast %mul3A_486 : i32 to index
      %swap3A_537 = tpu.vector_load %arg9[%swap3A_535, %swap3A_536] {strides = array<i32>} : memref<4x1024xf32, #tpu.memory_space<vmem>>, vector<1x16xf32>,
      %swap3A_538 = vector.shape_cast %swap3A_537 : vector<1x16xf32> to vector<16xf32>
      %swap3A_539 = vector.shape_cast %add3A_533 : vector<16xf32> to vector<1x16xf32>
      tpu.vector_store %arg9[%swap3A_535, %swap3A_536], %swap3A_539 {strides = array<i32>} : memref<4x1024xf32, #tpu.memory_space<vmem>>, vector<1x16xf32>,
      %scan3A_540 = arith.constant 0 : i32
      scf.yield %scan3A_540 : i32
    }
    %scan3A_129 = arith.constant 16 : i32
    %dma_start3A_130 = arith.constant 0 : i32
    %dma_start3A_131 = arith.constant 0 : i32
    %dma_start3A_132 = tpu.memref_slice %arg4[%dma_start3A_130, %add3A_37, %dma_start3A_131] : memref<4x256x1024xf32, #tpu.memory_space<hbm>> -> memref<1x4x1024xf32, #tpu.memory_space<hbm>>
    %dma_start3A_133 = tpu.memref_squeeze %dma_start3A_132 : memref<1x4x1024xf32, #tpu.memory_space<hbm>> -> memref<4x1024xf32, #tpu.memory_space<hbm>>
    %dma_start3A_134 = arith.constant 0 : i32
    %dma_start3A_135 = tpu.memref_slice %arg4[%dma_start3A_130, %add3A_37, %dma_start3A_134] : memref<4x256x1024xf32, #tpu.memory_space<hbm>> -> memref<1x4x1024xf32, #tpu.memory_space<hbm>>
    %dma_start3A_136 = tpu.memref_squeeze %dma_start3A_135 : memref<1x4x1024xf32, #tpu.memory_space<hbm>> -> memref<4x1024xf32, #tpu.memory_space<hbm>>
    tpu.enqueue_dma source(%arg6 : memref<4x1024xf32, #tpu.memory_space<vmem>>) target(%dma_start3A_136 : memref<4x1024xf32, #tpu.memory_space<hbm>>) target_semaphore(%arg17 : memref<!tpu.dma_semaphore, #tpu.memory_space<semaphore_mem>>)
    %dma_start3A_137 = arith.constant 1 : i32
    %dma_start3A_138 = arith.constant 0 : i32
    %dma_start3A_139 = tpu.memref_slice %arg4[%dma_start3A_137, %add3A_37, %dma_start3A_138] : memref<4x256x1024xf32, #tpu.memory_space<hbm>> -> memref<1x4x1024xf32, #tpu.memory_space<hbm>>
    %dma_start3A_140 = tpu.memref_squeeze %dma_start3A_139 : memref<1x4x1024xf32, #tpu.memory_space<hbm>> -> memref<4x1024xf32, #tpu.memory_space<hbm>>
    %dma_start3A_141 = arith.constant 0 : i32
    %dma_start3A_142 = tpu.memref_slice %arg4[%dma_start3A_137, %add3A_37, %dma_start3A_141] : memref<4x256x1024xf32, #tpu.memory_space<hbm>> -> memref<1x4x1024xf32, #tpu.memory_space<hbm>>
    %dma_start3A_143 = tpu.memref_squeeze %dma_start3A_142 : memref<1x4x1024xf32, #tpu.memory_space<hbm>> -> memref<4x1024xf32, #tpu.memory_space<hbm>>
    tpu.enqueue_dma source(%arg7 : memref<4x1024xf32, #tpu.memory_space<vmem>>) target(%dma_start3A_143 : memref<4x1024xf32, #tpu.memory_space<hbm>>) target_semaphore(%arg17 : memref<!tpu.dma_semaphore, #tpu.memory_space<semaphore_mem>>)
    %dma_start3A_144 = arith.constant 2 : i32
    %dma_start3A_145 = arith.constant 0 : i32
    %dma_start3A_146 = tpu.memref_slice %arg4[%dma_start3A_144, %add3A_37, %dma_start3A_145] : memref<4x256x1024xf32, #tpu.memory_space<hbm>> -> memref<1x4x1024xf32, #tpu.memory_space<hbm>>
    %dma_start3A_147 = tpu.memref_squeeze %dma_start3A_146 : memref<1x4x1024xf32, #tpu.memory_space<hbm>> -> memref<4x1024xf32, #tpu.memory_space<hbm>>
    %dma_start3A_148 = arith.constant 0 : i32
    %dma_start3A_149 = tpu.memref_slice %arg4[%dma_start3A_144, %add3A_37, %dma_start3A_148] : memref<4x256x1024xf32, #tpu.memory_space<hbm>> -> memref<1x4x1024xf32, #tpu.memory_space<hbm>>
    %dma_start3A_150 = tpu.memref_squeeze %dma_start3A_149 : memref<1x4x1024xf32, #tpu.memory_space<hbm>> -> memref<4x1024xf32, #tpu.memory_space<hbm>>
    tpu.enqueue_dma source(%arg8 : memref<4x1024xf32, #tpu.memory_space<vmem>>) target(%dma_start3A_150 : memref<4x1024xf32, #tpu.memory_space<hbm>>) target_semaphore(%arg17 : memref<!tpu.dma_semaphore, #tpu.memory_space<semaphore_mem>>)
    %dma_start3A_151 = arith.constant 3 : i32
    %dma_start3A_152 = arith.constant 0 : i32
    %dma_start3A_153 = tpu.memref_slice %arg4[%dma_start3A_151, %add3A_37, %dma_start3A_152] : memref<4x256x1024xf32, #tpu.memory_space<hbm>> -> memref<1x4x1024xf32, #tpu.memory_space<hbm>>
    %dma_start3A_154 = tpu.memref_squeeze %dma_start3A_153 : memref<1x4x1024xf32, #tpu.memory_space<hbm>> -> memref<4x1024xf32, #tpu.memory_space<hbm>>
    %dma_start3A_155 = arith.constant 0 : i32
    %dma_start3A_156 = tpu.memref_slice %arg4[%dma_start3A_151, %add3A_37, %dma_start3A_155] : memref<4x256x1024xf32, #tpu.memory_space<hbm>> -> memref<1x4x1024xf32, #tpu.memory_space<hbm>>
    %dma_start3A_157 = tpu.memref_squeeze %dma_start3A_156 : memref<1x4x1024xf32, #tpu.memory_space<hbm>> -> memref<4x1024xf32, #tpu.memory_space<hbm>>
    tpu.enqueue_dma source(%arg9 : memref<4x1024xf32, #tpu.memory_space<vmem>>) target(%dma_start3A_157 : memref<4x1024xf32, #tpu.memory_space<hbm>>) target_semaphore(%arg17 : memref<!tpu.dma_semaphore, #tpu.memory_space<semaphore_mem>>)
    %add3A_158 = arith.constant 4 : i32
    %add3A_159 = arith.addi %mul3A_2, %add3A_158 : i32
    %dma_wait3A_160 = arith.constant 0 : i32
    %dma_wait3A_161 = tpu.memref_slice %arg3[%add3A_39, %dma_wait3A_160] : memref<2048x1024xf32, #tpu.memory_space<hbm>> -> memref<4x1024xf32, #tpu.memory_space<hbm>>
    %dma_wait3A_162 = arith.constant 0 : i32
    %dma_wait3A_163 = tpu.memref_slice %arg3[%add3A_39, %dma_wait3A_162] : memref<2048x1024xf32, #tpu.memory_space<hbm>> -> memref<4x1024xf32, #tpu.memory_space<hbm>>
    tpu.wait_dma2 semaphore(%arg16 : memref<!tpu.dma_semaphore, #tpu.memory_space<semaphore_mem>>) src(%dma_wait3A_163 : memref<4x1024xf32, #tpu.memory_space<hbm>>) dst(%arg10 : memref<4x1024xf32, #tpu.memory_space<vmem>>)
    %dma_wait3A_164 = arith.constant 0 : i32
    %dma_wait3A_165 = arith.constant 0 : i32
    %dma_wait3A_166 = tpu.memref_slice %arg2[%dma_wait3A_164, %add3A_39, %dma_wait3A_165] : memref<4x2048x1024xf32, #tpu.memory_space<hbm>> -> memref<1x4x1024xf32, #tpu.memory_space<hbm>>
    %dma_wait3A_167 = tpu.memref_squeeze %dma_wait3A_166 : memref<1x4x1024xf32, #tpu.memory_space<hbm>> -> memref<4x1024xf32, #tpu.memory_space<hbm>>
    %dma_wait3A_168 = arith.constant 0 : i32
    %dma_wait3A_169 = tpu.memref_slice %arg2[%dma_wait3A_164, %add3A_39, %dma_wait3A_168] : memref<4x2048x1024xf32, #tpu.memory_space<hbm>> -> memref<1x4x1024xf32, #tpu.memory_space<hbm>>
    %dma_wait3A_170 = tpu.memref_squeeze %dma_wait3A_169 : memref<1x4x1024xf32, #tpu.memory_space<hbm>> -> memref<4x1024xf32, #tpu.memory_space<hbm>>
    tpu.wait_dma2 semaphore(%arg16 : memref<!tpu.dma_semaphore, #tpu.memory_space<semaphore_mem>>) src(%dma_wait3A_170 : memref<4x1024xf32, #tpu.memory_space<hbm>>) dst(%arg11 : memref<4x1024xf32, #tpu.memory_space<vmem>>)
    %dma_wait3A_171 = arith.constant 1 : i32
    %dma_wait3A_172 = arith.constant 0 : i32
    %dma_wait3A_173 = tpu.memref_slice %arg2[%dma_wait3A_171, %add3A_39, %dma_wait3A_172] : memref<4x2048x1024xf32, #tpu.memory_space<hbm>> -> memref<1x4x1024xf32, #tpu.memory_space<hbm>>
    %dma_wait3A_174 = tpu.memref_squeeze %dma_wait3A_173 : memref<1x4x1024xf32, #tpu.memory_space<hbm>> -> memref<4x1024xf32, #tpu.memory_space<hbm>>
    %dma_wait3A_175 = arith.constant 0 : i32
    %dma_wait3A_176 = tpu.memref_slice %arg2[%dma_wait3A_171, %add3A_39, %dma_wait3A_175] : memref<4x2048x1024xf32, #tpu.memory_space<hbm>> -> memref<1x4x1024xf32, #tpu.memory_space<hbm>>
    %dma_wait3A_177 = tpu.memref_squeeze %dma_wait3A_176 : memref<1x4x1024xf32, #tpu.memory_space<hbm>> -> memref<4x1024xf32, #tpu.memory_space<hbm>>
    tpu.wait_dma2 semaphore(%arg16 : memref<!tpu.dma_semaphore, #tpu.memory_space<semaphore_mem>>) src(%dma_wait3A_177 : memref<4x1024xf32, #tpu.memory_space<hbm>>) dst(%arg12 : memref<4x1024xf32, #tpu.memory_space<vmem>>)
    %dma_wait3A_178 = arith.constant 2 : i32
    %dma_wait3A_179 = arith.constant 0 : i32
    %dma_wait3A_180 = tpu.memref_slice %arg2[%dma_wait3A_178, %add3A_39, %dma_wait3A_179] : memref<4x2048x1024xf32, #tpu.memory_space<hbm>> -> memref<1x4x1024xf32, #tpu.memory_space<hbm>>
    %dma_wait3A_181 = tpu.memref_squeeze %dma_wait3A_180 : memref<1x4x1024xf32, #tpu.memory_space<hbm>> -> memref<4x1024xf32, #tpu.memory_space<hbm>>
    %dma_wait3A_182 = arith.constant 0 : i32
    %dma_wait3A_183 = tpu.memref_slice %arg2[%dma_wait3A_178, %add3A_39, %dma_wait3A_182] : memref<4x2048x1024xf32, #tpu.memory_space<hbm>> -> memref<1x4x1024xf32, #tpu.memory_space<hbm>>
    %dma_wait3A_184 = tpu.memref_squeeze %dma_wait3A_183 : memref<1x4x1024xf32, #tpu.memory_space<hbm>> -> memref<4x1024xf32, #tpu.memory_space<hbm>>
    tpu.wait_dma2 semaphore(%arg16 : memref<!tpu.dma_semaphore, #tpu.memory_space<semaphore_mem>>) src(%dma_wait3A_184 : memref<4x1024xf32, #tpu.memory_space<hbm>>) dst(%arg13 : memref<4x1024xf32, #tpu.memory_space<vmem>>)
    %dma_wait3A_185 = arith.constant 3 : i32
    %dma_wait3A_186 = arith.constant 0 : i32
    %dma_wait3A_187 = tpu.memref_slice %arg2[%dma_wait3A_185, %add3A_39, %dma_wait3A_186] : memref<4x2048x1024xf32, #tpu.memory_space<hbm>> -> memref<1x4x1024xf32, #tpu.memory_space<hbm>>
    %dma_wait3A_188 = tpu.memref_squeeze %dma_wait3A_187 : memref<1x4x1024xf32, #tpu.memory_space<hbm>> -> memref<4x1024xf32, #tpu.memory_space<hbm>>
    %dma_wait3A_189 = arith.constant 0 : i32
    %dma_wait3A_190 = tpu.memref_slice %arg2[%dma_wait3A_185, %add3A_39, %dma_wait3A_189] : memref<4x2048x1024xf32, #tpu.memory_space<hbm>> -> memref<1x4x1024xf32, #tpu.memory_space<hbm>>
    %dma_wait3A_191 = tpu.memref_squeeze %dma_wait3A_190 : memref<1x4x1024xf32, #tpu.memory_space<hbm>> -> memref<4x1024xf32, #tpu.memory_space<hbm>>
    tpu.wait_dma2 semaphore(%arg16 : memref<!tpu.dma_semaphore, #tpu.memory_space<semaphore_mem>>) src(%dma_wait3A_191 : memref<4x1024xf32, #tpu.memory_space<hbm>>) dst(%arg14 : memref<4x1024xf32, #tpu.memory_space<vmem>>)
    %scan3A_192 = arith.constant 0 : i32
    %scan3A_193 = arith.constant 0 : i32
    %scan3A_194 = arith.constant 16 : i32
    %scan3A_195 = arith.addi %scan3A_193, %scan3A_194 : i32
    %scan3A_196 = arith.constant 1 : i32
    %scan3A_197 = scf.for %scan3A_304 = %scan3A_193 to %scan3A_195 step %scan3A_196 iter_args(%scan3A_305 = %scan3A_192) -> (i32)  : i32 {
      %mul3A_306 = arith.constant 4 : i32
      %mul3A_307 = arith.muli %scan3A_304, %mul3A_306 : i32
      %add3A_308 = arith.constant 0 : i32
      %add3A_309 = arith.addi %mul3A_307, %add3A_308 : i32
      %mul3A_310 = arith.constant 16 : i32
      %mul3A_311 = arith.muli %add3A_309, %mul3A_310 : i32
      %get3A = arith.constant 0 : i32
      %get3A_312 = arith.index_cast %get3A : i32 to index
      %get3A_313 = arith.index_cast %mul3A_311 : i32 to index
      %get3A_314 = tpu.vector_load %arg10[%get3A_312, %get3A_313] {strides = array<i32>} : memref<4x1024xf32, #tpu.memory_space<vmem>>, vector<1x16xf32>,
      %get3A_315 = vector.shape_cast %get3A_314 : vector<1x16xf32> to vector<16xf32>
      %get3A_316 = arith.constant 0 : i32
      %get3A_317 = arith.index_cast %get3A_316 : i32 to index
      %get3A_318 = arith.index_cast %mul3A_311 : i32 to index
      %get3A_319 = tpu.vector_load %arg11[%get3A_317, %get3A_318] {strides = array<i32>} : memref<4x1024xf32, #tpu.memory_space<vmem>>, vector<1x16xf32>,
      %get3A_320 = vector.shape_cast %get3A_319 : vector<1x16xf32> to vector<16xf32>
      %add3A_321 = arith.addf %get3A_320, %get3A_315 : vector<16xf32>
      %swap3A = arith.constant 0 : i32
      %swap3A_322 = arith.index_cast %swap3A : i32 to index
      %swap3A_323 = arith.index_cast %mul3A_311 : i32 to index
      %swap3A_324 = tpu.vector_load %arg11[%swap3A_322, %swap3A_323] {strides = array<i32>} : memref<4x1024xf32, #tpu.memory_space<vmem>>, vector<1x16xf32>,
      %swap3A_325 = vector.shape_cast %swap3A_324 : vector<1x16xf32> to vector<16xf32>
      %swap3A_326 = vector.shape_cast %add3A_321 : vector<16xf32> to vector<1x16xf32>
      tpu.vector_store %arg11[%swap3A_322, %swap3A_323], %swap3A_326 {strides = array<i32>} : memref<4x1024xf32, #tpu.memory_space<vmem>>, vector<1x16xf32>,
      %get3A_327 = arith.constant 0 : i32
      %get3A_328 = arith.index_cast %get3A_327 : i32 to index
      %get3A_329 = arith.index_cast %mul3A_311 : i32 to index
      %get3A_330 = tpu.vector_load %arg12[%get3A_328, %get3A_329] {strides = array<i32>} : memref<4x1024xf32, #tpu.memory_space<vmem>>, vector<1x16xf32>,
      %get3A_331 = vector.shape_cast %get3A_330 : vector<1x16xf32> to vector<16xf32>
      %add3A_332 = arith.addf %get3A_331, %get3A_315 : vector<16xf32>
      %swap3A_333 = arith.constant 0 : i32
      %swap3A_334 = arith.index_cast %swap3A_333 : i32 to index
      %swap3A_335 = arith.index_cast %mul3A_311 : i32 to index
      %swap3A_336 = tpu.vector_load %arg12[%swap3A_334, %swap3A_335] {strides = array<i32>} : memref<4x1024xf32, #tpu.memory_space<vmem>>, vector<1x16xf32>,
      %swap3A_337 = vector.shape_cast %swap3A_336 : vector<1x16xf32> to vector<16xf32>
      %swap3A_338 = vector.shape_cast %add3A_332 : vector<16xf32> to vector<1x16xf32>
      tpu.vector_store %arg12[%swap3A_334, %swap3A_335], %swap3A_338 {strides = array<i32>} : memref<4x1024xf32, #tpu.memory_space<vmem>>, vector<1x16xf32>,
      %get3A_339 = arith.constant 0 : i32
      %get3A_340 = arith.index_cast %get3A_339 : i32 to index
      %get3A_341 = arith.index_cast %mul3A_311 : i32 to index
      %get3A_342 = tpu.vector_load %arg13[%get3A_340, %get3A_341] {strides = array<i32>} : memref<4x1024xf32, #tpu.memory_space<vmem>>, vector<1x16xf32>,
      %get3A_343 = vector.shape_cast %get3A_342 : vector<1x16xf32> to vector<16xf32>
      %add3A_344 = arith.addf %get3A_343, %get3A_315 : vector<16xf32>
      %swap3A_345 = arith.constant 0 : i32
      %swap3A_346 = arith.index_cast %swap3A_345 : i32 to index
      %swap3A_347 = arith.index_cast %mul3A_311 : i32 to index
      %swap3A_348 = tpu.vector_load %arg13[%swap3A_346, %swap3A_347] {strides = array<i32>} : memref<4x1024xf32, #tpu.memory_space<vmem>>, vector<1x16xf32>,
      %swap3A_349 = vector.shape_cast %swap3A_348 : vector<1x16xf32> to vector<16xf32>
      %swap3A_350 = vector.shape_cast %add3A_344 : vector<16xf32> to vector<1x16xf32>
      tpu.vector_store %arg13[%swap3A_346, %swap3A_347], %swap3A_350 {strides = array<i32>} : memref<4x1024xf32, #tpu.memory_space<vmem>>, vector<1x16xf32>,
      %get3A_351 = arith.constant 0 : i32
      %get3A_352 = arith.index_cast %get3A_351 : i32 to index
      %get3A_353 = arith.index_cast %mul3A_311 : i32 to index
      %get3A_354 = tpu.vector_load %arg14[%get3A_352, %get3A_353] {strides = array<i32>} : memref<4x1024xf32, #tpu.memory_space<vmem>>, vector<1x16xf32>,
      %get3A_355 = vector.shape_cast %get3A_354 : vector<1x16xf32> to vector<16xf32>
      %add3A_356 = arith.addf %get3A_355, %get3A_315 : vector<16xf32>
      %swap3A_357 = arith.constant 0 : i32
      %swap3A_358 = arith.index_cast %swap3A_357 : i32 to index
      %swap3A_359 = arith.index_cast %mul3A_311 : i32 to index
      %swap3A_360 = tpu.vector_load %arg14[%swap3A_358, %swap3A_359] {strides = array<i32>} : memref<4x1024xf32, #tpu.memory_space<vmem>>, vector<1x16xf32>,
      %swap3A_361 = vector.shape_cast %swap3A_360 : vector<1x16xf32> to vector<16xf32>
      %swap3A_362 = vector.shape_cast %add3A_356 : vector<16xf32> to vector<1x16xf32>
      tpu.vector_store %arg14[%swap3A_358, %swap3A_359], %swap3A_362 {strides = array<i32>} : memref<4x1024xf32, #tpu.memory_space<vmem>>, vector<1x16xf32>,
      %mul3A_363 = arith.constant 4 : i32
      %mul3A_364 = arith.muli %scan3A_304, %mul3A_363 : i32
      %add3A_365 = arith.constant 1 : i32
      %add3A_366 = arith.addi %mul3A_364, %add3A_365 : i32
      %mul3A_367 = arith.constant 16 : i32
      %mul3A_368 = arith.muli %add3A_366, %mul3A_367 : i32
      %get3A_369 = arith.constant 0 : i32
      %get3A_370 = arith.index_cast %get3A_369 : i32 to index
      %get3A_371 = arith.index_cast %mul3A_368 : i32 to index
      %get3A_372 = tpu.vector_load %arg10[%get3A_370, %get3A_371] {strides = array<i32>} : memref<4x1024xf32, #tpu.memory_space<vmem>>, vector<1x16xf32>,
      %get3A_373 = vector.shape_cast %get3A_372 : vector<1x16xf32> to vector<16xf32>
      %get3A_374 = arith.constant 0 : i32
      %get3A_375 = arith.index_cast %get3A_374 : i32 to index
      %get3A_376 = arith.index_cast %mul3A_368 : i32 to index
      %get3A_377 = tpu.vector_load %arg11[%get3A_375, %get3A_376] {strides = array<i32>} : memref<4x1024xf32, #tpu.memory_space<vmem>>, vector<1x16xf32>,
      %get3A_378 = vector.shape_cast %get3A_377 : vector<1x16xf32> to vector<16xf32>
      %add3A_379 = arith.addf %get3A_378, %get3A_373 : vector<16xf32>
      %swap3A_380 = arith.constant 0 : i32
      %swap3A_381 = arith.index_cast %swap3A_380 : i32 to index
      %swap3A_382 = arith.index_cast %mul3A_368 : i32 to index
      %swap3A_383 = tpu.vector_load %arg11[%swap3A_381, %swap3A_382] {strides = array<i32>} : memref<4x1024xf32, #tpu.memory_space<vmem>>, vector<1x16xf32>,
      %swap3A_384 = vector.shape_cast %swap3A_383 : vector<1x16xf32> to vector<16xf32>
      %swap3A_385 = vector.shape_cast %add3A_379 : vector<16xf32> to vector<1x16xf32>
      tpu.vector_store %arg11[%swap3A_381, %swap3A_382], %swap3A_385 {strides = array<i32>} : memref<4x1024xf32, #tpu.memory_space<vmem>>, vector<1x16xf32>,
      %get3A_386 = arith.constant 0 : i32
      %get3A_387 = arith.index_cast %get3A_386 : i32 to index
      %get3A_388 = arith.index_cast %mul3A_368 : i32 to index
      %get3A_389 = tpu.vector_load %arg12[%get3A_387, %get3A_388] {strides = array<i32>} : memref<4x1024xf32, #tpu.memory_space<vmem>>, vector<1x16xf32>,
      %get3A_390 = vector.shape_cast %get3A_389 : vector<1x16xf32> to vector<16xf32>
      %add3A_391 = arith.addf %get3A_390, %get3A_373 : vector<16xf32>
      %swap3A_392 = arith.constant 0 : i32
      %swap3A_393 = arith.index_cast %swap3A_392 : i32 to index
      %swap3A_394 = arith.index_cast %mul3A_368 : i32 to index
      %swap3A_395 = tpu.vector_load %arg12[%swap3A_393, %swap3A_394] {strides = array<i32>} : memref<4x1024xf32, #tpu.memory_space<vmem>>, vector<1x16xf32>,
      %swap3A_396 = vector.shape_cast %swap3A_395 : vector<1x16xf32> to vector<16xf32>
      %swap3A_397 = vector.shape_cast %add3A_391 : vector<16xf32> to vector<1x16xf32>
      tpu.vector_store %arg12[%swap3A_393, %swap3A_394], %swap3A_397 {strides = array<i32>} : memref<4x1024xf32, #tpu.memory_space<vmem>>, vector<1x16xf32>,
      %get3A_398 = arith.constant 0 : i32
      %get3A_399 = arith.index_cast %get3A_398 : i32 to index
      %get3A_400 = arith.index_cast %mul3A_368 : i32 to index
      %get3A_401 = tpu.vector_load %arg13[%get3A_399, %get3A_400] {strides = array<i32>} : memref<4x1024xf32, #tpu.memory_space<vmem>>, vector<1x16xf32>,
      %get3A_402 = vector.shape_cast %get3A_401 : vector<1x16xf32> to vector<16xf32>
      %add3A_403 = arith.addf %get3A_402, %get3A_373 : vector<16xf32>
      %swap3A_404 = arith.constant 0 : i32
      %swap3A_405 = arith.index_cast %swap3A_404 : i32 to index
      %swap3A_406 = arith.index_cast %mul3A_368 : i32 to index
      %swap3A_407 = tpu.vector_load %arg13[%swap3A_405, %swap3A_406] {strides = array<i32>} : memref<4x1024xf32, #tpu.memory_space<vmem>>, vector<1x16xf32>,
      %swap3A_408 = vector.shape_cast %swap3A_407 : vector<1x16xf32> to vector<16xf32>
      %swap3A_409 = vector.shape_cast %add3A_403 : vector<16xf32> to vector<1x16xf32>
      tpu.vector_store %arg13[%swap3A_405, %swap3A_406], %swap3A_409 {strides = array<i32>} : memref<4x1024xf32, #tpu.memory_space<vmem>>, vector<1x16xf32>,
      %get3A_410 = arith.constant 0 : i32
      %get3A_411 = arith.index_cast %get3A_410 : i32 to index
      %get3A_412 = arith.index_cast %mul3A_368 : i32 to index
      %get3A_413 = tpu.vector_load %arg14[%get3A_411, %get3A_412] {strides = array<i32>} : memref<4x1024xf32, #tpu.memory_space<vmem>>, vector<1x16xf32>,
      %get3A_414 = vector.shape_cast %get3A_413 : vector<1x16xf32> to vector<16xf32>
      %add3A_415 = arith.addf %get3A_414, %get3A_373 : vector<16xf32>
      %swap3A_416 = arith.constant 0 : i32
      %swap3A_417 = arith.index_cast %swap3A_416 : i32 to index
      %swap3A_418 = arith.index_cast %mul3A_368 : i32 to index
      %swap3A_419 = tpu.vector_load %arg14[%swap3A_417, %swap3A_418] {strides = array<i32>} : memref<4x1024xf32, #tpu.memory_space<vmem>>, vector<1x16xf32>,
      %swap3A_420 = vector.shape_cast %swap3A_419 : vector<1x16xf32> to vector<16xf32>
      %swap3A_421 = vector.shape_cast %add3A_415 : vector<16xf32> to vector<1x16xf32>
      tpu.vector_store %arg14[%swap3A_417, %swap3A_418], %swap3A_421 {strides = array<i32>} : memref<4x1024xf32, #tpu.memory_space<vmem>>, vector<1x16xf32>,
      %mul3A_422 = arith.constant 4 : i32
      %mul3A_423 = arith.muli %scan3A_304, %mul3A_422 : i32
      %add3A_424 = arith.constant 2 : i32
      %add3A_425 = arith.addi %mul3A_423, %add3A_424 : i32
      %mul3A_426 = arith.constant 16 : i32
      %mul3A_427 = arith.muli %add3A_425, %mul3A_426 : i32
      %get3A_428 = arith.constant 0 : i32
      %get3A_429 = arith.index_cast %get3A_428 : i32 to index
      %get3A_430 = arith.index_cast %mul3A_427 : i32 to index
      %get3A_431 = tpu.vector_load %arg10[%get3A_429, %get3A_430] {strides = array<i32>} : memref<4x1024xf32, #tpu.memory_space<vmem>>, vector<1x16xf32>,
      %get3A_432 = vector.shape_cast %get3A_431 : vector<1x16xf32> to vector<16xf32>
      %get3A_433 = arith.constant 0 : i32
      %get3A_434 = arith.index_cast %get3A_433 : i32 to index
      %get3A_435 = arith.index_cast %mul3A_427 : i32 to index
      %get3A_436 = tpu.vector_load %arg11[%get3A_434, %get3A_435] {strides = array<i32>} : memref<4x1024xf32, #tpu.memory_space<vmem>>, vector<1x16xf32>,
      %get3A_437 = vector.shape_cast %get3A_436 : vector<1x16xf32> to vector<16xf32>
      %add3A_438 = arith.addf %get3A_437, %get3A_432 : vector<16xf32>
      %swap3A_439 = arith.constant 0 : i32
      %swap3A_440 = arith.index_cast %swap3A_439 : i32 to index
      %swap3A_441 = arith.index_cast %mul3A_427 : i32 to index
      %swap3A_442 = tpu.vector_load %arg11[%swap3A_440, %swap3A_441] {strides = array<i32>} : memref<4x1024xf32, #tpu.memory_space<vmem>>, vector<1x16xf32>,
      %swap3A_443 = vector.shape_cast %swap3A_442 : vector<1x16xf32> to vector<16xf32>
      %swap3A_444 = vector.shape_cast %add3A_438 : vector<16xf32> to vector<1x16xf32>
      tpu.vector_store %arg11[%swap3A_440, %swap3A_441], %swap3A_444 {strides = array<i32>} : memref<4x1024xf32, #tpu.memory_space<vmem>>, vector<1x16xf32>,
      %get3A_445 = arith.constant 0 : i32
      %get3A_446 = arith.index_cast %get3A_445 : i32 to index
      %get3A_447 = arith.index_cast %mul3A_427 : i32 to index
      %get3A_448 = tpu.vector_load %arg12[%get3A_446, %get3A_447] {strides = array<i32>} : memref<4x1024xf32, #tpu.memory_space<vmem>>, vector<1x16xf32>,
      %get3A_449 = vector.shape_cast %get3A_448 : vector<1x16xf32> to vector<16xf32>
      %add3A_450 = arith.addf %get3A_449, %get3A_432 : vector<16xf32>
      %swap3A_451 = arith.constant 0 : i32
      %swap3A_452 = arith.index_cast %swap3A_451 : i32 to index
      %swap3A_453 = arith.index_cast %mul3A_427 : i32 to index
      %swap3A_454 = tpu.vector_load %arg12[%swap3A_452, %swap3A_453] {strides = array<i32>} : memref<4x1024xf32, #tpu.memory_space<vmem>>, vector<1x16xf32>,
      %swap3A_455 = vector.shape_cast %swap3A_454 : vector<1x16xf32> to vector<16xf32>
      %swap3A_456 = vector.shape_cast %add3A_450 : vector<16xf32> to vector<1x16xf32>
      tpu.vector_store %arg12[%swap3A_452, %swap3A_453], %swap3A_456 {strides = array<i32>} : memref<4x1024xf32, #tpu.memory_space<vmem>>, vector<1x16xf32>,
      %get3A_457 = arith.constant 0 : i32
      %get3A_458 = arith.index_cast %get3A_457 : i32 to index
      %get3A_459 = arith.index_cast %mul3A_427 : i32 to index
      %get3A_460 = tpu.vector_load %arg13[%get3A_458, %get3A_459] {strides = array<i32>} : memref<4x1024xf32, #tpu.memory_space<vmem>>, vector<1x16xf32>,
      %get3A_461 = vector.shape_cast %get3A_460 : vector<1x16xf32> to vector<16xf32>
      %add3A_462 = arith.addf %get3A_461, %get3A_432 : vector<16xf32>
      %swap3A_463 = arith.constant 0 : i32
      %swap3A_464 = arith.index_cast %swap3A_463 : i32 to index
      %swap3A_465 = arith.index_cast %mul3A_427 : i32 to index
      %swap3A_466 = tpu.vector_load %arg13[%swap3A_464, %swap3A_465] {strides = array<i32>} : memref<4x1024xf32, #tpu.memory_space<vmem>>, vector<1x16xf32>,
      %swap3A_467 = vector.shape_cast %swap3A_466 : vector<1x16xf32> to vector<16xf32>
      %swap3A_468 = vector.shape_cast %add3A_462 : vector<16xf32> to vector<1x16xf32>
      tpu.vector_store %arg13[%swap3A_464, %swap3A_465], %swap3A_468 {strides = array<i32>} : memref<4x1024xf32, #tpu.memory_space<vmem>>, vector<1x16xf32>,
      %get3A_469 = arith.constant 0 : i32
      %get3A_470 = arith.index_cast %get3A_469 : i32 to index
      %get3A_471 = arith.index_cast %mul3A_427 : i32 to index
      %get3A_472 = tpu.vector_load %arg14[%get3A_470, %get3A_471] {strides = array<i32>} : memref<4x1024xf32, #tpu.memory_space<vmem>>, vector<1x16xf32>,
      %get3A_473 = vector.shape_cast %get3A_472 : vector<1x16xf32> to vector<16xf32>
      %add3A_474 = arith.addf %get3A_473, %get3A_432 : vector<16xf32>
      %swap3A_475 = arith.constant 0 : i32
      %swap3A_476 = arith.index_cast %swap3A_475 : i32 to index
      %swap3A_477 = arith.index_cast %mul3A_427 : i32 to index
      %swap3A_478 = tpu.vector_load %arg14[%swap3A_476, %swap3A_477] {strides = array<i32>} : memref<4x1024xf32, #tpu.memory_space<vmem>>, vector<1x16xf32>,
      %swap3A_479 = vector.shape_cast %swap3A_478 : vector<1x16xf32> to vector<16xf32>
      %swap3A_480 = vector.shape_cast %add3A_474 : vector<16xf32> to vector<1x16xf32>
      tpu.vector_store %arg14[%swap3A_476, %swap3A_477], %swap3A_480 {strides = array<i32>} : memref<4x1024xf32, #tpu.memory_space<vmem>>, vector<1x16xf32>,
      %mul3A_481 = arith.constant 4 : i32
      %mul3A_482 = arith.muli %scan3A_304, %mul3A_481 : i32
      %add3A_483 = arith.constant 3 : i32
      %add3A_484 = arith.addi %mul3A_482, %add3A_483 : i32
      %mul3A_485 = arith.constant 16 : i32
      %mul3A_486 = arith.muli %add3A_484, %mul3A_485 : i32
      %get3A_487 = arith.constant 0 : i32
      %get3A_488 = arith.index_cast %get3A_487 : i32 to index
      %get3A_489 = arith.index_cast %mul3A_486 : i32 to index
      %get3A_490 = tpu.vector_load %arg10[%get3A_488, %get3A_489] {strides = array<i32>} : memref<4x1024xf32, #tpu.memory_space<vmem>>, vector<1x16xf32>,
      %get3A_491 = vector.shape_cast %get3A_490 : vector<1x16xf32> to vector<16xf32>
      %get3A_492 = arith.constant 0 : i32
      %get3A_493 = arith.index_cast %get3A_492 : i32 to index
      %get3A_494 = arith.index_cast %mul3A_486 : i32 to index
      %get3A_495 = tpu.vector_load %arg11[%get3A_493, %get3A_494] {strides = array<i32>} : memref<4x1024xf32, #tpu.memory_space<vmem>>, vector<1x16xf32>,
      %get3A_496 = vector.shape_cast %get3A_495 : vector<1x16xf32> to vector<16xf32>
      %add3A_497 = arith.addf %get3A_496, %get3A_491 : vector<16xf32>
      %swap3A_498 = arith.constant 0 : i32
      %swap3A_499 = arith.index_cast %swap3A_498 : i32 to index
      %swap3A_500 = arith.index_cast %mul3A_486 : i32 to index
      %swap3A_501 = tpu.vector_load %arg11[%swap3A_499, %swap3A_500] {strides = array<i32>} : memref<4x1024xf32, #tpu.memory_space<vmem>>, vector<1x16xf32>,
      %swap3A_502 = vector.shape_cast %swap3A_501 : vector<1x16xf32> to vector<16xf32>
      %swap3A_503 = vector.shape_cast %add3A_497 : vector<16xf32> to vector<1x16xf32>
      tpu.vector_store %arg11[%swap3A_499, %swap3A_500], %swap3A_503 {strides = array<i32>} : memref<4x1024xf32, #tpu.memory_space<vmem>>, vector<1x16xf32>,
      %get3A_504 = arith.constant 0 : i32
      %get3A_505 = arith.index_cast %get3A_504 : i32 to index
      %get3A_506 = arith.index_cast %mul3A_486 : i32 to index
      %get3A_507 = tpu.vector_load %arg12[%get3A_505, %get3A_506] {strides = array<i32>} : memref<4x1024xf32, #tpu.memory_space<vmem>>, vector<1x16xf32>,
      %get3A_508 = vector.shape_cast %get3A_507 : vector<1x16xf32> to vector<16xf32>
      %add3A_509 = arith.addf %get3A_508, %get3A_491 : vector<16xf32>
      %swap3A_510 = arith.constant 0 : i32
      %swap3A_511 = arith.index_cast %swap3A_510 : i32 to index
      %swap3A_512 = arith.index_cast %mul3A_486 : i32 to index
      %swap3A_513 = tpu.vector_load %arg12[%swap3A_511, %swap3A_512] {strides = array<i32>} : memref<4x1024xf32, #tpu.memory_space<vmem>>, vector<1x16xf32>,
      %swap3A_514 = vector.shape_cast %swap3A_513 : vector<1x16xf32> to vector<16xf32>
      %swap3A_515 = vector.shape_cast %add3A_509 : vector<16xf32> to vector<1x16xf32>
      tpu.vector_store %arg12[%swap3A_511, %swap3A_512], %swap3A_515 {strides = array<i32>} : memref<4x1024xf32, #tpu.memory_space<vmem>>, vector<1x16xf32>,
      %get3A_516 = arith.constant 0 : i32
      %get3A_517 = arith.index_cast %get3A_516 : i32 to index
      %get3A_518 = arith.index_cast %mul3A_486 : i32 to index
      %get3A_519 = tpu.vector_load %arg13[%get3A_517, %get3A_518] {strides = array<i32>} : memref<4x1024xf32, #tpu.memory_space<vmem>>, vector<1x16xf32>,
      %get3A_520 = vector.shape_cast %get3A_519 : vector<1x16xf32> to vector<16xf32>
      %add3A_521 = arith.addf %get3A_520, %get3A_491 : vector<16xf32>
      %swap3A_522 = arith.constant 0 : i32
      %swap3A_523 = arith.index_cast %swap3A_522 : i32 to index
      %swap3A_524 = arith.index_cast %mul3A_486 : i32 to index
      %swap3A_525 = tpu.vector_load %arg13[%swap3A_523, %swap3A_524] {strides = array<i32>} : memref<4x1024xf32, #tpu.memory_space<vmem>>, vector<1x16xf32>,
      %swap3A_526 = vector.shape_cast %swap3A_525 : vector<1x16xf32> to vector<16xf32>
      %swap3A_527 = vector.shape_cast %add3A_521 : vector<16xf32> to vector<1x16xf32>
      tpu.vector_store %arg13[%swap3A_523, %swap3A_524], %swap3A_527 {strides = array<i32>} : memref<4x1024xf32, #tpu.memory_space<vmem>>, vector<1x16xf32>,
      %get3A_528 = arith.constant 0 : i32
      %get3A_529 = arith.index_cast %get3A_528 : i32 to index
      %get3A_530 = arith.index_cast %mul3A_486 : i32 to index
      %get3A_531 = tpu.vector_load %arg14[%get3A_529, %get3A_530] {strides = array<i32>} : memref<4x1024xf32, #tpu.memory_space<vmem>>, vector<1x16xf32>,
      %get3A_532 = vector.shape_cast %get3A_531 : vector<1x16xf32> to vector<16xf32>
      %add3A_533 = arith.addf %get3A_532, %get3A_491 : vector<16xf32>
      %swap3A_534 = arith.constant 0 : i32
      %swap3A_535 = arith.index_cast %swap3A_534 : i32 to index
      %swap3A_536 = arith.index_cast %mul3A_486 : i32 to index
      %swap3A_537 = tpu.vector_load %arg14[%swap3A_535, %swap3A_536] {strides = array<i32>} : memref<4x1024xf32, #tpu.memory_space<vmem>>, vector<1x16xf32>,
      %swap3A_538 = vector.shape_cast %swap3A_537 : vector<1x16xf32> to vector<16xf32>
      %swap3A_539 = vector.shape_cast %add3A_533 : vector<16xf32> to vector<1x16xf32>
      tpu.vector_store %arg14[%swap3A_535, %swap3A_536], %swap3A_539 {strides = array<i32>} : memref<4x1024xf32, #tpu.memory_space<vmem>>, vector<1x16xf32>,
      %scan3A_540 = arith.constant 0 : i32
      scf.yield %scan3A_540 : i32
    }
    %scan3A_198 = arith.constant 16 : i32
    %scan3A_199 = arith.constant 0 : i32
    %scan3A_200 = arith.constant 0 : i32
    %scan3A_201 = arith.constant 16 : i32
    %scan3A_202 = arith.addi %scan3A_200, %scan3A_201 : i32
    %scan3A_203 = arith.constant 1 : i32
    %scan3A_204 = scf.for %scan3A_304 = %scan3A_200 to %scan3A_202 step %scan3A_203 iter_args(%scan3A_305 = %scan3A_199) -> (i32)  : i32 {
      %mul3A_306 = arith.constant 4 : i32
      %mul3A_307 = arith.muli %scan3A_304, %mul3A_306 : i32
      %add3A_308 = arith.constant 0 : i32
      %add3A_309 = arith.addi %mul3A_307, %add3A_308 : i32
      %mul3A_310 = arith.constant 16 : i32
      %mul3A_311 = arith.muli %add3A_309, %mul3A_310 : i32
      %get3A = arith.constant 1 : i32
      %get3A_312 = arith.index_cast %get3A : i32 to index
      %get3A_313 = arith.index_cast %mul3A_311 : i32 to index
      %get3A_314 = tpu.vector_load %arg10[%get3A_312, %get3A_313] {strides = array<i32>} : memref<4x1024xf32, #tpu.memory_space<vmem>>, vector<1x16xf32>,
      %get3A_315 = vector.shape_cast %get3A_314 : vector<1x16xf32> to vector<16xf32>
      %get3A_316 = arith.constant 1 : i32
      %get3A_317 = arith.index_cast %get3A_316 : i32 to index
      %get3A_318 = arith.index_cast %mul3A_311 : i32 to index
      %get3A_319 = tpu.vector_load %arg11[%get3A_317, %get3A_318] {strides = array<i32>} : memref<4x1024xf32, #tpu.memory_space<vmem>>, vector<1x16xf32>,
      %get3A_320 = vector.shape_cast %get3A_319 : vector<1x16xf32> to vector<16xf32>
      %add3A_321 = arith.addf %get3A_320, %get3A_315 : vector<16xf32>
      %swap3A = arith.constant 1 : i32
      %swap3A_322 = arith.index_cast %swap3A : i32 to index
      %swap3A_323 = arith.index_cast %mul3A_311 : i32 to index
      %swap3A_324 = tpu.vector_load %arg11[%swap3A_322, %swap3A_323] {strides = array<i32>} : memref<4x1024xf32, #tpu.memory_space<vmem>>, vector<1x16xf32>,
      %swap3A_325 = vector.shape_cast %swap3A_324 : vector<1x16xf32> to vector<16xf32>
      %swap3A_326 = vector.shape_cast %add3A_321 : vector<16xf32> to vector<1x16xf32>
      tpu.vector_store %arg11[%swap3A_322, %swap3A_323], %swap3A_326 {strides = array<i32>} : memref<4x1024xf32, #tpu.memory_space<vmem>>, vector<1x16xf32>,
      %get3A_327 = arith.constant 1 : i32
      %get3A_328 = arith.index_cast %get3A_327 : i32 to index
      %get3A_329 = arith.index_cast %mul3A_311 : i32 to index
      %get3A_330 = tpu.vector_load %arg12[%get3A_328, %get3A_329] {strides = array<i32>} : memref<4x1024xf32, #tpu.memory_space<vmem>>, vector<1x16xf32>,
      %get3A_331 = vector.shape_cast %get3A_330 : vector<1x16xf32> to vector<16xf32>
      %add3A_332 = arith.addf %get3A_331, %get3A_315 : vector<16xf32>
      %swap3A_333 = arith.constant 1 : i32
      %swap3A_334 = arith.index_cast %swap3A_333 : i32 to index
      %swap3A_335 = arith.index_cast %mul3A_311 : i32 to index
      %swap3A_336 = tpu.vector_load %arg12[%swap3A_334, %swap3A_335] {strides = array<i32>} : memref<4x1024xf32, #tpu.memory_space<vmem>>, vector<1x16xf32>,
      %swap3A_337 = vector.shape_cast %swap3A_336 : vector<1x16xf32> to vector<16xf32>
      %swap3A_338 = vector.shape_cast %add3A_332 : vector<16xf32> to vector<1x16xf32>
      tpu.vector_store %arg12[%swap3A_334, %swap3A_335], %swap3A_338 {strides = array<i32>} : memref<4x1024xf32, #tpu.memory_space<vmem>>, vector<1x16xf32>,
      %get3A_339 = arith.constant 1 : i32
      %get3A_340 = arith.index_cast %get3A_339 : i32 to index
      %get3A_341 = arith.index_cast %mul3A_311 : i32 to index
      %get3A_342 = tpu.vector_load %arg13[%get3A_340, %get3A_341] {strides = array<i32>} : memref<4x1024xf32, #tpu.memory_space<vmem>>, vector<1x16xf32>,
      %get3A_343 = vector.shape_cast %get3A_342 : vector<1x16xf32> to vector<16xf32>
      %add3A_344 = arith.addf %get3A_343, %get3A_315 : vector<16xf32>
      %swap3A_345 = arith.constant 1 : i32
      %swap3A_346 = arith.index_cast %swap3A_345 : i32 to index
      %swap3A_347 = arith.index_cast %mul3A_311 : i32 to index
      %swap3A_348 = tpu.vector_load %arg13[%swap3A_346, %swap3A_347] {strides = array<i32>} : memref<4x1024xf32, #tpu.memory_space<vmem>>, vector<1x16xf32>,
      %swap3A_349 = vector.shape_cast %swap3A_348 : vector<1x16xf32> to vector<16xf32>
      %swap3A_350 = vector.shape_cast %add3A_344 : vector<16xf32> to vector<1x16xf32>
      tpu.vector_store %arg13[%swap3A_346, %swap3A_347], %swap3A_350 {strides = array<i32>} : memref<4x1024xf32, #tpu.memory_space<vmem>>, vector<1x16xf32>,
      %get3A_351 = arith.constant 1 : i32
      %get3A_352 = arith.index_cast %get3A_351 : i32 to index
      %get3A_353 = arith.index_cast %mul3A_311 : i32 to index
      %get3A_354 = tpu.vector_load %arg14[%get3A_352, %get3A_353] {strides = array<i32>} : memref<4x1024xf32, #tpu.memory_space<vmem>>, vector<1x16xf32>,
      %get3A_355 = vector.shape_cast %get3A_354 : vector<1x16xf32> to vector<16xf32>
      %add3A_356 = arith.addf %get3A_355, %get3A_315 : vector<16xf32>
      %swap3A_357 = arith.constant 1 : i32
      %swap3A_358 = arith.index_cast %swap3A_357 : i32 to index
      %swap3A_359 = arith.index_cast %mul3A_311 : i32 to index
      %swap3A_360 = tpu.vector_load %arg14[%swap3A_358, %swap3A_359] {strides = array<i32>} : memref<4x1024xf32, #tpu.memory_space<vmem>>, vector<1x16xf32>,
      %swap3A_361 = vector.shape_cast %swap3A_360 : vector<1x16xf32> to vector<16xf32>
      %swap3A_362 = vector.shape_cast %add3A_356 : vector<16xf32> to vector<1x16xf32>
      tpu.vector_store %arg14[%swap3A_358, %swap3A_359], %swap3A_362 {strides = array<i32>} : memref<4x1024xf32, #tpu.memory_space<vmem>>, vector<1x16xf32>,
      %mul3A_363 = arith.constant 4 : i32
      %mul3A_364 = arith.muli %scan3A_304, %mul3A_363 : i32
      %add3A_365 = arith.constant 1 : i32
      %add3A_366 = arith.addi %mul3A_364, %add3A_365 : i32
      %mul3A_367 = arith.constant 16 : i32
      %mul3A_368 = arith.muli %add3A_366, %mul3A_367 : i32
      %get3A_369 = arith.constant 1 : i32
      %get3A_370 = arith.index_cast %get3A_369 : i32 to index
      %get3A_371 = arith.index_cast %mul3A_368 : i32 to index
      %get3A_372 = tpu.vector_load %arg10[%get3A_370, %get3A_371] {strides = array<i32>} : memref<4x1024xf32, #tpu.memory_space<vmem>>, vector<1x16xf32>,
      %get3A_373 = vector.shape_cast %get3A_372 : vector<1x16xf32> to vector<16xf32>
      %get3A_374 = arith.constant 1 : i32
      %get3A_375 = arith.index_cast %get3A_374 : i32 to index
      %get3A_376 = arith.index_cast %mul3A_368 : i32 to index
      %get3A_377 = tpu.vector_load %arg11[%get3A_375, %get3A_376] {strides = array<i32>} : memref<4x1024xf32, #tpu.memory_space<vmem>>, vector<1x16xf32>,
      %get3A_378 = vector.shape_cast %get3A_377 : vector<1x16xf32> to vector<16xf32>
      %add3A_379 = arith.addf %get3A_378, %get3A_373 : vector<16xf32>
      %swap3A_380 = arith.constant 1 : i32
      %swap3A_381 = arith.index_cast %swap3A_380 : i32 to index
      %swap3A_382 = arith.index_cast %mul3A_368 : i32 to index
      %swap3A_383 = tpu.vector_load %arg11[%swap3A_381, %swap3A_382] {strides = array<i32>} : memref<4x1024xf32, #tpu.memory_space<vmem>>, vector<1x16xf32>,
      %swap3A_384 = vector.shape_cast %swap3A_383 : vector<1x16xf32> to vector<16xf32>
      %swap3A_385 = vector.shape_cast %add3A_379 : vector<16xf32> to vector<1x16xf32>
      tpu.vector_store %arg11[%swap3A_381, %swap3A_382], %swap3A_385 {strides = array<i32>} : memref<4x1024xf32, #tpu.memory_space<vmem>>, vector<1x16xf32>,
      %get3A_386 = arith.constant 1 : i32
      %get3A_387 = arith.index_cast %get3A_386 : i32 to index
      %get3A_388 = arith.index_cast %mul3A_368 : i32 to index
      %get3A_389 = tpu.vector_load %arg12[%get3A_387, %get3A_388] {strides = array<i32>} : memref<4x1024xf32, #tpu.memory_space<vmem>>, vector<1x16xf32>,
      %get3A_390 = vector.shape_cast %get3A_389 : vector<1x16xf32> to vector<16xf32>
      %add3A_391 = arith.addf %get3A_390, %get3A_373 : vector<16xf32>
      %swap3A_392 = arith.constant 1 : i32
      %swap3A_393 = arith.index_cast %swap3A_392 : i32 to index
      %swap3A_394 = arith.index_cast %mul3A_368 : i32 to index
      %swap3A_395 = tpu.vector_load %arg12[%swap3A_393, %swap3A_394] {strides = array<i32>} : memref<4x1024xf32, #tpu.memory_space<vmem>>, vector<1x16xf32>,
      %swap3A_396 = vector.shape_cast %swap3A_395 : vector<1x16xf32> to vector<16xf32>
      %swap3A_397 = vector.shape_cast %add3A_391 : vector<16xf32> to vector<1x16xf32>
      tpu.vector_store %arg12[%swap3A_393, %swap3A_394], %swap3A_397 {strides = array<i32>} : memref<4x1024xf32, #tpu.memory_space<vmem>>, vector<1x16xf32>,
      %get3A_398 = arith.constant 1 : i32
      %get3A_399 = arith.index_cast %get3A_398 : i32 to index
      %get3A_400 = arith.index_cast %mul3A_368 : i32 to index
      %get3A_401 = tpu.vector_load %arg13[%get3A_399, %get3A_400] {strides = array<i32>} : memref<4x1024xf32, #tpu.memory_space<vmem>>, vector<1x16xf32>,
      %get3A_402 = vector.shape_cast %get3A_401 : vector<1x16xf32> to vector<16xf32>
      %add3A_403 = arith.addf %get3A_402, %get3A_373 : vector<16xf32>
      %swap3A_404 = arith.constant 1 : i32
      %swap3A_405 = arith.index_cast %swap3A_404 : i32 to index
      %swap3A_406 = arith.index_cast %mul3A_368 : i32 to index
      %swap3A_407 = tpu.vector_load %arg13[%swap3A_405, %swap3A_406] {strides = array<i32>} : memref<4x1024xf32, #tpu.memory_space<vmem>>, vector<1x16xf32>,
      %swap3A_408 = vector.shape_cast %swap3A_407 : vector<1x16xf32> to vector<16xf32>
      %swap3A_409 = vector.shape_cast %add3A_403 : vector<16xf32> to vector<1x16xf32>
      tpu.vector_store %arg13[%swap3A_405, %swap3A_406], %swap3A_409 {strides = array<i32>} : memref<4x1024xf32, #tpu.memory_space<vmem>>, vector<1x16xf32>,
      %get3A_410 = arith.constant 1 : i32
      %get3A_411 = arith.index_cast %get3A_410 : i32 to index
      %get3A_412 = arith.index_cast %mul3A_368 : i32 to index
      %get3A_413 = tpu.vector_load %arg14[%get3A_411, %get3A_412] {strides = array<i32>} : memref<4x1024xf32, #tpu.memory_space<vmem>>, vector<1x16xf32>,
      %get3A_414 = vector.shape_cast %get3A_413 : vector<1x16xf32> to vector<16xf32>
      %add3A_415 = arith.addf %get3A_414, %get3A_373 : vector<16xf32>
      %swap3A_416 = arith.constant 1 : i32
      %swap3A_417 = arith.index_cast %swap3A_416 : i32 to index
      %swap3A_418 = arith.index_cast %mul3A_368 : i32 to index
      %swap3A_419 = tpu.vector_load %arg14[%swap3A_417, %swap3A_418] {strides = array<i32>} : memref<4x1024xf32, #tpu.memory_space<vmem>>, vector<1x16xf32>,
      %swap3A_420 = vector.shape_cast %swap3A_419 : vector<1x16xf32> to vector<16xf32>
      %swap3A_421 = vector.shape_cast %add3A_415 : vector<16xf32> to vector<1x16xf32>
      tpu.vector_store %arg14[%swap3A_417, %swap3A_418], %swap3A_421 {strides = array<i32>} : memref<4x1024xf32, #tpu.memory_space<vmem>>, vector<1x16xf32>,
      %mul3A_422 = arith.constant 4 : i32
      %mul3A_423 = arith.muli %scan3A_304, %mul3A_422 : i32
      %add3A_424 = arith.constant 2 : i32
      %add3A_425 = arith.addi %mul3A_423, %add3A_424 : i32
      %mul3A_426 = arith.constant 16 : i32
      %mul3A_427 = arith.muli %add3A_425, %mul3A_426 : i32
      %get3A_428 = arith.constant 1 : i32
      %get3A_429 = arith.index_cast %get3A_428 : i32 to index
      %get3A_430 = arith.index_cast %mul3A_427 : i32 to index
      %get3A_431 = tpu.vector_load %arg10[%get3A_429, %get3A_430] {strides = array<i32>} : memref<4x1024xf32, #tpu.memory_space<vmem>>, vector<1x16xf32>,
      %get3A_432 = vector.shape_cast %get3A_431 : vector<1x16xf32> to vector<16xf32>
      %get3A_433 = arith.constant 1 : i32
      %get3A_434 = arith.index_cast %get3A_433 : i32 to index
      %get3A_435 = arith.index_cast %mul3A_427 : i32 to index
      %get3A_436 = tpu.vector_load %arg11[%get3A_434, %get3A_435] {strides = array<i32>} : memref<4x1024xf32, #tpu.memory_space<vmem>>, vector<1x16xf32>,
      %get3A_437 = vector.shape_cast %get3A_436 : vector<1x16xf32> to vector<16xf32>
      %add3A_438 = arith.addf %get3A_437, %get3A_432 : vector<16xf32>
      %swap3A_439 = arith.constant 1 : i32
      %swap3A_440 = arith.index_cast %swap3A_439 : i32 to index
      %swap3A_441 = arith.index_cast %mul3A_427 : i32 to index
      %swap3A_442 = tpu.vector_load %arg11[%swap3A_440, %swap3A_441] {strides = array<i32>} : memref<4x1024xf32, #tpu.memory_space<vmem>>, vector<1x16xf32>,
      %swap3A_443 = vector.shape_cast %swap3A_442 : vector<1x16xf32> to vector<16xf32>
      %swap3A_444 = vector.shape_cast %add3A_438 : vector<16xf32> to vector<1x16xf32>
      tpu.vector_store %arg11[%swap3A_440, %swap3A_441], %swap3A_444 {strides = array<i32>} : memref<4x1024xf32, #tpu.memory_space<vmem>>, vector<1x16xf32>,
      %get3A_445 = arith.constant 1 : i32
      %get3A_446 = arith.index_cast %get3A_445 : i32 to index
      %get3A_447 = arith.index_cast %mul3A_427 : i32 to index
      %get3A_448 = tpu.vector_load %arg12[%get3A_446, %get3A_447] {strides = array<i32>} : memref<4x1024xf32, #tpu.memory_space<vmem>>, vector<1x16xf32>,
      %get3A_449 = vector.shape_cast %get3A_448 : vector<1x16xf32> to vector<16xf32>
      %add3A_450 = arith.addf %get3A_449, %get3A_432 : vector<16xf32>
      %swap3A_451 = arith.constant 1 : i32
      %swap3A_452 = arith.index_cast %swap3A_451 : i32 to index
      %swap3A_453 = arith.index_cast %mul3A_427 : i32 to index
      %swap3A_454 = tpu.vector_load %arg12[%swap3A_452, %swap3A_453] {strides = array<i32>} : memref<4x1024xf32, #tpu.memory_space<vmem>>, vector<1x16xf32>,
      %swap3A_455 = vector.shape_cast %swap3A_454 : vector<1x16xf32> to vector<16xf32>
      %swap3A_456 = vector.shape_cast %add3A_450 : vector<16xf32> to vector<1x16xf32>
      tpu.vector_store %arg12[%swap3A_452, %swap3A_453], %swap3A_456 {strides = array<i32>} : memref<4x1024xf32, #tpu.memory_space<vmem>>, vector<1x16xf32>,
      %get3A_457 = arith.constant 1 : i32
      %get3A_458 = arith.index_cast %get3A_457 : i32 to index
      %get3A_459 = arith.index_cast %mul3A_427 : i32 to index
      %get3A_460 = tpu.vector_load %arg13[%get3A_458, %get3A_459] {strides = array<i32>} : memref<4x1024xf32, #tpu.memory_space<vmem>>, vector<1x16xf32>,
      %get3A_461 = vector.shape_cast %get3A_460 : vector<1x16xf32> to vector<16xf32>
      %add3A_462 = arith.addf %get3A_461, %get3A_432 : vector<16xf32>
      %swap3A_463 = arith.constant 1 : i32
      %swap3A_464 = arith.index_cast %swap3A_463 : i32 to index
      %swap3A_465 = arith.index_cast %mul3A_427 : i32 to index
      %swap3A_466 = tpu.vector_load %arg13[%swap3A_464, %swap3A_465] {strides = array<i32>} : memref<4x1024xf32, #tpu.memory_space<vmem>>, vector<1x16xf32>,
      %swap3A_467 = vector.shape_cast %swap3A_466 : vector<1x16xf32> to vector<16xf32>
      %swap3A_468 = vector.shape_cast %add3A_462 : vector<16xf32> to vector<1x16xf32>
      tpu.vector_store %arg13[%swap3A_464, %swap3A_465], %swap3A_468 {strides = array<i32>} : memref<4x1024xf32, #tpu.memory_space<vmem>>, vector<1x16xf32>,
      %get3A_469 = arith.constant 1 : i32
      %get3A_470 = arith.index_cast %get3A_469 : i32 to index
      %get3A_471 = arith.index_cast %mul3A_427 : i32 to index
      %get3A_472 = tpu.vector_load %arg14[%get3A_470, %get3A_471] {strides = array<i32>} : memref<4x1024xf32, #tpu.memory_space<vmem>>, vector<1x16xf32>,
      %get3A_473 = vector.shape_cast %get3A_472 : vector<1x16xf32> to vector<16xf32>
      %add3A_474 = arith.addf %get3A_473, %get3A_432 : vector<16xf32>
      %swap3A_475 = arith.constant 1 : i32
      %swap3A_476 = arith.index_cast %swap3A_475 : i32 to index
      %swap3A_477 = arith.index_cast %mul3A_427 : i32 to index
      %swap3A_478 = tpu.vector_load %arg14[%swap3A_476, %swap3A_477] {strides = array<i32>} : memref<4x1024xf32, #tpu.memory_space<vmem>>, vector<1x16xf32>,
      %swap3A_479 = vector.shape_cast %swap3A_478 : vector<1x16xf32> to vector<16xf32>
      %swap3A_480 = vector.shape_cast %add3A_474 : vector<16xf32> to vector<1x16xf32>
      tpu.vector_store %arg14[%swap3A_476, %swap3A_477], %swap3A_480 {strides = array<i32>} : memref<4x1024xf32, #tpu.memory_space<vmem>>, vector<1x16xf32>,
      %mul3A_481 = arith.constant 4 : i32
      %mul3A_482 = arith.muli %scan3A_304, %mul3A_481 : i32
      %add3A_483 = arith.constant 3 : i32
      %add3A_484 = arith.addi %mul3A_482, %add3A_483 : i32
      %mul3A_485 = arith.constant 16 : i32
      %mul3A_486 = arith.muli %add3A_484, %mul3A_485 : i32
      %get3A_487 = arith.constant 1 : i32
      %get3A_488 = arith.index_cast %get3A_487 : i32 to index
      %get3A_489 = arith.index_cast %mul3A_486 : i32 to index
      %get3A_490 = tpu.vector_load %arg10[%get3A_488, %get3A_489] {strides = array<i32>} : memref<4x1024xf32, #tpu.memory_space<vmem>>, vector<1x16xf32>,
      %get3A_491 = vector.shape_cast %get3A_490 : vector<1x16xf32> to vector<16xf32>
      %get3A_492 = arith.constant 1 : i32
      %get3A_493 = arith.index_cast %get3A_492 : i32 to index
      %get3A_494 = arith.index_cast %mul3A_486 : i32 to index
      %get3A_495 = tpu.vector_load %arg11[%get3A_493, %get3A_494] {strides = array<i32>} : memref<4x1024xf32, #tpu.memory_space<vmem>>, vector<1x16xf32>,
      %get3A_496 = vector.shape_cast %get3A_495 : vector<1x16xf32> to vector<16xf32>
      %add3A_497 = arith.addf %get3A_496, %get3A_491 : vector<16xf32>
      %swap3A_498 = arith.constant 1 : i32
      %swap3A_499 = arith.index_cast %swap3A_498 : i32 to index
      %swap3A_500 = arith.index_cast %mul3A_486 : i32 to index
      %swap3A_501 = tpu.vector_load %arg11[%swap3A_499, %swap3A_500] {strides = array<i32>} : memref<4x1024xf32, #tpu.memory_space<vmem>>, vector<1x16xf32>,
      %swap3A_502 = vector.shape_cast %swap3A_501 : vector<1x16xf32> to vector<16xf32>
      %swap3A_503 = vector.shape_cast %add3A_497 : vector<16xf32> to vector<1x16xf32>
      tpu.vector_store %arg11[%swap3A_499, %swap3A_500], %swap3A_503 {strides = array<i32>} : memref<4x1024xf32, #tpu.memory_space<vmem>>, vector<1x16xf32>,
      %get3A_504 = arith.constant 1 : i32
      %get3A_505 = arith.index_cast %get3A_504 : i32 to index
      %get3A_506 = arith.index_cast %mul3A_486 : i32 to index
      %get3A_507 = tpu.vector_load %arg12[%get3A_505, %get3A_506] {strides = array<i32>} : memref<4x1024xf32, #tpu.memory_space<vmem>>, vector<1x16xf32>,
      %get3A_508 = vector.shape_cast %get3A_507 : vector<1x16xf32> to vector<16xf32>
      %add3A_509 = arith.addf %get3A_508, %get3A_491 : vector<16xf32>
      %swap3A_510 = arith.constant 1 : i32
      %swap3A_511 = arith.index_cast %swap3A_510 : i32 to index
      %swap3A_512 = arith.index_cast %mul3A_486 : i32 to index
      %swap3A_513 = tpu.vector_load %arg12[%swap3A_511, %swap3A_512] {strides = array<i32>} : memref<4x1024xf32, #tpu.memory_space<vmem>>, vector<1x16xf32>,
      %swap3A_514 = vector.shape_cast %swap3A_513 : vector<1x16xf32> to vector<16xf32>
      %swap3A_515 = vector.shape_cast %add3A_509 : vector<16xf32> to vector<1x16xf32>
      tpu.vector_store %arg12[%swap3A_511, %swap3A_512], %swap3A_515 {strides = array<i32>} : memref<4x1024xf32, #tpu.memory_space<vmem>>, vector<1x16xf32>,
      %get3A_516 = arith.constant 1 : i32
      %get3A_517 = arith.index_cast %get3A_516 : i32 to index
      %get3A_518 = arith.index_cast %mul3A_486 : i32 to index
      %get3A_519 = tpu.vector_load %arg13[%get3A_517, %get3A_518] {strides = array<i32>} : memref<4x1024xf32, #tpu.memory_space<vmem>>, vector<1x16xf32>,
      %get3A_520 = vector.shape_cast %get3A_519 : vector<1x16xf32> to vector<16xf32>
      %add3A_521 = arith.addf %get3A_520, %get3A_491 : vector<16xf32>
      %swap3A_522 = arith.constant 1 : i32
      %swap3A_523 = arith.index_cast %swap3A_522 : i32 to index
      %swap3A_524 = arith.index_cast %mul3A_486 : i32 to index
      %swap3A_525 = tpu.vector_load %arg13[%swap3A_523, %swap3A_524] {strides = array<i32>} : memref<4x1024xf32, #tpu.memory_space<vmem>>, vector<1x16xf32>,
      %swap3A_526 = vector.shape_cast %swap3A_525 : vector<1x16xf32> to vector<16xf32>
      %swap3A_527 = vector.shape_cast %add3A_521 : vector<16xf32> to vector<1x16xf32>
      tpu.vector_store %arg13[%swap3A_523, %swap3A_524], %swap3A_527 {strides = array<i32>} : memref<4x1024xf32, #tpu.memory_space<vmem>>, vector<1x16xf32>,
      %get3A_528 = arith.constant 1 : i32
      %get3A_529 = arith.index_cast %get3A_528 : i32 to index
      %get3A_530 = arith.index_cast %mul3A_486 : i32 to index
      %get3A_531 = tpu.vector_load %arg14[%get3A_529, %get3A_530] {strides = array<i32>} : memref<4x1024xf32, #tpu.memory_space<vmem>>, vector<1x16xf32>,
      %get3A_532 = vector.shape_cast %get3A_531 : vector<1x16xf32> to vector<16xf32>
      %add3A_533 = arith.addf %get3A_532, %get3A_491 : vector<16xf32>
      %swap3A_534 = arith.constant 1 : i32
      %swap3A_535 = arith.index_cast %swap3A_534 : i32 to index
      %swap3A_536 = arith.index_cast %mul3A_486 : i32 to index
      %swap3A_537 = tpu.vector_load %arg14[%swap3A_535, %swap3A_536] {strides = array<i32>} : memref<4x1024xf32, #tpu.memory_space<vmem>>, vector<1x16xf32>,
      %swap3A_538 = vector.shape_cast %swap3A_537 : vector<1x16xf32> to vector<16xf32>
      %swap3A_539 = vector.shape_cast %add3A_533 : vector<16xf32> to vector<1x16xf32>
      tpu.vector_store %arg14[%swap3A_535, %swap3A_536], %swap3A_539 {strides = array<i32>} : memref<4x1024xf32, #tpu.memory_space<vmem>>, vector<1x16xf32>,
      %scan3A_540 = arith.constant 0 : i32
      scf.yield %scan3A_540 : i32
    }
    %scan3A_205 = arith.constant 16 : i32
    %scan3A_206 = arith.constant 0 : i32
    %scan3A_207 = arith.constant 0 : i32
    %scan3A_208 = arith.constant 16 : i32
    %scan3A_209 = arith.addi %scan3A_207, %scan3A_208 : i32
    %scan3A_210 = arith.constant 1 : i32
    %scan3A_211 = scf.for %scan3A_304 = %scan3A_207 to %scan3A_209 step %scan3A_210 iter_args(%scan3A_305 = %scan3A_206) -> (i32)  : i32 {
      %mul3A_306 = arith.constant 4 : i32
      %mul3A_307 = arith.muli %scan3A_304, %mul3A_306 : i32
      %add3A_308 = arith.constant 0 : i32
      %add3A_309 = arith.addi %mul3A_307, %add3A_308 : i32
      %mul3A_310 = arith.constant 16 : i32
      %mul3A_311 = arith.muli %add3A_309, %mul3A_310 : i32
      %get3A = arith.constant 2 : i32
      %get3A_312 = arith.index_cast %get3A : i32 to index
      %get3A_313 = arith.index_cast %mul3A_311 : i32 to index
      %get3A_314 = tpu.vector_load %arg10[%get3A_312, %get3A_313] {strides = array<i32>} : memref<4x1024xf32, #tpu.memory_space<vmem>>, vector<1x16xf32>,
      %get3A_315 = vector.shape_cast %get3A_314 : vector<1x16xf32> to vector<16xf32>
      %get3A_316 = arith.constant 2 : i32
      %get3A_317 = arith.index_cast %get3A_316 : i32 to index
      %get3A_318 = arith.index_cast %mul3A_311 : i32 to index
      %get3A_319 = tpu.vector_load %arg11[%get3A_317, %get3A_318] {strides = array<i32>} : memref<4x1024xf32, #tpu.memory_space<vmem>>, vector<1x16xf32>,
      %get3A_320 = vector.shape_cast %get3A_319 : vector<1x16xf32> to vector<16xf32>
      %add3A_321 = arith.addf %get3A_320, %get3A_315 : vector<16xf32>
      %swap3A = arith.constant 2 : i32
      %swap3A_322 = arith.index_cast %swap3A : i32 to index
      %swap3A_323 = arith.index_cast %mul3A_311 : i32 to index
      %swap3A_324 = tpu.vector_load %arg11[%swap3A_322, %swap3A_323] {strides = array<i32>} : memref<4x1024xf32, #tpu.memory_space<vmem>>, vector<1x16xf32>,
      %swap3A_325 = vector.shape_cast %swap3A_324 : vector<1x16xf32> to vector<16xf32>
      %swap3A_326 = vector.shape_cast %add3A_321 : vector<16xf32> to vector<1x16xf32>
      tpu.vector_store %arg11[%swap3A_322, %swap3A_323], %swap3A_326 {strides = array<i32>} : memref<4x1024xf32, #tpu.memory_space<vmem>>, vector<1x16xf32>,
      %get3A_327 = arith.constant 2 : i32
      %get3A_328 = arith.index_cast %get3A_327 : i32 to index
      %get3A_329 = arith.index_cast %mul3A_311 : i32 to index
      %get3A_330 = tpu.vector_load %arg12[%get3A_328, %get3A_329] {strides = array<i32>} : memref<4x1024xf32, #tpu.memory_space<vmem>>, vector<1x16xf32>,
      %get3A_331 = vector.shape_cast %get3A_330 : vector<1x16xf32> to vector<16xf32>
      %add3A_332 = arith.addf %get3A_331, %get3A_315 : vector<16xf32>
      %swap3A_333 = arith.constant 2 : i32
      %swap3A_334 = arith.index_cast %swap3A_333 : i32 to index
      %swap3A_335 = arith.index_cast %mul3A_311 : i32 to index
      %swap3A_336 = tpu.vector_load %arg12[%swap3A_334, %swap3A_335] {strides = array<i32>} : memref<4x1024xf32, #tpu.memory_space<vmem>>, vector<1x16xf32>,
      %swap3A_337 = vector.shape_cast %swap3A_336 : vector<1x16xf32> to vector<16xf32>
      %swap3A_338 = vector.shape_cast %add3A_332 : vector<16xf32> to vector<1x16xf32>
      tpu.vector_store %arg12[%swap3A_334, %swap3A_335], %swap3A_338 {strides = array<i32>} : memref<4x1024xf32, #tpu.memory_space<vmem>>, vector<1x16xf32>,
      %get3A_339 = arith.constant 2 : i32
      %get3A_340 = arith.index_cast %get3A_339 : i32 to index
      %get3A_341 = arith.index_cast %mul3A_311 : i32 to index
      %get3A_342 = tpu.vector_load %arg13[%get3A_340, %get3A_341] {strides = array<i32>} : memref<4x1024xf32, #tpu.memory_space<vmem>>, vector<1x16xf32>,
      %get3A_343 = vector.shape_cast %get3A_342 : vector<1x16xf32> to vector<16xf32>
      %add3A_344 = arith.addf %get3A_343, %get3A_315 : vector<16xf32>
      %swap3A_345 = arith.constant 2 : i32
      %swap3A_346 = arith.index_cast %swap3A_345 : i32 to index
      %swap3A_347 = arith.index_cast %mul3A_311 : i32 to index
      %swap3A_348 = tpu.vector_load %arg13[%swap3A_346, %swap3A_347] {strides = array<i32>} : memref<4x1024xf32, #tpu.memory_space<vmem>>, vector<1x16xf32>,
      %swap3A_349 = vector.shape_cast %swap3A_348 : vector<1x16xf32> to vector<16xf32>
      %swap3A_350 = vector.shape_cast %add3A_344 : vector<16xf32> to vector<1x16xf32>
      tpu.vector_store %arg13[%swap3A_346, %swap3A_347], %swap3A_350 {strides = array<i32>} : memref<4x1024xf32, #tpu.memory_space<vmem>>, vector<1x16xf32>,
      %get3A_351 = arith.constant 2 : i32
      %get3A_352 = arith.index_cast %get3A_351 : i32 to index
      %get3A_353 = arith.index_cast %mul3A_311 : i32 to index
      %get3A_354 = tpu.vector_load %arg14[%get3A_352, %get3A_353] {strides = array<i32>} : memref<4x1024xf32, #tpu.memory_space<vmem>>, vector<1x16xf32>,
      %get3A_355 = vector.shape_cast %get3A_354 : vector<1x16xf32> to vector<16xf32>
      %add3A_356 = arith.addf %get3A_355, %get3A_315 : vector<16xf32>
      %swap3A_357 = arith.constant 2 : i32
      %swap3A_358 = arith.index_cast %swap3A_357 : i32 to index
      %swap3A_359 = arith.index_cast %mul3A_311 : i32 to index
      %swap3A_360 = tpu.vector_load %arg14[%swap3A_358, %swap3A_359] {strides = array<i32>} : memref<4x1024xf32, #tpu.memory_space<vmem>>, vector<1x16xf32>,
      %swap3A_361 = vector.shape_cast %swap3A_360 : vector<1x16xf32> to vector<16xf32>
      %swap3A_362 = vector.shape_cast %add3A_356 : vector<16xf32> to vector<1x16xf32>
      tpu.vector_store %arg14[%swap3A_358, %swap3A_359], %swap3A_362 {strides = array<i32>} : memref<4x1024xf32, #tpu.memory_space<vmem>>, vector<1x16xf32>,
      %mul3A_363 = arith.constant 4 : i32
      %mul3A_364 = arith.muli %scan3A_304, %mul3A_363 : i32
      %add3A_365 = arith.constant 1 : i32
      %add3A_366 = arith.addi %mul3A_364, %add3A_365 : i32
      %mul3A_367 = arith.constant 16 : i32
      %mul3A_368 = arith.muli %add3A_366, %mul3A_367 : i32
      %get3A_369 = arith.constant 2 : i32
      %get3A_370 = arith.index_cast %get3A_369 : i32 to index
      %get3A_371 = arith.index_cast %mul3A_368 : i32 to index
      %get3A_372 = tpu.vector_load %arg10[%get3A_370, %get3A_371] {strides = array<i32>} : memref<4x1024xf32, #tpu.memory_space<vmem>>, vector<1x16xf32>,
      %get3A_373 = vector.shape_cast %get3A_372 : vector<1x16xf32> to vector<16xf32>
      %get3A_374 = arith.constant 2 : i32
      %get3A_375 = arith.index_cast %get3A_374 : i32 to index
      %get3A_376 = arith.index_cast %mul3A_368 : i32 to index
      %get3A_377 = tpu.vector_load %arg11[%get3A_375, %get3A_376] {strides = array<i32>} : memref<4x1024xf32, #tpu.memory_space<vmem>>, vector<1x16xf32>,
      %get3A_378 = vector.shape_cast %get3A_377 : vector<1x16xf32> to vector<16xf32>
      %add3A_379 = arith.addf %get3A_378, %get3A_373 : vector<16xf32>
      %swap3A_380 = arith.constant 2 : i32
      %swap3A_381 = arith.index_cast %swap3A_380 : i32 to index
      %swap3A_382 = arith.index_cast %mul3A_368 : i32 to index
      %swap3A_383 = tpu.vector_load %arg11[%swap3A_381, %swap3A_382] {strides = array<i32>} : memref<4x1024xf32, #tpu.memory_space<vmem>>, vector<1x16xf32>,
      %swap3A_384 = vector.shape_cast %swap3A_383 : vector<1x16xf32> to vector<16xf32>
      %swap3A_385 = vector.shape_cast %add3A_379 : vector<16xf32> to vector<1x16xf32>
      tpu.vector_store %arg11[%swap3A_381, %swap3A_382], %swap3A_385 {strides = array<i32>} : memref<4x1024xf32, #tpu.memory_space<vmem>>, vector<1x16xf32>,
      %get3A_386 = arith.constant 2 : i32
      %get3A_387 = arith.index_cast %get3A_386 : i32 to index
      %get3A_388 = arith.index_cast %mul3A_368 : i32 to index
      %get3A_389 = tpu.vector_load %arg12[%get3A_387, %get3A_388] {strides = array<i32>} : memref<4x1024xf32, #tpu.memory_space<vmem>>, vector<1x16xf32>,
      %get3A_390 = vector.shape_cast %get3A_389 : vector<1x16xf32> to vector<16xf32>
      %add3A_391 = arith.addf %get3A_390, %get3A_373 : vector<16xf32>
      %swap3A_392 = arith.constant 2 : i32
      %swap3A_393 = arith.index_cast %swap3A_392 : i32 to index
      %swap3A_394 = arith.index_cast %mul3A_368 : i32 to index
      %swap3A_395 = tpu.vector_load %arg12[%swap3A_393, %swap3A_394] {strides = array<i32>} : memref<4x1024xf32, #tpu.memory_space<vmem>>, vector<1x16xf32>,
      %swap3A_396 = vector.shape_cast %swap3A_395 : vector<1x16xf32> to vector<16xf32>
      %swap3A_397 = vector.shape_cast %add3A_391 : vector<16xf32> to vector<1x16xf32>
      tpu.vector_store %arg12[%swap3A_393, %swap3A_394], %swap3A_397 {strides = array<i32>} : memref<4x1024xf32, #tpu.memory_space<vmem>>, vector<1x16xf32>,
      %get3A_398 = arith.constant 2 : i32
      %get3A_399 = arith.index_cast %get3A_398 : i32 to index
      %get3A_400 = arith.index_cast %mul3A_368 : i32 to index
      %get3A_401 = tpu.vector_load %arg13[%get3A_399, %get3A_400] {strides = array<i32>} : memref<4x1024xf32, #tpu.memory_space<vmem>>, vector<1x16xf32>,
      %get3A_402 = vector.shape_cast %get3A_401 : vector<1x16xf32> to vector<16xf32>
      %add3A_403 = arith.addf %get3A_402, %get3A_373 : vector<16xf32>
      %swap3A_404 = arith.constant 2 : i32
      %swap3A_405 = arith.index_cast %swap3A_404 : i32 to index
      %swap3A_406 = arith.index_cast %mul3A_368 : i32 to index
      %swap3A_407 = tpu.vector_load %arg13[%swap3A_405, %swap3A_406] {strides = array<i32>} : memref<4x1024xf32, #tpu.memory_space<vmem>>, vector<1x16xf32>,
      %swap3A_408 = vector.shape_cast %swap3A_407 : vector<1x16xf32> to vector<16xf32>
      %swap3A_409 = vector.shape_cast %add3A_403 : vector<16xf32> to vector<1x16xf32>
      tpu.vector_store %arg13[%swap3A_405, %swap3A_406], %swap3A_409 {strides = array<i32>} : memref<4x1024xf32, #tpu.memory_space<vmem>>, vector<1x16xf32>,
      %get3A_410 = arith.constant 2 : i32
      %get3A_411 = arith.index_cast %get3A_410 : i32 to index
      %get3A_412 = arith.index_cast %mul3A_368 : i32 to index
      %get3A_413 = tpu.vector_load %arg14[%get3A_411, %get3A_412] {strides = array<i32>} : memref<4x1024xf32, #tpu.memory_space<vmem>>, vector<1x16xf32>,
      %get3A_414 = vector.shape_cast %get3A_413 : vector<1x16xf32> to vector<16xf32>
      %add3A_415 = arith.addf %get3A_414, %get3A_373 : vector<16xf32>
      %swap3A_416 = arith.constant 2 : i32
      %swap3A_417 = arith.index_cast %swap3A_416 : i32 to index
      %swap3A_418 = arith.index_cast %mul3A_368 : i32 to index
      %swap3A_419 = tpu.vector_load %arg14[%swap3A_417, %swap3A_418] {strides = array<i32>} : memref<4x1024xf32, #tpu.memory_space<vmem>>, vector<1x16xf32>,
      %swap3A_420 = vector.shape_cast %swap3A_419 : vector<1x16xf32> to vector<16xf32>
      %swap3A_421 = vector.shape_cast %add3A_415 : vector<16xf32> to vector<1x16xf32>
      tpu.vector_store %arg14[%swap3A_417, %swap3A_418], %swap3A_421 {strides = array<i32>} : memref<4x1024xf32, #tpu.memory_space<vmem>>, vector<1x16xf32>,
      %mul3A_422 = arith.constant 4 : i32
      %mul3A_423 = arith.muli %scan3A_304, %mul3A_422 : i32
      %add3A_424 = arith.constant 2 : i32
      %add3A_425 = arith.addi %mul3A_423, %add3A_424 : i32
      %mul3A_426 = arith.constant 16 : i32
      %mul3A_427 = arith.muli %add3A_425, %mul3A_426 : i32
      %get3A_428 = arith.constant 2 : i32
      %get3A_429 = arith.index_cast %get3A_428 : i32 to index
      %get3A_430 = arith.index_cast %mul3A_427 : i32 to index
      %get3A_431 = tpu.vector_load %arg10[%get3A_429, %get3A_430] {strides = array<i32>} : memref<4x1024xf32, #tpu.memory_space<vmem>>, vector<1x16xf32>,
      %get3A_432 = vector.shape_cast %get3A_431 : vector<1x16xf32> to vector<16xf32>
      %get3A_433 = arith.constant 2 : i32
      %get3A_434 = arith.index_cast %get3A_433 : i32 to index
      %get3A_435 = arith.index_cast %mul3A_427 : i32 to index
      %get3A_436 = tpu.vector_load %arg11[%get3A_434, %get3A_435] {strides = array<i32>} : memref<4x1024xf32, #tpu.memory_space<vmem>>, vector<1x16xf32>,
      %get3A_437 = vector.shape_cast %get3A_436 : vector<1x16xf32> to vector<16xf32>
      %add3A_438 = arith.addf %get3A_437, %get3A_432 : vector<16xf32>
      %swap3A_439 = arith.constant 2 : i32
      %swap3A_440 = arith.index_cast %swap3A_439 : i32 to index
      %swap3A_441 = arith.index_cast %mul3A_427 : i32 to index
      %swap3A_442 = tpu.vector_load %arg11[%swap3A_440, %swap3A_441] {strides = array<i32>} : memref<4x1024xf32, #tpu.memory_space<vmem>>, vector<1x16xf32>,
      %swap3A_443 = vector.shape_cast %swap3A_442 : vector<1x16xf32> to vector<16xf32>
      %swap3A_444 = vector.shape_cast %add3A_438 : vector<16xf32> to vector<1x16xf32>
      tpu.vector_store %arg11[%swap3A_440, %swap3A_441], %swap3A_444 {strides = array<i32>} : memref<4x1024xf32, #tpu.memory_space<vmem>>, vector<1x16xf32>,
      %get3A_445 = arith.constant 2 : i32
      %get3A_446 = arith.index_cast %get3A_445 : i32 to index
      %get3A_447 = arith.index_cast %mul3A_427 : i32 to index
      %get3A_448 = tpu.vector_load %arg12[%get3A_446, %get3A_447] {strides = array<i32>} : memref<4x1024xf32, #tpu.memory_space<vmem>>, vector<1x16xf32>,
      %get3A_449 = vector.shape_cast %get3A_448 : vector<1x16xf32> to vector<16xf32>
      %add3A_450 = arith.addf %get3A_449, %get3A_432 : vector<16xf32>
      %swap3A_451 = arith.constant 2 : i32
      %swap3A_452 = arith.index_cast %swap3A_451 : i32 to index
      %swap3A_453 = arith.index_cast %mul3A_427 : i32 to index
      %swap3A_454 = tpu.vector_load %arg12[%swap3A_452, %swap3A_453] {strides = array<i32>} : memref<4x1024xf32, #tpu.memory_space<vmem>>, vector<1x16xf32>,
      %swap3A_455 = vector.shape_cast %swap3A_454 : vector<1x16xf32> to vector<16xf32>
      %swap3A_456 = vector.shape_cast %add3A_450 : vector<16xf32> to vector<1x16xf32>
      tpu.vector_store %arg12[%swap3A_452, %swap3A_453], %swap3A_456 {strides = array<i32>} : memref<4x1024xf32, #tpu.memory_space<vmem>>, vector<1x16xf32>,
      %get3A_457 = arith.constant 2 : i32
      %get3A_458 = arith.index_cast %get3A_457 : i32 to index
      %get3A_459 = arith.index_cast %mul3A_427 : i32 to index
      %get3A_460 = tpu.vector_load %arg13[%get3A_458, %get3A_459] {strides = array<i32>} : memref<4x1024xf32, #tpu.memory_space<vmem>>, vector<1x16xf32>,
      %get3A_461 = vector.shape_cast %get3A_460 : vector<1x16xf32> to vector<16xf32>
      %add3A_462 = arith.addf %get3A_461, %get3A_432 : vector<16xf32>
      %swap3A_463 = arith.constant 2 : i32
      %swap3A_464 = arith.index_cast %swap3A_463 : i32 to index
      %swap3A_465 = arith.index_cast %mul3A_427 : i32 to index
      %swap3A_466 = tpu.vector_load %arg13[%swap3A_464, %swap3A_465] {strides = array<i32>} : memref<4x1024xf32, #tpu.memory_space<vmem>>, vector<1x16xf32>,
      %swap3A_467 = vector.shape_cast %swap3A_466 : vector<1x16xf32> to vector<16xf32>
      %swap3A_468 = vector.shape_cast %add3A_462 : vector<16xf32> to vector<1x16xf32>
      tpu.vector_store %arg13[%swap3A_464, %swap3A_465], %swap3A_468 {strides = array<i32>} : memref<4x1024xf32, #tpu.memory_space<vmem>>, vector<1x16xf32>,
      %get3A_469 = arith.constant 2 : i32
      %get3A_470 = arith.index_cast %get3A_469 : i32 to index
      %get3A_471 = arith.index_cast %mul3A_427 : i32 to index
      %get3A_472 = tpu.vector_load %arg14[%get3A_470, %get3A_471] {strides = array<i32>} : memref<4x1024xf32, #tpu.memory_space<vmem>>, vector<1x16xf32>,
      %get3A_473 = vector.shape_cast %get3A_472 : vector<1x16xf32> to vector<16xf32>
      %add3A_474 = arith.addf %get3A_473, %get3A_432 : vector<16xf32>
      %swap3A_475 = arith.constant 2 : i32
      %swap3A_476 = arith.index_cast %swap3A_475 : i32 to index
      %swap3A_477 = arith.index_cast %mul3A_427 : i32 to index
      %swap3A_478 = tpu.vector_load %arg14[%swap3A_476, %swap3A_477] {strides = array<i32>} : memref<4x1024xf32, #tpu.memory_space<vmem>>, vector<1x16xf32>,
      %swap3A_479 = vector.shape_cast %swap3A_478 : vector<1x16xf32> to vector<16xf32>
      %swap3A_480 = vector.shape_cast %add3A_474 : vector<16xf32> to vector<1x16xf32>
      tpu.vector_store %arg14[%swap3A_476, %swap3A_477], %swap3A_480 {strides = array<i32>} : memref<4x1024xf32, #tpu.memory_space<vmem>>, vector<1x16xf32>,
      %mul3A_481 = arith.constant 4 : i32
      %mul3A_482 = arith.muli %scan3A_304, %mul3A_481 : i32
      %add3A_483 = arith.constant 3 : i32
      %add3A_484 = arith.addi %mul3A_482, %add3A_483 : i32
      %mul3A_485 = arith.constant 16 : i32
      %mul3A_486 = arith.muli %add3A_484, %mul3A_485 : i32
      %get3A_487 = arith.constant 2 : i32
      %get3A_488 = arith.index_cast %get3A_487 : i32 to index
      %get3A_489 = arith.index_cast %mul3A_486 : i32 to index
      %get3A_490 = tpu.vector_load %arg10[%get3A_488, %get3A_489] {strides = array<i32>} : memref<4x1024xf32, #tpu.memory_space<vmem>>, vector<1x16xf32>,
      %get3A_491 = vector.shape_cast %get3A_490 : vector<1x16xf32> to vector<16xf32>
      %get3A_492 = arith.constant 2 : i32
      %get3A_493 = arith.index_cast %get3A_492 : i32 to index
      %get3A_494 = arith.index_cast %mul3A_486 : i32 to index
      %get3A_495 = tpu.vector_load %arg11[%get3A_493, %get3A_494] {strides = array<i32>} : memref<4x1024xf32, #tpu.memory_space<vmem>>, vector<1x16xf32>,
      %get3A_496 = vector.shape_cast %get3A_495 : vector<1x16xf32> to vector<16xf32>
      %add3A_497 = arith.addf %get3A_496, %get3A_491 : vector<16xf32>
      %swap3A_498 = arith.constant 2 : i32
      %swap3A_499 = arith.index_cast %swap3A_498 : i32 to index
      %swap3A_500 = arith.index_cast %mul3A_486 : i32 to index
      %swap3A_501 = tpu.vector_load %arg11[%swap3A_499, %swap3A_500] {strides = array<i32>} : memref<4x1024xf32, #tpu.memory_space<vmem>>, vector<1x16xf32>,
      %swap3A_502 = vector.shape_cast %swap3A_501 : vector<1x16xf32> to vector<16xf32>
      %swap3A_503 = vector.shape_cast %add3A_497 : vector<16xf32> to vector<1x16xf32>
      tpu.vector_store %arg11[%swap3A_499, %swap3A_500], %swap3A_503 {strides = array<i32>} : memref<4x1024xf32, #tpu.memory_space<vmem>>, vector<1x16xf32>,
      %get3A_504 = arith.constant 2 : i32
      %get3A_505 = arith.index_cast %get3A_504 : i32 to index
      %get3A_506 = arith.index_cast %mul3A_486 : i32 to index
      %get3A_507 = tpu.vector_load %arg12[%get3A_505, %get3A_506] {strides = array<i32>} : memref<4x1024xf32, #tpu.memory_space<vmem>>, vector<1x16xf32>,
      %get3A_508 = vector.shape_cast %get3A_507 : vector<1x16xf32> to vector<16xf32>
      %add3A_509 = arith.addf %get3A_508, %get3A_491 : vector<16xf32>
      %swap3A_510 = arith.constant 2 : i32
      %swap3A_511 = arith.index_cast %swap3A_510 : i32 to index
      %swap3A_512 = arith.index_cast %mul3A_486 : i32 to index
      %swap3A_513 = tpu.vector_load %arg12[%swap3A_511, %swap3A_512] {strides = array<i32>} : memref<4x1024xf32, #tpu.memory_space<vmem>>, vector<1x16xf32>,
      %swap3A_514 = vector.shape_cast %swap3A_513 : vector<1x16xf32> to vector<16xf32>
      %swap3A_515 = vector.shape_cast %add3A_509 : vector<16xf32> to vector<1x16xf32>
      tpu.vector_store %arg12[%swap3A_511, %swap3A_512], %swap3A_515 {strides = array<i32>} : memref<4x1024xf32, #tpu.memory_space<vmem>>, vector<1x16xf32>,
      %get3A_516 = arith.constant 2 : i32
      %get3A_517 = arith.index_cast %get3A_516 : i32 to index
      %get3A_518 = arith.index_cast %mul3A_486 : i32 to index
      %get3A_519 = tpu.vector_load %arg13[%get3A_517, %get3A_518] {strides = array<i32>} : memref<4x1024xf32, #tpu.memory_space<vmem>>, vector<1x16xf32>,
      %get3A_520 = vector.shape_cast %get3A_519 : vector<1x16xf32> to vector<16xf32>
      %add3A_521 = arith.addf %get3A_520, %get3A_491 : vector<16xf32>
      %swap3A_522 = arith.constant 2 : i32
      %swap3A_523 = arith.index_cast %swap3A_522 : i32 to index
      %swap3A_524 = arith.index_cast %mul3A_486 : i32 to index
      %swap3A_525 = tpu.vector_load %arg13[%swap3A_523, %swap3A_524] {strides = array<i32>} : memref<4x1024xf32, #tpu.memory_space<vmem>>, vector<1x16xf32>,
      %swap3A_526 = vector.shape_cast %swap3A_525 : vector<1x16xf32> to vector<16xf32>
      %swap3A_527 = vector.shape_cast %add3A_521 : vector<16xf32> to vector<1x16xf32>
      tpu.vector_store %arg13[%swap3A_523, %swap3A_524], %swap3A_527 {strides = array<i32>} : memref<4x1024xf32, #tpu.memory_space<vmem>>, vector<1x16xf32>,
      %get3A_528 = arith.constant 2 : i32
      %get3A_529 = arith.index_cast %get3A_528 : i32 to index
      %get3A_530 = arith.index_cast %mul3A_486 : i32 to index
      %get3A_531 = tpu.vector_load %arg14[%get3A_529, %get3A_530] {strides = array<i32>} : memref<4x1024xf32, #tpu.memory_space<vmem>>, vector<1x16xf32>,
      %get3A_532 = vector.shape_cast %get3A_531 : vector<1x16xf32> to vector<16xf32>
      %add3A_533 = arith.addf %get3A_532, %get3A_491 : vector<16xf32>
      %swap3A_534 = arith.constant 2 : i32
      %swap3A_535 = arith.index_cast %swap3A_534 : i32 to index
      %swap3A_536 = arith.index_cast %mul3A_486 : i32 to index
      %swap3A_537 = tpu.vector_load %arg14[%swap3A_535, %swap3A_536] {strides = array<i32>} : memref<4x1024xf32, #tpu.memory_space<vmem>>, vector<1x16xf32>,
      %swap3A_538 = vector.shape_cast %swap3A_537 : vector<1x16xf32> to vector<16xf32>
      %swap3A_539 = vector.shape_cast %add3A_533 : vector<16xf32> to vector<1x16xf32>
      tpu.vector_store %arg14[%swap3A_535, %swap3A_536], %swap3A_539 {strides = array<i32>} : memref<4x1024xf32, #tpu.memory_space<vmem>>, vector<1x16xf32>,
      %scan3A_540 = arith.constant 0 : i32
      scf.yield %scan3A_540 : i32
    }
    %scan3A_212 = arith.constant 16 : i32
    %scan3A_213 = arith.constant 0 : i32
    %scan3A_214 = arith.constant 0 : i32
    %scan3A_215 = arith.constant 16 : i32
    %scan3A_216 = arith.addi %scan3A_214, %scan3A_215 : i32
    %scan3A_217 = arith.constant 1 : i32
    %scan3A_218 = scf.for %scan3A_304 = %scan3A_214 to %scan3A_216 step %scan3A_217 iter_args(%scan3A_305 = %scan3A_213) -> (i32)  : i32 {
      %mul3A_306 = arith.constant 4 : i32
      %mul3A_307 = arith.muli %scan3A_304, %mul3A_306 : i32
      %add3A_308 = arith.constant 0 : i32
      %add3A_309 = arith.addi %mul3A_307, %add3A_308 : i32
      %mul3A_310 = arith.constant 16 : i32
      %mul3A_311 = arith.muli %add3A_309, %mul3A_310 : i32
      %get3A = arith.constant 3 : i32
      %get3A_312 = arith.index_cast %get3A : i32 to index
      %get3A_313 = arith.index_cast %mul3A_311 : i32 to index
      %get3A_314 = tpu.vector_load %arg10[%get3A_312, %get3A_313] {strides = array<i32>} : memref<4x1024xf32, #tpu.memory_space<vmem>>, vector<1x16xf32>,
      %get3A_315 = vector.shape_cast %get3A_314 : vector<1x16xf32> to vector<16xf32>
      %get3A_316 = arith.constant 3 : i32
      %get3A_317 = arith.index_cast %get3A_316 : i32 to index
      %get3A_318 = arith.index_cast %mul3A_311 : i32 to index
      %get3A_319 = tpu.vector_load %arg11[%get3A_317, %get3A_318] {strides = array<i32>} : memref<4x1024xf32, #tpu.memory_space<vmem>>, vector<1x16xf32>,
      %get3A_320 = vector.shape_cast %get3A_319 : vector<1x16xf32> to vector<16xf32>
      %add3A_321 = arith.addf %get3A_320, %get3A_315 : vector<16xf32>
      %swap3A = arith.constant 3 : i32
      %swap3A_322 = arith.index_cast %swap3A : i32 to index
      %swap3A_323 = arith.index_cast %mul3A_311 : i32 to index
      %swap3A_324 = tpu.vector_load %arg11[%swap3A_322, %swap3A_323] {strides = array<i32>} : memref<4x1024xf32, #tpu.memory_space<vmem>>, vector<1x16xf32>,
      %swap3A_325 = vector.shape_cast %swap3A_324 : vector<1x16xf32> to vector<16xf32>
      %swap3A_326 = vector.shape_cast %add3A_321 : vector<16xf32> to vector<1x16xf32>
      tpu.vector_store %arg11[%swap3A_322, %swap3A_323], %swap3A_326 {strides = array<i32>} : memref<4x1024xf32, #tpu.memory_space<vmem>>, vector<1x16xf32>,
      %get3A_327 = arith.constant 3 : i32
      %get3A_328 = arith.index_cast %get3A_327 : i32 to index
      %get3A_329 = arith.index_cast %mul3A_311 : i32 to index
      %get3A_330 = tpu.vector_load %arg12[%get3A_328, %get3A_329] {strides = array<i32>} : memref<4x1024xf32, #tpu.memory_space<vmem>>, vector<1x16xf32>,
      %get3A_331 = vector.shape_cast %get3A_330 : vector<1x16xf32> to vector<16xf32>
      %add3A_332 = arith.addf %get3A_331, %get3A_315 : vector<16xf32>
      %swap3A_333 = arith.constant 3 : i32
      %swap3A_334 = arith.index_cast %swap3A_333 : i32 to index
      %swap3A_335 = arith.index_cast %mul3A_311 : i32 to index
      %swap3A_336 = tpu.vector_load %arg12[%swap3A_334, %swap3A_335] {strides = array<i32>} : memref<4x1024xf32, #tpu.memory_space<vmem>>, vector<1x16xf32>,
      %swap3A_337 = vector.shape_cast %swap3A_336 : vector<1x16xf32> to vector<16xf32>
      %swap3A_338 = vector.shape_cast %add3A_332 : vector<16xf32> to vector<1x16xf32>
      tpu.vector_store %arg12[%swap3A_334, %swap3A_335], %swap3A_338 {strides = array<i32>} : memref<4x1024xf32, #tpu.memory_space<vmem>>, vector<1x16xf32>,
      %get3A_339 = arith.constant 3 : i32
      %get3A_340 = arith.index_cast %get3A_339 : i32 to index
      %get3A_341 = arith.index_cast %mul3A_311 : i32 to index
      %get3A_342 = tpu.vector_load %arg13[%get3A_340, %get3A_341] {strides = array<i32>} : memref<4x1024xf32, #tpu.memory_space<vmem>>, vector<1x16xf32>,
      %get3A_343 = vector.shape_cast %get3A_342 : vector<1x16xf32> to vector<16xf32>
      %add3A_344 = arith.addf %get3A_343, %get3A_315 : vector<16xf32>
      %swap3A_345 = arith.constant 3 : i32
      %swap3A_346 = arith.index_cast %swap3A_345 : i32 to index
      %swap3A_347 = arith.index_cast %mul3A_311 : i32 to index
      %swap3A_348 = tpu.vector_load %arg13[%swap3A_346, %swap3A_347] {strides = array<i32>} : memref<4x1024xf32, #tpu.memory_space<vmem>>, vector<1x16xf32>,
      %swap3A_349 = vector.shape_cast %swap3A_348 : vector<1x16xf32> to vector<16xf32>
      %swap3A_350 = vector.shape_cast %add3A_344 : vector<16xf32> to vector<1x16xf32>
      tpu.vector_store %arg13[%swap3A_346, %swap3A_347], %swap3A_350 {strides = array<i32>} : memref<4x1024xf32, #tpu.memory_space<vmem>>, vector<1x16xf32>,
      %get3A_351 = arith.constant 3 : i32
      %get3A_352 = arith.index_cast %get3A_351 : i32 to index
      %get3A_353 = arith.index_cast %mul3A_311 : i32 to index
      %get3A_354 = tpu.vector_load %arg14[%get3A_352, %get3A_353] {strides = array<i32>} : memref<4x1024xf32, #tpu.memory_space<vmem>>, vector<1x16xf32>,
      %get3A_355 = vector.shape_cast %get3A_354 : vector<1x16xf32> to vector<16xf32>
      %add3A_356 = arith.addf %get3A_355, %get3A_315 : vector<16xf32>
      %swap3A_357 = arith.constant 3 : i32
      %swap3A_358 = arith.index_cast %swap3A_357 : i32 to index
      %swap3A_359 = arith.index_cast %mul3A_311 : i32 to index
      %swap3A_360 = tpu.vector_load %arg14[%swap3A_358, %swap3A_359] {strides = array<i32>} : memref<4x1024xf32, #tpu.memory_space<vmem>>, vector<1x16xf32>,
      %swap3A_361 = vector.shape_cast %swap3A_360 : vector<1x16xf32> to vector<16xf32>
      %swap3A_362 = vector.shape_cast %add3A_356 : vector<16xf32> to vector<1x16xf32>
      tpu.vector_store %arg14[%swap3A_358, %swap3A_359], %swap3A_362 {strides = array<i32>} : memref<4x1024xf32, #tpu.memory_space<vmem>>, vector<1x16xf32>,
      %mul3A_363 = arith.constant 4 : i32
      %mul3A_364 = arith.muli %scan3A_304, %mul3A_363 : i32
      %add3A_365 = arith.constant 1 : i32
      %add3A_366 = arith.addi %mul3A_364, %add3A_365 : i32
      %mul3A_367 = arith.constant 16 : i32
      %mul3A_368 = arith.muli %add3A_366, %mul3A_367 : i32
      %get3A_369 = arith.constant 3 : i32
      %get3A_370 = arith.index_cast %get3A_369 : i32 to index
      %get3A_371 = arith.index_cast %mul3A_368 : i32 to index
      %get3A_372 = tpu.vector_load %arg10[%get3A_370, %get3A_371] {strides = array<i32>} : memref<4x1024xf32, #tpu.memory_space<vmem>>, vector<1x16xf32>,
      %get3A_373 = vector.shape_cast %get3A_372 : vector<1x16xf32> to vector<16xf32>
      %get3A_374 = arith.constant 3 : i32
      %get3A_375 = arith.index_cast %get3A_374 : i32 to index
      %get3A_376 = arith.index_cast %mul3A_368 : i32 to index
      %get3A_377 = tpu.vector_load %arg11[%get3A_375, %get3A_376] {strides = array<i32>} : memref<4x1024xf32, #tpu.memory_space<vmem>>, vector<1x16xf32>,
      %get3A_378 = vector.shape_cast %get3A_377 : vector<1x16xf32> to vector<16xf32>
      %add3A_379 = arith.addf %get3A_378, %get3A_373 : vector<16xf32>
      %swap3A_380 = arith.constant 3 : i32
      %swap3A_381 = arith.index_cast %swap3A_380 : i32 to index
      %swap3A_382 = arith.index_cast %mul3A_368 : i32 to index
      %swap3A_383 = tpu.vector_load %arg11[%swap3A_381, %swap3A_382] {strides = array<i32>} : memref<4x1024xf32, #tpu.memory_space<vmem>>, vector<1x16xf32>,
      %swap3A_384 = vector.shape_cast %swap3A_383 : vector<1x16xf32> to vector<16xf32>
      %swap3A_385 = vector.shape_cast %add3A_379 : vector<16xf32> to vector<1x16xf32>
      tpu.vector_store %arg11[%swap3A_381, %swap3A_382], %swap3A_385 {strides = array<i32>} : memref<4x1024xf32, #tpu.memory_space<vmem>>, vector<1x16xf32>,
      %get3A_386 = arith.constant 3 : i32
      %get3A_387 = arith.index_cast %get3A_386 : i32 to index
      %get3A_388 = arith.index_cast %mul3A_368 : i32 to index
      %get3A_389 = tpu.vector_load %arg12[%get3A_387, %get3A_388] {strides = array<i32>} : memref<4x1024xf32, #tpu.memory_space<vmem>>, vector<1x16xf32>,
      %get3A_390 = vector.shape_cast %get3A_389 : vector<1x16xf32> to vector<16xf32>
      %add3A_391 = arith.addf %get3A_390, %get3A_373 : vector<16xf32>
      %swap3A_392 = arith.constant 3 : i32
      %swap3A_393 = arith.index_cast %swap3A_392 : i32 to index
      %swap3A_394 = arith.index_cast %mul3A_368 : i32 to index
      %swap3A_395 = tpu.vector_load %arg12[%swap3A_393, %swap3A_394] {strides = array<i32>} : memref<4x1024xf32, #tpu.memory_space<vmem>>, vector<1x16xf32>,
      %swap3A_396 = vector.shape_cast %swap3A_395 : vector<1x16xf32> to vector<16xf32>
      %swap3A_397 = vector.shape_cast %add3A_391 : vector<16xf32> to vector<1x16xf32>
      tpu.vector_store %arg12[%swap3A_393, %swap3A_394], %swap3A_397 {strides = array<i32>} : memref<4x1024xf32, #tpu.memory_space<vmem>>, vector<1x16xf32>,
      %get3A_398 = arith.constant 3 : i32
      %get3A_399 = arith.index_cast %get3A_398 : i32 to index
      %get3A_400 = arith.index_cast %mul3A_368 : i32 to index
      %get3A_401 = tpu.vector_load %arg13[%get3A_399, %get3A_400] {strides = array<i32>} : memref<4x1024xf32, #tpu.memory_space<vmem>>, vector<1x16xf32>,
      %get3A_402 = vector.shape_cast %get3A_401 : vector<1x16xf32> to vector<16xf32>
      %add3A_403 = arith.addf %get3A_402, %get3A_373 : vector<16xf32>
      %swap3A_404 = arith.constant 3 : i32
      %swap3A_405 = arith.index_cast %swap3A_404 : i32 to index
      %swap3A_406 = arith.index_cast %mul3A_368 : i32 to index
      %swap3A_407 = tpu.vector_load %arg13[%swap3A_405, %swap3A_406] {strides = array<i32>} : memref<4x1024xf32, #tpu.memory_space<vmem>>, vector<1x16xf32>,
      %swap3A_408 = vector.shape_cast %swap3A_407 : vector<1x16xf32> to vector<16xf32>
      %swap3A_409 = vector.shape_cast %add3A_403 : vector<16xf32> to vector<1x16xf32>
      tpu.vector_store %arg13[%swap3A_405, %swap3A_406], %swap3A_409 {strides = array<i32>} : memref<4x1024xf32, #tpu.memory_space<vmem>>, vector<1x16xf32>,
      %get3A_410 = arith.constant 3 : i32
      %get3A_411 = arith.index_cast %get3A_410 : i32 to index
      %get3A_412 = arith.index_cast %mul3A_368 : i32 to index
      %get3A_413 = tpu.vector_load %arg14[%get3A_411, %get3A_412] {strides = array<i32>} : memref<4x1024xf32, #tpu.memory_space<vmem>>, vector<1x16xf32>,
      %get3A_414 = vector.shape_cast %get3A_413 : vector<1x16xf32> to vector<16xf32>
      %add3A_415 = arith.addf %get3A_414, %get3A_373 : vector<16xf32>
      %swap3A_416 = arith.constant 3 : i32
      %swap3A_417 = arith.index_cast %swap3A_416 : i32 to index
      %swap3A_418 = arith.index_cast %mul3A_368 : i32 to index
      %swap3A_419 = tpu.vector_load %arg14[%swap3A_417, %swap3A_418] {strides = array<i32>} : memref<4x1024xf32, #tpu.memory_space<vmem>>, vector<1x16xf32>,
      %swap3A_420 = vector.shape_cast %swap3A_419 : vector<1x16xf32> to vector<16xf32>
      %swap3A_421 = vector.shape_cast %add3A_415 : vector<16xf32> to vector<1x16xf32>
      tpu.vector_store %arg14[%swap3A_417, %swap3A_418], %swap3A_421 {strides = array<i32>} : memref<4x1024xf32, #tpu.memory_space<vmem>>, vector<1x16xf32>,
      %mul3A_422 = arith.constant 4 : i32
      %mul3A_423 = arith.muli %scan3A_304, %mul3A_422 : i32
      %add3A_424 = arith.constant 2 : i32
      %add3A_425 = arith.addi %mul3A_423, %add3A_424 : i32
      %mul3A_426 = arith.constant 16 : i32
      %mul3A_427 = arith.muli %add3A_425, %mul3A_426 : i32
      %get3A_428 = arith.constant 3 : i32
      %get3A_429 = arith.index_cast %get3A_428 : i32 to index
      %get3A_430 = arith.index_cast %mul3A_427 : i32 to index
      %get3A_431 = tpu.vector_load %arg10[%get3A_429, %get3A_430] {strides = array<i32>} : memref<4x1024xf32, #tpu.memory_space<vmem>>, vector<1x16xf32>,
      %get3A_432 = vector.shape_cast %get3A_431 : vector<1x16xf32> to vector<16xf32>
      %get3A_433 = arith.constant 3 : i32
      %get3A_434 = arith.index_cast %get3A_433 : i32 to index
      %get3A_435 = arith.index_cast %mul3A_427 : i32 to index
      %get3A_436 = tpu.vector_load %arg11[%get3A_434, %get3A_435] {strides = array<i32>} : memref<4x1024xf32, #tpu.memory_space<vmem>>, vector<1x16xf32>,
      %get3A_437 = vector.shape_cast %get3A_436 : vector<1x16xf32> to vector<16xf32>
      %add3A_438 = arith.addf %get3A_437, %get3A_432 : vector<16xf32>
      %swap3A_439 = arith.constant 3 : i32
      %swap3A_440 = arith.index_cast %swap3A_439 : i32 to index
      %swap3A_441 = arith.index_cast %mul3A_427 : i32 to index
      %swap3A_442 = tpu.vector_load %arg11[%swap3A_440, %swap3A_441] {strides = array<i32>} : memref<4x1024xf32, #tpu.memory_space<vmem>>, vector<1x16xf32>,
      %swap3A_443 = vector.shape_cast %swap3A_442 : vector<1x16xf32> to vector<16xf32>
      %swap3A_444 = vector.shape_cast %add3A_438 : vector<16xf32> to vector<1x16xf32>
      tpu.vector_store %arg11[%swap3A_440, %swap3A_441], %swap3A_444 {strides = array<i32>} : memref<4x1024xf32, #tpu.memory_space<vmem>>, vector<1x16xf32>,
      %get3A_445 = arith.constant 3 : i32
      %get3A_446 = arith.index_cast %get3A_445 : i32 to index
      %get3A_447 = arith.index_cast %mul3A_427 : i32 to index
      %get3A_448 = tpu.vector_load %arg12[%get3A_446, %get3A_447] {strides = array<i32>} : memref<4x1024xf32, #tpu.memory_space<vmem>>, vector<1x16xf32>,
      %get3A_449 = vector.shape_cast %get3A_448 : vector<1x16xf32> to vector<16xf32>
      %add3A_450 = arith.addf %get3A_449, %get3A_432 : vector<16xf32>
      %swap3A_451 = arith.constant 3 : i32
      %swap3A_452 = arith.index_cast %swap3A_451 : i32 to index
      %swap3A_453 = arith.index_cast %mul3A_427 : i32 to index
      %swap3A_454 = tpu.vector_load %arg12[%swap3A_452, %swap3A_453] {strides = array<i32>} : memref<4x1024xf32, #tpu.memory_space<vmem>>, vector<1x16xf32>,
      %swap3A_455 = vector.shape_cast %swap3A_454 : vector<1x16xf32> to vector<16xf32>
      %swap3A_456 = vector.shape_cast %add3A_450 : vector<16xf32> to vector<1x16xf32>
      tpu.vector_store %arg12[%swap3A_452, %swap3A_453], %swap3A_456 {strides = array<i32>} : memref<4x1024xf32, #tpu.memory_space<vmem>>, vector<1x16xf32>,
      %get3A_457 = arith.constant 3 : i32
      %get3A_458 = arith.index_cast %get3A_457 : i32 to index
      %get3A_459 = arith.index_cast %mul3A_427 : i32 to index
      %get3A_460 = tpu.vector_load %arg13[%get3A_458, %get3A_459] {strides = array<i32>} : memref<4x1024xf32, #tpu.memory_space<vmem>>, vector<1x16xf32>,
      %get3A_461 = vector.shape_cast %get3A_460 : vector<1x16xf32> to vector<16xf32>
      %add3A_462 = arith.addf %get3A_461, %get3A_432 : vector<16xf32>
      %swap3A_463 = arith.constant 3 : i32
      %swap3A_464 = arith.index_cast %swap3A_463 : i32 to index
      %swap3A_465 = arith.index_cast %mul3A_427 : i32 to index
      %swap3A_466 = tpu.vector_load %arg13[%swap3A_464, %swap3A_465] {strides = array<i32>} : memref<4x1024xf32, #tpu.memory_space<vmem>>, vector<1x16xf32>,
      %swap3A_467 = vector.shape_cast %swap3A_466 : vector<1x16xf32> to vector<16xf32>
      %swap3A_468 = vector.shape_cast %add3A_462 : vector<16xf32> to vector<1x16xf32>
      tpu.vector_store %arg13[%swap3A_464, %swap3A_465], %swap3A_468 {strides = array<i32>} : memref<4x1024xf32, #tpu.memory_space<vmem>>, vector<1x16xf32>,
      %get3A_469 = arith.constant 3 : i32
      %get3A_470 = arith.index_cast %get3A_469 : i32 to index
      %get3A_471 = arith.index_cast %mul3A_427 : i32 to index
      %get3A_472 = tpu.vector_load %arg14[%get3A_470, %get3A_471] {strides = array<i32>} : memref<4x1024xf32, #tpu.memory_space<vmem>>, vector<1x16xf32>,
      %get3A_473 = vector.shape_cast %get3A_472 : vector<1x16xf32> to vector<16xf32>
      %add3A_474 = arith.addf %get3A_473, %get3A_432 : vector<16xf32>
      %swap3A_475 = arith.constant 3 : i32
      %swap3A_476 = arith.index_cast %swap3A_475 : i32 to index
      %swap3A_477 = arith.index_cast %mul3A_427 : i32 to index
      %swap3A_478 = tpu.vector_load %arg14[%swap3A_476, %swap3A_477] {strides = array<i32>} : memref<4x1024xf32, #tpu.memory_space<vmem>>, vector<1x16xf32>,
      %swap3A_479 = vector.shape_cast %swap3A_478 : vector<1x16xf32> to vector<16xf32>
      %swap3A_480 = vector.shape_cast %add3A_474 : vector<16xf32> to vector<1x16xf32>
      tpu.vector_store %arg14[%swap3A_476, %swap3A_477], %swap3A_480 {strides = array<i32>} : memref<4x1024xf32, #tpu.memory_space<vmem>>, vector<1x16xf32>,
      %mul3A_481 = arith.constant 4 : i32
      %mul3A_482 = arith.muli %scan3A_304, %mul3A_481 : i32
      %add3A_483 = arith.constant 3 : i32
      %add3A_484 = arith.addi %mul3A_482, %add3A_483 : i32
      %mul3A_485 = arith.constant 16 : i32
      %mul3A_486 = arith.muli %add3A_484, %mul3A_485 : i32
      %get3A_487 = arith.constant 3 : i32
      %get3A_488 = arith.index_cast %get3A_487 : i32 to index
      %get3A_489 = arith.index_cast %mul3A_486 : i32 to index
      %get3A_490 = tpu.vector_load %arg10[%get3A_488, %get3A_489] {strides = array<i32>} : memref<4x1024xf32, #tpu.memory_space<vmem>>, vector<1x16xf32>,
      %get3A_491 = vector.shape_cast %get3A_490 : vector<1x16xf32> to vector<16xf32>
      %get3A_492 = arith.constant 3 : i32
      %get3A_493 = arith.index_cast %get3A_492 : i32 to index
      %get3A_494 = arith.index_cast %mul3A_486 : i32 to index
      %get3A_495 = tpu.vector_load %arg11[%get3A_493, %get3A_494] {strides = array<i32>} : memref<4x1024xf32, #tpu.memory_space<vmem>>, vector<1x16xf32>,
      %get3A_496 = vector.shape_cast %get3A_495 : vector<1x16xf32> to vector<16xf32>
      %add3A_497 = arith.addf %get3A_496, %get3A_491 : vector<16xf32>
      %swap3A_498 = arith.constant 3 : i32
      %swap3A_499 = arith.index_cast %swap3A_498 : i32 to index
      %swap3A_500 = arith.index_cast %mul3A_486 : i32 to index
      %swap3A_501 = tpu.vector_load %arg11[%swap3A_499, %swap3A_500] {strides = array<i32>} : memref<4x1024xf32, #tpu.memory_space<vmem>>, vector<1x16xf32>,
      %swap3A_502 = vector.shape_cast %swap3A_501 : vector<1x16xf32> to vector<16xf32>
      %swap3A_503 = vector.shape_cast %add3A_497 : vector<16xf32> to vector<1x16xf32>
      tpu.vector_store %arg11[%swap3A_499, %swap3A_500], %swap3A_503 {strides = array<i32>} : memref<4x1024xf32, #tpu.memory_space<vmem>>, vector<1x16xf32>,
      %get3A_504 = arith.constant 3 : i32
      %get3A_505 = arith.index_cast %get3A_504 : i32 to index
      %get3A_506 = arith.index_cast %mul3A_486 : i32 to index
      %get3A_507 = tpu.vector_load %arg12[%get3A_505, %get3A_506] {strides = array<i32>} : memref<4x1024xf32, #tpu.memory_space<vmem>>, vector<1x16xf32>,
      %get3A_508 = vector.shape_cast %get3A_507 : vector<1x16xf32> to vector<16xf32>
      %add3A_509 = arith.addf %get3A_508, %get3A_491 : vector<16xf32>
      %swap3A_510 = arith.constant 3 : i32
      %swap3A_511 = arith.index_cast %swap3A_510 : i32 to index
      %swap3A_512 = arith.index_cast %mul3A_486 : i32 to index
      %swap3A_513 = tpu.vector_load %arg12[%swap3A_511, %swap3A_512] {strides = array<i32>} : memref<4x1024xf32, #tpu.memory_space<vmem>>, vector<1x16xf32>,
      %swap3A_514 = vector.shape_cast %swap3A_513 : vector<1x16xf32> to vector<16xf32>
      %swap3A_515 = vector.shape_cast %add3A_509 : vector<16xf32> to vector<1x16xf32>
      tpu.vector_store %arg12[%swap3A_511, %swap3A_512], %swap3A_515 {strides = array<i32>} : memref<4x1024xf32, #tpu.memory_space<vmem>>, vector<1x16xf32>,
      %get3A_516 = arith.constant 3 : i32
      %get3A_517 = arith.index_cast %get3A_516 : i32 to index
      %get3A_518 = arith.index_cast %mul3A_486 : i32 to index
      %get3A_519 = tpu.vector_load %arg13[%get3A_517, %get3A_518] {strides = array<i32>} : memref<4x1024xf32, #tpu.memory_space<vmem>>, vector<1x16xf32>,
      %get3A_520 = vector.shape_cast %get3A_519 : vector<1x16xf32> to vector<16xf32>
      %add3A_521 = arith.addf %get3A_520, %get3A_491 : vector<16xf32>
      %swap3A_522 = arith.constant 3 : i32
      %swap3A_523 = arith.index_cast %swap3A_522 : i32 to index
      %swap3A_524 = arith.index_cast %mul3A_486 : i32 to index
      %swap3A_525 = tpu.vector_load %arg13[%swap3A_523, %swap3A_524] {strides = array<i32>} : memref<4x1024xf32, #tpu.memory_space<vmem>>, vector<1x16xf32>,
      %swap3A_526 = vector.shape_cast %swap3A_525 : vector<1x16xf32> to vector<16xf32>
      %swap3A_527 = vector.shape_cast %add3A_521 : vector<16xf32> to vector<1x16xf32>
      tpu.vector_store %arg13[%swap3A_523, %swap3A_524], %swap3A_527 {strides = array<i32>} : memref<4x1024xf32, #tpu.memory_space<vmem>>, vector<1x16xf32>,
      %get3A_528 = arith.constant 3 : i32
      %get3A_529 = arith.index_cast %get3A_528 : i32 to index
      %get3A_530 = arith.index_cast %mul3A_486 : i32 to index
      %get3A_531 = tpu.vector_load %arg14[%get3A_529, %get3A_530] {strides = array<i32>} : memref<4x1024xf32, #tpu.memory_space<vmem>>, vector<1x16xf32>,
      %get3A_532 = vector.shape_cast %get3A_531 : vector<1x16xf32> to vector<16xf32>
      %add3A_533 = arith.addf %get3A_532, %get3A_491 : vector<16xf32>
      %swap3A_534 = arith.constant 3 : i32
      %swap3A_535 = arith.index_cast %swap3A_534 : i32 to index
      %swap3A_536 = arith.index_cast %mul3A_486 : i32 to index
      %swap3A_537 = tpu.vector_load %arg14[%swap3A_535, %swap3A_536] {strides = array<i32>} : memref<4x1024xf32, #tpu.memory_space<vmem>>, vector<1x16xf32>,
      %swap3A_538 = vector.shape_cast %swap3A_537 : vector<1x16xf32> to vector<16xf32>
      %swap3A_539 = vector.shape_cast %add3A_533 : vector<16xf32> to vector<1x16xf32>
      tpu.vector_store %arg14[%swap3A_535, %swap3A_536], %swap3A_539 {strides = array<i32>} : memref<4x1024xf32, #tpu.memory_space<vmem>>, vector<1x16xf32>,
      %scan3A_540 = arith.constant 0 : i32
      scf.yield %scan3A_540 : i32
    }
    %scan3A_219 = arith.constant 16 : i32
    %dma_start3A_220 = arith.constant 0 : i32
    %dma_start3A_221 = arith.constant 0 : i32
    %dma_start3A_222 = tpu.memref_slice %arg4[%dma_start3A_220, %add3A_159, %dma_start3A_221] : memref<4x256x1024xf32, #tpu.memory_space<hbm>> -> memref<1x4x1024xf32, #tpu.memory_space<hbm>>
    %dma_start3A_223 = tpu.memref_squeeze %dma_start3A_222 : memref<1x4x1024xf32, #tpu.memory_space<hbm>> -> memref<4x1024xf32, #tpu.memory_space<hbm>>
    %dma_start3A_224 = arith.constant 0 : i32
    %dma_start3A_225 = tpu.memref_slice %arg4[%dma_start3A_220, %add3A_159, %dma_start3A_224] : memref<4x256x1024xf32, #tpu.memory_space<hbm>> -> memref<1x4x1024xf32, #tpu.memory_space<hbm>>
    %dma_start3A_226 = tpu.memref_squeeze %dma_start3A_225 : memref<1x4x1024xf32, #tpu.memory_space<hbm>> -> memref<4x1024xf32, #tpu.memory_space<hbm>>
    tpu.enqueue_dma source(%arg11 : memref<4x1024xf32, #tpu.memory_space<vmem>>) target(%dma_start3A_226 : memref<4x1024xf32, #tpu.memory_space<hbm>>) target_semaphore(%arg18 : memref<!tpu.dma_semaphore, #tpu.memory_space<semaphore_mem>>)
    %dma_start3A_227 = arith.constant 1 : i32
    %dma_start3A_228 = arith.constant 0 : i32
    %dma_start3A_229 = tpu.memref_slice %arg4[%dma_start3A_227, %add3A_159, %dma_start3A_228] : memref<4x256x1024xf32, #tpu.memory_space<hbm>> -> memref<1x4x1024xf32, #tpu.memory_space<hbm>>
    %dma_start3A_230 = tpu.memref_squeeze %dma_start3A_229 : memref<1x4x1024xf32, #tpu.memory_space<hbm>> -> memref<4x1024xf32, #tpu.memory_space<hbm>>
    %dma_start3A_231 = arith.constant 0 : i32
    %dma_start3A_232 = tpu.memref_slice %arg4[%dma_start3A_227, %add3A_159, %dma_start3A_231] : memref<4x256x1024xf32, #tpu.memory_space<hbm>> -> memref<1x4x1024xf32, #tpu.memory_space<hbm>>
    %dma_start3A_233 = tpu.memref_squeeze %dma_start3A_232 : memref<1x4x1024xf32, #tpu.memory_space<hbm>> -> memref<4x1024xf32, #tpu.memory_space<hbm>>
    tpu.enqueue_dma source(%arg12 : memref<4x1024xf32, #tpu.memory_space<vmem>>) target(%dma_start3A_233 : memref<4x1024xf32, #tpu.memory_space<hbm>>) target_semaphore(%arg18 : memref<!tpu.dma_semaphore, #tpu.memory_space<semaphore_mem>>)
    %dma_start3A_234 = arith.constant 2 : i32
    %dma_start3A_235 = arith.constant 0 : i32
    %dma_start3A_236 = tpu.memref_slice %arg4[%dma_start3A_234, %add3A_159, %dma_start3A_235] : memref<4x256x1024xf32, #tpu.memory_space<hbm>> -> memref<1x4x1024xf32, #tpu.memory_space<hbm>>
    %dma_start3A_237 = tpu.memref_squeeze %dma_start3A_236 : memref<1x4x1024xf32, #tpu.memory_space<hbm>> -> memref<4x1024xf32, #tpu.memory_space<hbm>>
    %dma_start3A_238 = arith.constant 0 : i32
    %dma_start3A_239 = tpu.memref_slice %arg4[%dma_start3A_234, %add3A_159, %dma_start3A_238] : memref<4x256x1024xf32, #tpu.memory_space<hbm>> -> memref<1x4x1024xf32, #tpu.memory_space<hbm>>
    %dma_start3A_240 = tpu.memref_squeeze %dma_start3A_239 : memref<1x4x1024xf32, #tpu.memory_space<hbm>> -> memref<4x1024xf32, #tpu.memory_space<hbm>>
    tpu.enqueue_dma source(%arg13 : memref<4x1024xf32, #tpu.memory_space<vmem>>) target(%dma_start3A_240 : memref<4x1024xf32, #tpu.memory_space<hbm>>) target_semaphore(%arg18 : memref<!tpu.dma_semaphore, #tpu.memory_space<semaphore_mem>>)
    %dma_start3A_241 = arith.constant 3 : i32
    %dma_start3A_242 = arith.constant 0 : i32
    %dma_start3A_243 = tpu.memref_slice %arg4[%dma_start3A_241, %add3A_159, %dma_start3A_242] : memref<4x256x1024xf32, #tpu.memory_space<hbm>> -> memref<1x4x1024xf32, #tpu.memory_space<hbm>>
    %dma_start3A_244 = tpu.memref_squeeze %dma_start3A_243 : memref<1x4x1024xf32, #tpu.memory_space<hbm>> -> memref<4x1024xf32, #tpu.memory_space<hbm>>
    %dma_start3A_245 = arith.constant 0 : i32
    %dma_start3A_246 = tpu.memref_slice %arg4[%dma_start3A_241, %add3A_159, %dma_start3A_245] : memref<4x256x1024xf32, #tpu.memory_space<hbm>> -> memref<1x4x1024xf32, #tpu.memory_space<hbm>>
    %dma_start3A_247 = tpu.memref_squeeze %dma_start3A_246 : memref<1x4x1024xf32, #tpu.memory_space<hbm>> -> memref<4x1024xf32, #tpu.memory_space<hbm>>
    tpu.enqueue_dma source(%arg14 : memref<4x1024xf32, #tpu.memory_space<vmem>>) target(%dma_start3A_247 : memref<4x1024xf32, #tpu.memory_space<hbm>>) target_semaphore(%arg18 : memref<!tpu.dma_semaphore, #tpu.memory_space<semaphore_mem>>)
    %dma_wait3A_248 = arith.constant 0 : i32
    %dma_wait3A_249 = arith.constant 0 : i32
    %dma_wait3A_250 = tpu.memref_slice %arg4[%dma_wait3A_248, %add3A_37, %dma_wait3A_249] : memref<4x256x1024xf32, #tpu.memory_space<hbm>> -> memref<1x4x1024xf32, #tpu.memory_space<hbm>>
    %dma_wait3A_251 = tpu.memref_squeeze %dma_wait3A_250 : memref<1x4x1024xf32, #tpu.memory_space<hbm>> -> memref<4x1024xf32, #tpu.memory_space<hbm>>
    %dma_wait3A_252 = arith.constant 0 : i32
    %dma_wait3A_253 = tpu.memref_slice %arg4[%dma_wait3A_248, %add3A_37, %dma_wait3A_252] : memref<4x256x1024xf32, #tpu.memory_space<hbm>> -> memref<1x4x1024xf32, #tpu.memory_space<hbm>>
    %dma_wait3A_254 = tpu.memref_squeeze %dma_wait3A_253 : memref<1x4x1024xf32, #tpu.memory_space<hbm>> -> memref<4x1024xf32, #tpu.memory_space<hbm>>
    tpu.wait_dma2 semaphore(%arg17 : memref<!tpu.dma_semaphore, #tpu.memory_space<semaphore_mem>>) src(%arg6 : memref<4x1024xf32, #tpu.memory_space<vmem>>) dst(%dma_wait3A_254 : memref<4x1024xf32, #tpu.memory_space<hbm>>)
    %dma_wait3A_255 = arith.constant 1 : i32
    %dma_wait3A_256 = arith.constant 0 : i32
    %dma_wait3A_257 = tpu.memref_slice %arg4[%dma_wait3A_255, %add3A_37, %dma_wait3A_256] : memref<4x256x1024xf32, #tpu.memory_space<hbm>> -> memref<1x4x1024xf32, #tpu.memory_space<hbm>>
    %dma_wait3A_258 = tpu.memref_squeeze %dma_wait3A_257 : memref<1x4x1024xf32, #tpu.memory_space<hbm>> -> memref<4x1024xf32, #tpu.memory_space<hbm>>
    %dma_wait3A_259 = arith.constant 0 : i32
    %dma_wait3A_260 = tpu.memref_slice %arg4[%dma_wait3A_255, %add3A_37, %dma_wait3A_259] : memref<4x256x1024xf32, #tpu.memory_space<hbm>> -> memref<1x4x1024xf32, #tpu.memory_space<hbm>>
    %dma_wait3A_261 = tpu.memref_squeeze %dma_wait3A_260 : memref<1x4x1024xf32, #tpu.memory_space<hbm>> -> memref<4x1024xf32, #tpu.memory_space<hbm>>
    tpu.wait_dma2 semaphore(%arg17 : memref<!tpu.dma_semaphore, #tpu.memory_space<semaphore_mem>>) src(%arg7 : memref<4x1024xf32, #tpu.memory_space<vmem>>) dst(%dma_wait3A_261 : memref<4x1024xf32, #tpu.memory_space<hbm>>)
    %dma_wait3A_262 = arith.constant 2 : i32
    %dma_wait3A_263 = arith.constant 0 : i32
    %dma_wait3A_264 = tpu.memref_slice %arg4[%dma_wait3A_262, %add3A_37, %dma_wait3A_263] : memref<4x256x1024xf32, #tpu.memory_space<hbm>> -> memref<1x4x1024xf32, #tpu.memory_space<hbm>>
    %dma_wait3A_265 = tpu.memref_squeeze %dma_wait3A_264 : memref<1x4x1024xf32, #tpu.memory_space<hbm>> -> memref<4x1024xf32, #tpu.memory_space<hbm>>
    %dma_wait3A_266 = arith.constant 0 : i32
    %dma_wait3A_267 = tpu.memref_slice %arg4[%dma_wait3A_262, %add3A_37, %dma_wait3A_266] : memref<4x256x1024xf32, #tpu.memory_space<hbm>> -> memref<1x4x1024xf32, #tpu.memory_space<hbm>>
    %dma_wait3A_268 = tpu.memref_squeeze %dma_wait3A_267 : memref<1x4x1024xf32, #tpu.memory_space<hbm>> -> memref<4x1024xf32, #tpu.memory_space<hbm>>
    tpu.wait_dma2 semaphore(%arg17 : memref<!tpu.dma_semaphore, #tpu.memory_space<semaphore_mem>>) src(%arg8 : memref<4x1024xf32, #tpu.memory_space<vmem>>) dst(%dma_wait3A_268 : memref<4x1024xf32, #tpu.memory_space<hbm>>)
    %dma_wait3A_269 = arith.constant 3 : i32
    %dma_wait3A_270 = arith.constant 0 : i32
    %dma_wait3A_271 = tpu.memref_slice %arg4[%dma_wait3A_269, %add3A_37, %dma_wait3A_270] : memref<4x256x1024xf32, #tpu.memory_space<hbm>> -> memref<1x4x1024xf32, #tpu.memory_space<hbm>>
    %dma_wait3A_272 = tpu.memref_squeeze %dma_wait3A_271 : memref<1x4x1024xf32, #tpu.memory_space<hbm>> -> memref<4x1024xf32, #tpu.memory_space<hbm>>
    %dma_wait3A_273 = arith.constant 0 : i32
    %dma_wait3A_274 = tpu.memref_slice %arg4[%dma_wait3A_269, %add3A_37, %dma_wait3A_273] : memref<4x256x1024xf32, #tpu.memory_space<hbm>> -> memref<1x4x1024xf32, #tpu.memory_space<hbm>>
    %dma_wait3A_275 = tpu.memref_squeeze %dma_wait3A_274 : memref<1x4x1024xf32, #tpu.memory_space<hbm>> -> memref<4x1024xf32, #tpu.memory_space<hbm>>
    tpu.wait_dma2 semaphore(%arg17 : memref<!tpu.dma_semaphore, #tpu.memory_space<semaphore_mem>>) src(%arg9 : memref<4x1024xf32, #tpu.memory_space<vmem>>) dst(%dma_wait3A_275 : memref<4x1024xf32, #tpu.memory_space<hbm>>)
    %dma_wait3A_276 = arith.constant 0 : i32
    %dma_wait3A_277 = arith.constant 0 : i32
    %dma_wait3A_278 = tpu.memref_slice %arg4[%dma_wait3A_276, %add3A_159, %dma_wait3A_277] : memref<4x256x1024xf32, #tpu.memory_space<hbm>> -> memref<1x4x1024xf32, #tpu.memory_space<hbm>>
    %dma_wait3A_279 = tpu.memref_squeeze %dma_wait3A_278 : memref<1x4x1024xf32, #tpu.memory_space<hbm>> -> memref<4x1024xf32, #tpu.memory_space<hbm>>
    %dma_wait3A_280 = arith.constant 0 : i32
    %dma_wait3A_281 = tpu.memref_slice %arg4[%dma_wait3A_276, %add3A_159, %dma_wait3A_280] : memref<4x256x1024xf32, #tpu.memory_space<hbm>> -> memref<1x4x1024xf32, #tpu.memory_space<hbm>>
    %dma_wait3A_282 = tpu.memref_squeeze %dma_wait3A_281 : memref<1x4x1024xf32, #tpu.memory_space<hbm>> -> memref<4x1024xf32, #tpu.memory_space<hbm>>
    tpu.wait_dma2 semaphore(%arg18 : memref<!tpu.dma_semaphore, #tpu.memory_space<semaphore_mem>>) src(%arg11 : memref<4x1024xf32, #tpu.memory_space<vmem>>) dst(%dma_wait3A_282 : memref<4x1024xf32, #tpu.memory_space<hbm>>)
    %dma_wait3A_283 = arith.constant 1 : i32
    %dma_wait3A_284 = arith.constant 0 : i32
    %dma_wait3A_285 = tpu.memref_slice %arg4[%dma_wait3A_283, %add3A_159, %dma_wait3A_284] : memref<4x256x1024xf32, #tpu.memory_space<hbm>> -> memref<1x4x1024xf32, #tpu.memory_space<hbm>>
    %dma_wait3A_286 = tpu.memref_squeeze %dma_wait3A_285 : memref<1x4x1024xf32, #tpu.memory_space<hbm>> -> memref<4x1024xf32, #tpu.memory_space<hbm>>
    %dma_wait3A_287 = arith.constant 0 : i32
    %dma_wait3A_288 = tpu.memref_slice %arg4[%dma_wait3A_283, %add3A_159, %dma_wait3A_287] : memref<4x256x1024xf32, #tpu.memory_space<hbm>> -> memref<1x4x1024xf32, #tpu.memory_space<hbm>>
    %dma_wait3A_289 = tpu.memref_squeeze %dma_wait3A_288 : memref<1x4x1024xf32, #tpu.memory_space<hbm>> -> memref<4x1024xf32, #tpu.memory_space<hbm>>
    tpu.wait_dma2 semaphore(%arg18 : memref<!tpu.dma_semaphore, #tpu.memory_space<semaphore_mem>>) src(%arg12 : memref<4x1024xf32, #tpu.memory_space<vmem>>) dst(%dma_wait3A_289 : memref<4x1024xf32, #tpu.memory_space<hbm>>)
    %dma_wait3A_290 = arith.constant 2 : i32
    %dma_wait3A_291 = arith.constant 0 : i32
    %dma_wait3A_292 = tpu.memref_slice %arg4[%dma_wait3A_290, %add3A_159, %dma_wait3A_291] : memref<4x256x1024xf32, #tpu.memory_space<hbm>> -> memref<1x4x1024xf32, #tpu.memory_space<hbm>>
    %dma_wait3A_293 = tpu.memref_squeeze %dma_wait3A_292 : memref<1x4x1024xf32, #tpu.memory_space<hbm>> -> memref<4x1024xf32, #tpu.memory_space<hbm>>
    %dma_wait3A_294 = arith.constant 0 : i32
    %dma_wait3A_295 = tpu.memref_slice %arg4[%dma_wait3A_290, %add3A_159, %dma_wait3A_294] : memref<4x256x1024xf32, #tpu.memory_space<hbm>> -> memref<1x4x1024xf32, #tpu.memory_space<hbm>>
    %dma_wait3A_296 = tpu.memref_squeeze %dma_wait3A_295 : memref<1x4x1024xf32, #tpu.memory_space<hbm>> -> memref<4x1024xf32, #tpu.memory_space<hbm>>
    tpu.wait_dma2 semaphore(%arg18 : memref<!tpu.dma_semaphore, #tpu.memory_space<semaphore_mem>>) src(%arg13 : memref<4x1024xf32, #tpu.memory_space<vmem>>) dst(%dma_wait3A_296 : memref<4x1024xf32, #tpu.memory_space<hbm>>)
    %dma_wait3A_297 = arith.constant 3 : i32
    %dma_wait3A_298 = arith.constant 0 : i32
    %dma_wait3A_299 = tpu.memref_slice %arg4[%dma_wait3A_297, %add3A_159, %dma_wait3A_298] : memref<4x256x1024xf32, #tpu.memory_space<hbm>> -> memref<1x4x1024xf32, #tpu.memory_space<hbm>>
    %dma_wait3A_300 = tpu.memref_squeeze %dma_wait3A_299 : memref<1x4x1024xf32, #tpu.memory_space<hbm>> -> memref<4x1024xf32, #tpu.memory_space<hbm>>
    %dma_wait3A_301 = arith.constant 0 : i32
    %dma_wait3A_302 = tpu.memref_slice %arg4[%dma_wait3A_297, %add3A_159, %dma_wait3A_301] : memref<4x256x1024xf32, #tpu.memory_space<hbm>> -> memref<1x4x1024xf32, #tpu.memory_space<hbm>>
    %dma_wait3A_303 = tpu.memref_squeeze %dma_wait3A_302 : memref<1x4x1024xf32, #tpu.memory_space<hbm>> -> memref<4x1024xf32, #tpu.memory_space<hbm>>
    tpu.wait_dma2 semaphore(%arg18 : memref<!tpu.dma_semaphore, #tpu.memory_space<semaphore_mem>>) src(%arg14 : memref<4x1024xf32, #tpu.memory_space<vmem>>) dst(%dma_wait3A_303 : memref<4x1024xf32, #tpu.memory_space<hbm>>)
    return
  }
}

module attributes {stable_mosaic.version = 14 : i64} {
  func.func @_tc_body(%arg0: i32, %arg1: memref<4x256x1024xf32, #tpu.memory_space<vmem>>, %arg2: memref<256x1024xf32, #tpu.memory_space<vmem>>, %arg3: memref<4x256x1024xf32, #tpu.memory_space<vmem>>) attributes {dimension_semantics = [#tpu.dimension_semantics<arbitrary>], iteration_bounds = array<i64: 7>, scalar_prefetch = 0 : i64, scratch_operands = 0 : i64, tpu.core_type = #tpu.core_type<tc>, window_params = [{transform_indices = @transform_0, window_bounds = array<i64: 4, 256, 1024>}, {transform_indices = @transform_1, window_bounds = array<i64: 256, 1024>}, {transform_indices = @transform_2, window_bounds = array<i64: 4, 256, 1024>}]} {
    %get3A = arith.constant 0 : index
    %get3A_0 = arith.constant 0 : index
    %get3A_1 = arith.constant 0 : index
    %get3A_2 = vector.load %arg1[%get3A, %get3A_0, %get3A_1] : memref<4x256x1024xf32, #tpu.memory_space<vmem>>, vector<4x256x1024xf32>
    %get3A_3 = arith.constant 0 : index
    %get3A_4 = arith.constant 0 : index
    %get3A_5 = vector.load %arg2[%get3A_3, %get3A_4] : memref<256x1024xf32, #tpu.memory_space<vmem>>, vector<256x1024xf32>
    %broadcast_in_dim3A = vector.shape_cast %get3A_5 : vector<256x1024xf32> to vector<1x256x1024xf32>
    %add3A = vector.broadcast %broadcast_in_dim3A : vector<1x256x1024xf32> to vector<4x256x1024xf32>
    %add3A_6 = arith.addf %get3A_2, %add3A : vector<4x256x1024xf32>
    %swap3A = arith.constant 0 : index
    %swap3A_7 = arith.constant 0 : index
    %swap3A_8 = arith.constant 0 : index
    %swap3A_9 = vector.load %arg3[%swap3A, %swap3A_7, %swap3A_8] : memref<4x256x1024xf32, #tpu.memory_space<vmem>>, vector<4x256x1024xf32>
    tpu.vector_store %arg3[%swap3A, %swap3A_7, %swap3A_8], %add3A_6 {strides = array<i32>} : memref<4x256x1024xf32, #tpu.memory_space<vmem>>, vector<4x256x1024xf32>,
    return
  }
  func.func @transform_0(%arg0: i32) -> (i32, i32, i32) {
    %add3A = arith.constant 1 : i32
    %add3A_0 = arith.addi %arg0, %add3A : i32
    %c0_i32 = arith.constant 0 : i32
    %c0_i32_1 = arith.constant 0 : i32
    %c0_i32_2 = arith.constant 0 : i32
    return %c0_i32, %add3A_0, %c0_i32_1 : i32, i32, i32
  }
  func.func @transform_1(%arg0: i32) -> (i32, i32) {
    %add3A = arith.constant 1 : i32
    %add3A_0 = arith.addi %arg0, %add3A : i32
    %c0_i32 = arith.constant 0 : i32
    %c0_i32_1 = arith.constant 0 : i32
    return %add3A_0, %c0_i32 : i32, i32
  }
  func.func @transform_2(%arg0: i32) -> (i32, i32, i32) {
    %add3A = arith.constant 1 : i32
    %add3A_0 = arith.addi %arg0, %add3A : i32
    %c0_i32 = arith.constant 0 : i32
    %c0_i32_1 = arith.constant 0 : i32
    %c0_i32_2 = arith.constant 0 : i32
    return %c0_i32, %add3A_0, %c0_i32_1 : i32, i32, i32
  }
}

</mosaic_0001>

<sc_bundles>
// kernel: kernel.4.cloned.1.call-start
scs
__scs_entry_jumppad:
0x0: {  	(pc) =	sbr.rel $0x88, $3  }
0x1: {  	(tag) =	ssettag $0x0;
	lr =	simm.s32 $0x1  }
0x2: {  	[smem:$0x3F9F] =	sst lr;
	_ =	strace $0xD0000000  }
0x3: {  	_ = 	snop  }
0x4: {  	_ = 	snop  }
0x5: {  	_ = 	snop  }
0x6: {  	_ = 	snop  }
0x7: {  	_ = 	snop  }
__scs_overlays_trampoline_lowered:
0x8: {  	[smem:$0x3FAE] =	sst s0  }
0x9: {  	[smem:$0x3FAF] =	sst s1  }
0xa: {  	[smem:$0x3FB0] =	sst s2  }
0xb: {  	[smem:$0x3FB1] =	sst s3  }
0xc: {  	[smem:$0x3FB2] =	sst s4  }
0xd: {  	[smem:$0x3FB3] =	sst s5  }
0xe: {  	[smem:$0x3FB4] =	sst s6  }
0xf: {  	[smem:$0x3FB5] =	sst s7  }
0x10: {  	[smem:$0x3FB6] =	sst s8  }
0x11: {  	[smem:$0x3FB7] =	sst s9;
	s0 =	simm.s32 @!p0 $0x0  }
0x12: {  	s1 =	sld [smem:$0x3F9D];
	s0 =	simm.s32 @p0 $0x1  }
0x13: {  	[smem:$0x3FB8] =	sst s0;
	s0 =	simm.s32 @!p1 $0x0  }
0x14: {  	s2 =	sld [smem:$0x3F9C];
	s0 =	simm.s32 @p1 $0x1  }
0x15: {  	[smem:$0x3FB9] =	sst s0;
	s0 =	simm.s32 @!p2 $0x0  }
0x16: {  	s3 =	sld [smem:$0x3FDB];
	s0 =	simm.s32 @p2 $0x1  }
0x17: {  	s4 =	simm.s32 $0x1BF5;
	[smem:$0x3FBB] =	sst s0  }
0x18: {  	s0 =	sld [smem:$0x3F9E];
	_ =	swait.ge [sflag:s4], $0x0  }
0x19: {  	s7 =	sld [smem:$0x3F9F]  }
0x1a: {  	s8 =	sadd.s32 $0xFFFFE003, lr  }
0x1b: {  	s9 =	sadd.s32 $0xFFFFFEF7, lr;
	s5 =	simm.s32 $0xFFFFFFFF;
	p2 =	slt.u32 s8, $0xFFFFF086  }
0x1c: {  	p1 =	slt.u32 s9, $0xF7A;
	s5 =	simm.s32 @!p2 $0x0  }
0x1d: {  	s5 =	simm.s32 @p1 $0x1;
	p0 =	seq.s32 s7, s2  }
0x1e: {  	s7 =	smul.u32 @!p0 $0xF7A, s2;
	p2 =	seq.s32 @!p0 s5, $0x0  }
0x1f: {  	s9 =	smul.u32 $0xF7A, s1;
	s8 =	simm.s32 @!p0 $0x1BF5;
	p2 =	por !p2, p0  }
0x20: {  	[sflag:s8] =	ssyncset.s32 @!p0 $0xFFFFF086;
	s6 =	sadd.s32 @!p0 s3, s7;
	s7 =	simm.s32 @!p0 $0x108  }
0x21: {  	s3 =	sadd.s32 s3, s9;
	s6 =	sadd.s32 @!p0 $0x88, s6;
	s7 =	simm.s32 @p2 $0x1082  }
0x22: {  	[simem:s7], [sflag:s8] =	dma.local @!p0 [hbm:s6], $0xF7A  }
0x23: {  	s9 =	sor.u32 $0xD0000000, s2;
	s6 =	simm.s32 $0x108;
	_ =	swait.ge @!p0 [sflag:s8], $0x0  }
0x24: {  	s3 =	sadd.s32 $0x88, s3;
	s6 =	simm.s32 @!p1 $0x1082;
	[sflag:s4] =	ssyncset.s32 $0xFFFFF086  }
0x25: {  	[simem:s6], [sflag:s4] =	dma.local [hbm:s3], $0xF7A  }
0x26: {  	[smem:$0x3F9F] =	sst s1;
	(tag) =	ssettag s2;
	_ =	strace s9  }
0x27: {  	s1 =	sld [smem:$0x3FAF]  }
0x28: {  	s2 =	sld [smem:$0x3FB0]  }
0x29: {  	s4 =	sld [smem:$0x3FB2]  }
0x2a: {  	p0 =	seq.s32 s5, $0x0;
	s5 =	sld [smem:$0x3FB3]  }
0x2b: {  	s6 =	sld [smem:$0x3FB4]  }
0x2c: {  	s7 =	sld [smem:$0x3FB5]  }
0x2d: {  	s3 =	simm.s32 $0x108;
	s8 =	sld [smem:$0x3FB6]  }
0x2e: {  	s3 =	simm.s32 @!p0 $0x1082;
	s9 =	sld [smem:$0x3FB7]  }
0x2f: {  	lr =	sadd.s32 s0, s3;
	s0 =	sld [smem:$0x3FAE]  }
0x30: {  	s3 =	sld [smem:$0x3FB1]  }
0x31: {  	[smem:$0x3FBA] =	sst s10  }
0x32: {  	s10 =	sld [smem:$0x3FB8];
	_ =	sdelay $0x3  }
0x33: {  	p0 =	seq.s32 s10, $0x1;
	s10 =	sld [smem:$0x3FBA];
	_ =	sdelay $0x3  }
0x34: {  	[smem:$0x3FBA] =	sst s10  }
0x35: {  	s10 =	sld [smem:$0x3FB9];
	_ =	sdelay $0x3  }
0x36: {  	p1 =	seq.s32 s10, $0x1;
	s10 =	sld [smem:$0x3FBA];
	_ =	sdelay $0x3  }
0x37: {  	[smem:$0x3FBA] =	sst s10  }
0x38: {  	s10 =	sld [smem:$0x3FBB]  }
0x39: {  	_ = 	snop;
	(pc) =	sbr.ind lr, $3  }
0x3a: {  	_ = 	snop  }
0x3b: {  	_ = 	snop  }
0x3c: {  	p2 =	seq.s32 s10, $0x1;
	s10 =	sld [smem:$0x3FBA]  }
0x3d: {  	_ =	shalt  }
0x3e: {  	_ =	shalt  }
0x3f: {  	_ =	shalt  }
0x40: {  	_ =	shalt  }
0x41: {  	_ =	shalt  }
0x42: {  	_ =	shalt  }
0x43: {  	_ =	shalt  }
0x44: {  	_ =	shalt  }
0x45: {  	_ =	shalt  }
0x46: {  	_ =	shalt  }
0x47: {  	_ =	shalt  }
0x48: {  	_ =	shalt  }
0x49: {  	_ =	shalt  }
0x4a: {  	_ =	shalt  }
0x4b: {  	_ =	shalt  }
0x4c: {  	_ =	shalt  }
0x4d: {  	_ =	shalt  }
0x4e: {  	_ =	shalt  }
0x4f: {  	_ =	shalt  }
0x50: {  	_ =	shalt  }
0x51: {  	_ =	shalt  }
0x52: {  	_ =	shalt  }
0x53: {  	_ =	shalt  }
0x54: {  	_ =	shalt  }
0x55: {  	_ =	shalt  }
0x56: {  	_ =	shalt  }
0x57: {  	_ =	shalt  }
0x58: {  	_ =	shalt  }
0x59: {  	_ =	shalt  }
0x5a: {  	_ =	shalt  }
0x5b: {  	_ =	shalt  }
0x5c: {  	_ =	shalt  }
0x5d: {  	_ =	shalt  }
0x5e: {  	_ =	shalt  }
0x5f: {  	_ =	shalt  }
0x60: {  	_ =	shalt  }
0x61: {  	_ =	shalt  }
0x62: {  	_ =	shalt  }
0x63: {  	_ =	shalt  }
0x64: {  	_ =	shalt  }
0x65: {  	_ =	shalt  }
0x66: {  	_ =	shalt  }
0x67: {  	_ =	shalt  }
0x68: {  	_ =	shalt  }
0x69: {  	_ =	shalt  }
0x6a: {  	_ =	shalt  }
0x6b: {  	_ =	shalt  }
0x6c: {  	_ =	shalt  }
0x6d: {  	_ =	shalt  }
0x6e: {  	_ =	shalt  }
0x6f: {  	_ =	shalt  }
0x70: {  	_ =	shalt  }
0x71: {  	_ =	shalt  }
0x72: {  	_ =	shalt  }
0x73: {  	_ =	shalt  }
0x74: {  	_ =	shalt  }
0x75: {  	_ =	shalt  }
0x76: {  	_ =	shalt  }
0x77: {  	_ =	shalt  }
0x78: {  	_ =	shalt  }
0x79: {  	_ =	shalt  }
0x7a: {  	_ =	shalt  }
0x7b: {  	_ =	shalt  }
0x7c: {  	_ =	shalt  }
0x7d: {  	_ =	shalt  }
0x7e: {  	_ =	shalt  }
0x7f: {  	_ =	shalt  }
0x80: {  	_ =	shalt  }
0x81: {  	_ =	shalt  }
0x82: {  	_ =	shalt  }
0x83: {  	_ =	shalt  }
0x84: {  	_ =	shalt  }
0x85: {  	_ =	shalt  }
0x86: {  	_ =	shalt  }
0x87: {  	_ =	shalt  }
.Lfunc_end0:
.L_simem_size_0:
called_computation_lowered:
.L_overlay_start_0:
0x88: {  	s2 =	sld [smem:$0x3FD9]  }
0x89: {  	s3 =	sld [smem:$0x3FFE];
	_ =	sdelay $0x1  }
0x8a: {  	s1 =	srdreg.scid  }
0x8b: {  	s0 =	sand.u32 $0x1, s1  }
0x8c: {  	s17 =	sshll.u32 s0, $0xA;
	s2 =	sadd.s32 s3, s2  }
0x8d: {  	s2 =	sadd.s32 s2, s17  }
0x8e: {  	[smem:$0x3FC6] =	sst s2  }
0x8f: {  	_ = 	snop  }
0x90: {  	s2 =	sld [smem:$0x3FC9]  }
0x91: {  	s18 =	sld [smem:$0x3FC8];
	(tm) =	ssettm $0x1  }
0x92: {  	s4 =	sld [smem:$0x3FFB];
	_ =	sdelay $0x3  }
0x93: {  	_ =	strace s4  }
0x94: {  	s4 =	sld [smem:$0x3FFC];
	_ =	sdelay $0x3  }
0x95: {  	_ =	strace s4  }
0x96: {  	s4 =	sld [smem:$0x3FFD];
	_ =	sdelay $0x3  }
0x97: {  	_ =	strace s4  }
0x98: {  	_ =	strace $0x8FFFFFFF  }
0x99: {  	s19 =	sld [smem:$0x3FDB];
	_ =	sdelay $0x1  }
0x9a: {  	s5 =	simm.s32 $_scs_section_size  }
0x9b: {  	s6 =	simm.s32 $_size__tile_overlayer_lowered;
	s7 =	simm.s32 $_tile_overlayer_lowered  }
0x9c: {  	s22 =	simm.s32 $0x1BFF;
	s21 =	sshll.u32 s7, $0x1;
	s4 =	sadd.s32 s5, s19  }
0x9d: {  	s8 =	simm.s32 $0x0;
	s20 =	sshll.u32 s6, $0x1;
	s6 =	sadd.s32 s21, s4  }
0x9e: {  	[timem:s8], [sflag:s22] =	dma.local [hbm:s6], s20  }
0x9f: {  	_ =	swait.ge [sflag:s22], s20  }
0xa0: {  	s5 =	ssub.s32 $0x0, s20;
	[sflag:s22] =	ssyncset.done $0x0  }
0xa1: {  	[sflag:s22] =	ssyncadd.s32 s5;
	_ =	sdelay $0x1  }
0xa2: {  	s23 =	simm.s32 $0x1B8B  }
0xa3: {  	_ =	swait.ge [sflag:s23], $0x1  }
0xa4: {  	[sflag:s23] =	ssyncset.done $0x0  }
0xa5: {  	s25 =	simm.s32 $0x1B8E;
	s24 =	sld [smem:$0x3FFE];
	[sflag:s23] =	ssyncadd.s32 $0xFFFFFFFF  }
0xa6: {  	s26 =	simm.s32 $execute0_lowered;
	[smem:$0x3FD2] =	sst s25  }
0xa7: {  	s6 =	sshll.u32 s26, $0x1;
	_ =	strace $0x80000046;
	[dreg:$0x1] =	wrdreg $0xFFFFFFFF  }
0xa8: {  	s28 =	simm.s32 $_size_execute0_lowered;
	s4 =	sadd.s32 s4, s6;
	[dreg:$0x0] =	wrdreg $0x0  }
0xa9: {  	s6 =	sshll.u32 s28, $0x1;
	[dreg:$0x2] =	wrdreg s4  }
0xaa: {  	[dreg:$0x3] =	wrdreg s6  }
0xab: {  	[dreg:$0x4] =	wrdreg $0xC0  }
0xac: {  	_ =	task [dreg:s8], $0x5FFFF  }
0xad: {  	[dreg:$0x1] =	wrdreg $0xFFFFFFFF  }
0xae: {  	[dreg:$0x0] =	wrdreg $0x60  }
0xaf: {  	[dreg:$0x2] =	wrdreg s2  }
0xb0: {  	[dreg:$0x3] =	wrdreg s18  }
0xb1: {  	[dreg:$0x4] =	wrdreg s24  }
0xb2: {  	[dreg:$0x5] =	wrdreg $0x9  }
0xb3: {  	_ =	task.clear_ibuf [dreg:s8], $0x6FFFF;
	_ =	strace $0x90000046  }
0xb4: {  	s29 =	simm.s32 $0x9;
	_ =	strace $0x80000048  }
0xb5: {  	_ =	swait.ge [sflag:s29], $0x1  }
0xb6: {  	[sflag:s29] =	ssyncadd.s32 $0xFFFFFFFF  }
0xb7: {  	_ =	strace $0x90000048  }
0xb8: {  	_ =	sfence  }
0xb9: {  	s30 =	sld [smem:$0x0];
	_ =	sdelay $0x2  }
0xba: {  	s31 =	sshll.u32 s1, $0xD;
	s1 =	sshrl.u32 s1, $0x2  }
0xbb: {  	s3 =	sand.u32 $0x4000, s31;
	s1 =	sadd.s32 s1, s30  }
0xbc: {  	s0 =	sor.u32 s3, s0;
	s1 =	sshll.u32 s1, $0x11  }
0xbd: {  	s0 =	sor.u32 s1, s0  }
0xbe: {  	s0 =	sadd.s32 $0x8F2B, s0  }
0xbf: {  	[sflag:s0] =	ssyncadd.remote.s32 $0x1  }
0xc0: {  	_ =	sfence.sel $0xFFFF  }
0xc1: {  	[dreg:$0x0] =	wrdreg $0xFFFFFFFF;
	(pc) =	sbr.abs _section_cstart, $3  }
0xc2: {  	[dreg:$0x1] =	wrdreg $0xFFFFFFFF  }
0xc3: {  	_ =	task.clear_ibuf [dreg:s8], $0x2FFFF;
	_ =	strace $0x9FFFFFFF  }
0xc4: {  	(tm) =	ssettm $0x7FFFFFFF  }
0xc5: {  	_ =	shalt  }
tec
execute0_lowered:
.L_overlay_start_1:
0x0: {  	(tag) =	ssettag $0x1  }
0x1: {  	s0 =	rddreg [dreg:$0x0]  }
0x2: {  	s1 =	rddreg [dreg:$0x1]  }
0x3: {  	s3 =	rddreg [dreg:$0x2];
	s4 =	srdreg.scid;
	s2 =	simm.s32 $0x0  }
0x4: {  	s5 =	stileid.u32;
	s22 =	simm.s32 $0x200;
	s31 =	simm.s32 $0x1000  }
0x5: {  	s8 =	simm.s32 $0x6000;
	s29 =	simm.s32 $0x1;
	s4 =	sand.u32 $0x1, s4  }
0x6: {  	[smem:$0x7FF] =	sst s2;
	s5 =	sshll.u32 s5, $0xB;
	s6 =	sshll.u32 s4, $0xA  }
0x7: {  	s23 =	sadd.s32 $0x600, s3;
	s4 =	ssub.s32 $0x2, s4;
	s5 =	sor.u32 s6, s5  }
0x8: {  	_ =	strace $0x80000047;
	s7 =	sshrl.u32 s4, $0x1;
	s3 =	sadd.s32 s0, s5  }
0x9: {  	s4 =	ssub.s32 s4, s7;
	s24 =	sadd.s32 s1, s5;
	s30 =	sor.u32 $0x40, s5  }
0xa: {  	s13 =	sadd.s32 s23, s5;
	s5 =	simm.s32 $0x0;
	[dreg:$0x4] =	wrdreg s24  }
0xb: {  	s25 =	sadd.s32 $0x40000, s3;
	s26 =	sadd.s32 $0x80000, s3;
	s28 =	sadd.s32 $0xC0000, s3  }
0xc: {  	s1 =	sadd.s32 s1, s30;
	s9 =	sadd.s32 s0, s30;
	s10 =	sadd.s32 $0x40040, s3  }
0xd: {  	s11 =	sadd.s32 $0x80040, s3;
	s12 =	sadd.s32 $0xC0040, s3;
	s14 =	sadd.s32 $0x8000, s13  }
0xe: {  	s15 =	sadd.s32 $0x10000, s13;
	s16 =	sadd.s32 $0x18000, s13;
	s17 =	sadd.s32 s23, s30  }
0xf: {  	s18 =	sadd.s32 $0x8040, s13;
	s19 =	sadd.s32 $0x10040, s13;
	[dreg:$0x5] =	wrdreg s25  }
0x10: {  	s20 =	sadd.s32 $0x18040, s13;
	s21 =	smax.u32 s4, $0x1;
	[dreg:$0x6] =	wrdreg s26  }
0x11: {  	s23 =	simm.s32 $0x400;
	s0 =	simm.s32 $0x8000;
	[dreg:$0x7] =	wrdreg s28  }
0x12: {  	s24 =	simm.s32 $0x2;
	s4 =	simm.s32 $0x3;
	[dreg:$0x8] =	wrdreg s1  }
0x13: {  	s26 =	simm.s32 $0x7000;
	s1 =	simm.s32 $0x9000;
	s25 =	simm.s32 $0x4  }
.LBB2_1:
0x14: {  	s6 =	rddreg [dreg:$0x4]  }
0x15: {  	[tilespmem:s2], [sflag:$0x1] =	stream.strided.gather [hbm4b:s6+s22], $0x1000, s23, s22, $0x38;
	[tilespmem:$0xA000] =	vst v63  }
0x16: {  	_ = 	snop  }
0x17: {  	[tilespmem:s31], [sflag:$0x1] =	stream.strided.gather [hbm4b:s3+s22], $0x1000, s23, s22, $0x38;
	[tilespmem:$0xA000] =	vst v63  }
0x18: {  	s30 =	rddreg [dreg:$0x5];
	s7 =	simm.s32 $0x2000  }
0x19: {  	[tilespmem:s7], [sflag:$0x1] =	stream.strided.gather [hbm4b:s30+s22], $0x1000, s23, s22, $0x38;
	[tilespmem:$0xA000] =	vst v63  }
0x1a: {  	s28 =	rddreg [dreg:$0x6];
	s30 =	simm.s32 $0x3000  }
0x1b: {  	[tilespmem:s30], [sflag:$0x1] =	stream.strided.gather [hbm4b:s28+s22], $0x1000, s23, s22, $0x38;
	[tilespmem:$0xA000] =	vst v63  }
0x1c: {  	s28 =	rddreg [dreg:$0x7];
	s30 =	simm.s32 $0x4000  }
0x1d: {  	[tilespmem:s30], [sflag:$0x1] =	stream.strided.gather [hbm4b:s28+s22], $0x1000, s23, s22, $0x38;
	[tilespmem:$0xA000] =	vst v63  }
0x1e: {  	s28 =	rddreg [dreg:$0x8];
	s30 =	simm.s32 $0x5000  }
0x1f: {  	[tilespmem:s30], [sflag:$0x2] =	stream.strided.gather [hbm4b:s28+s22], $0x1000, s23, s22, $0x38;
	[tilespmem:$0xA000] =	vst v63  }
0x20: {  	_ = 	snop  }
0x21: {  	[tilespmem:s8], [sflag:$0x2] =	stream.strided.gather [hbm4b:s9+s22], $0x1000, s23, s22, $0x38;
	[tilespmem:$0xA000] =	vst v63  }
0x22: {  	_ = 	snop  }
0x23: {  	[tilespmem:s26], [sflag:$0x2] =	stream.strided.gather [hbm4b:s10+s22], $0x1000, s23, s22, $0x38;
	[tilespmem:$0xA000] =	vst v63  }
0x24: {  	_ = 	snop  }
0x25: {  	[tilespmem:s0], [sflag:$0x2] =	stream.strided.gather [hbm4b:s11+s22], $0x1000, s23, s22, $0x38;
	[tilespmem:$0xA000] =	vst v63  }
0x26: {  	_ = 	snop  }
0x27: {  	[tilespmem:s1], [sflag:$0x2] =	stream.strided.gather [hbm4b:s12+s22], $0x1000, s23, s22, $0x38;
	[tilespmem:$0xA000] =	vst v63  }
0x28: {  	_ =	swait.ge [sflag:s29], $0x1000  }
0x29: {  	[sflag:s29] =	ssyncset.done $0x0  }
0x2a: {  	[sflag:s29] =	ssyncadd.s32 $0xFFFFF000  }
0x2b: {  	_ =	swait.ge [sflag:s29], $0x1000  }
0x2c: {  	[sflag:s29] =	ssyncset.done $0x0  }
0x2d: {  	[sflag:s29] =	ssyncadd.s32 $0xFFFFF000  }
0x2e: {  	_ =	swait.ge [sflag:s29], $0x1000  }
0x2f: {  	[sflag:s29] =	ssyncset.done $0x0  }
0x30: {  	[sflag:s29] =	ssyncadd.s32 $0xFFFFF000  }
0x31: {  	_ =	swait.ge [sflag:s29], $0x1000  }
0x32: {  	[sflag:s29] =	ssyncset.done $0x0  }
0x33: {  	[sflag:s29] =	ssyncadd.s32 $0xFFFFF000  }
0x34: {  	_ =	swait.ge [sflag:s29], $0x1000  }
0x35: {  	s28 =	sand.u32 $0x40, s2;
	s30 =	sand.u32 $0xE00, s2;
	[sflag:s29] =	ssyncset.done $0x0  }
0x36: {  	s6 =	sor.u32 s28, s30;
	[sflag:s29] =	ssyncadd.s32 $0xFFFFF000  }
0x37: {  	v2 =	vld [tilespmem:s6+$0x0]  }
0x38: {  	v6 =	vld [tilespmem:s6+$0x10]  }
0x39: {  	v1 =	vld [tilespmem:s6+$0x20]  }
0x3a: {  	v0 =	vld [tilespmem:s6+$0x30]  }
0x3b: {  	v3 =	vld [tilespmem:s6+$0x1000]  }
0x3c: {  	v4 =	vld [tilespmem:s6+$0x2000]  }
0x3d: {  	v5 =	vld [tilespmem:s6+$0x3000]  }
0x3e: {  	v7 =	vld [tilespmem:s6+$0x4000]  }
0x3f: {  	v8 =	vld [tilespmem:s6+$0x1010]  }
0x40: {  	v10 =	vld [tilespmem:s6+$0x3010];
	v3 =	vadd.f32 v3, v2  }
0x41: {  	v9 =	vld [tilespmem:s6+$0x2010];
	v4 =	vadd.f32 v4, v2  }
0x42: {  	v11 =	vld [tilespmem:s6+$0x4010];
	[tilespmem:s6+$0x1000] =	vst v3;
	v3 =	vadd.f32 v5, v2  }
0x43: {  	v12 =	vld [tilespmem:s6+$0x1020];
	[tilespmem:s6+$0x2000] =	vst v4;
	v2 =	vadd.f32 v7, v2  }
0x44: {  	v5 =	vadd.f32 v8, v6;
	[tilespmem:s6+$0x3000] =	vst v3;
	v3 =	vld [tilespmem:s6+$0x2020]  }
0x45: {  	v4 =	vld [tilespmem:s6+$0x3020];
	v8 =	vadd.f32 v10, v6;
	[tilespmem:s6+$0x4000] =	vst v2  }
0x46: {  	v7 =	vadd.f32 v9, v6;
	[tilespmem:s6+$0x1010] =	vst v5;
	v2 =	vld [tilespmem:s6+$0x4020]  }
0x47: {  	v5 =	vld [tilespmem:s6+$0x1030];
	[tilespmem:s6+$0x3010] =	vst v8;
	v8 =	vadd.f32 v11, v6  }
0x48: {  	s7 =	simm.s32 $0x100;
	s26 =	simm.s32 $0x40;
	[tilespmem:s6+$0x2010] =	vst v7;
	v7 =	vadd.f32 v12, v1;
	v6 =	vld [tilespmem:s6+$0x2030]  }
.LBB2_2:
0x49: {  	s8 =	sand.u32 $0x40, s26;
	s28 =	sand.u32 $0xE00, s7;
	p0 =	sne.s32 s26, $0x3C0;
	[tilespmem:s6+$0x4010] =	vst v8;
	v3 =	vadd.f32 v3, v1;
	v8 =	vld [tilespmem:s6+$0x3030]  }
0x4a: {  	s8 =	sor.u32 s8, s28;
	[tilespmem:s6+$0x1020] =	vst v7;
	v4 =	vadd.f32 v4, v1;
	v7 =	vld [tilespmem:s6+$0x4030]  }
0x4b: {  	v9 =	vld [tilespmem:s8+$0x0];
	[tilespmem:s6+$0x2020] =	vst v3;
	v2 =	vadd.f32 v2, v1  }
0x4c: {  	v10 =	vld [tilespmem:s8+$0x10];
	[tilespmem:s6+$0x3020] =	vst v4;
	v3 =	vadd.f32 v5, v0  }
0x4d: {  	v1 =	vld [tilespmem:s8+$0x20];
	[tilespmem:s6+$0x4020] =	vst v2;
	v2 =	vadd.f32 v6, v0  }
0x4e: {  	v4 =	vld [tilespmem:s8+$0x30];
	[tilespmem:s6+$0x1030] =	vst v3;
	v3 =	vadd.f32 v8, v0  }
0x4f: {  	v5 =	vld [tilespmem:s8+$0x1000];
	[tilespmem:s6+$0x2030] =	vst v2;
	v0 =	vadd.f32 v7, v0  }
0x50: {  	v2 =	vld [tilespmem:s8+$0x2000];
	[tilespmem:s6+$0x3030] =	vst v3  }
0x51: {  	v3 =	vld [tilespmem:s8+$0x3000];
	[tilespmem:s6+$0x4030] =	vst v0;
	s6 =	smov.u32 s8  }
0x52: {  	v6 =	vld [tilespmem:s6+$0x4000]  }
0x53: {  	v7 =	vld [tilespmem:s6+$0x1010];
	v0 =	vmov v4  }
0x54: {  	v4 =	vadd.f32 v5, v9;
	v5 =	vld [tilespmem:s6+$0x2010]  }
0x55: {  	v2 =	vadd.f32 v2, v9;
	v8 =	vld [tilespmem:s6+$0x3010]  }
0x56: {  	[tilespmem:s6+$0x1000] =	vst v4;
	v3 =	vadd.f32 v3, v9;
	v11 =	vld [tilespmem:s6+$0x4010]  }
0x57: {  	[tilespmem:s6+$0x2000] =	vst v2;
	v2 =	vadd.f32 v6, v9;
	v6 =	vld [tilespmem:s6+$0x1020]  }
.Ltmp0:
0x58: {  	[tilespmem:s6+$0x3000] =	vst v3;
	v7 =	vadd.f32 v7, v10;
	v3 =	vld [tilespmem:s6+$0x2020];
	(pc) =	sbr.rel @p0 .LBB2_2-.Ltmp0, $4  }
0x59: {  	[tilespmem:s6+$0x4000] =	vst v2;
	v5 =	vadd.f32 v5, v10;
	v4 =	vld [tilespmem:s6+$0x3020]  }
0x5a: {  	[tilespmem:s6+$0x1010] =	vst v7;
	v7 =	vadd.f32 v8, v10;
	v2 =	vld [tilespmem:s6+$0x4020]  }
0x5b: {  	[tilespmem:s6+$0x2010] =	vst v5;
	v8 =	vadd.f32 v11, v10;
	v5 =	vld [tilespmem:s6+$0x1030]  }
0x5c: {  	s7 =	sadd.s32 $0x100, s7;
	s26 =	sadd.s32 $0x40, s26;
	[tilespmem:s6+$0x3010] =	vst v7;
	v7 =	vadd.f32 v6, v1;
	v6 =	vld [tilespmem:s6+$0x2030]  }
0x5d: {  	[tilespmem:s6+$0x4010] =	vst v8;
	v8 =	vld [tilespmem:s6+$0x3030];
	v3 =	vadd.f32 v3, v1  }
0x5e: {  	[tilespmem:s6+$0x1020] =	vst v7;
	v4 =	vadd.f32 v4, v1;
	v7 =	vld [tilespmem:s6+$0x4030]  }
0x5f: {  	[tilespmem:s6+$0x2020] =	vst v3;
	v1 =	vadd.f32 v2, v1  }
0x60: {  	[tilespmem:s6+$0x3020] =	vst v4;
	v2 =	vadd.f32 v5, v0  }
0x61: {  	[tilespmem:s6+$0x4020] =	vst v1;
	v1 =	vadd.f32 v6, v0  }
0x62: {  	[tilespmem:s6+$0x1030] =	vst v2;
	v2 =	vadd.f32 v8, v0  }
0x63: {  	s26 =	simm.s32 $0x0;
	[tilespmem:s6+$0x2030] =	vst v1;
	v0 =	vadd.f32 v7, v0  }
0x64: {  	s7 =	sand.u32 $0x40, s26;
	s8 =	sand.u32 $0xE00, s26;
	[tilespmem:s6+$0x3030] =	vst v2  }
0x65: {  	s7 =	sor.u32 s7, s8;
	[tilespmem:s6+$0x4030] =	vst v0  }
0x66: {  	v2 =	vld [tilespmem:s7+$0x80]  }
0x67: {  	v6 =	vld [tilespmem:s7+$0x90]  }
0x68: {  	v1 =	vld [tilespmem:s7+$0xA0]  }
0x69: {  	v0 =	vld [tilespmem:s7+$0xB0]  }
0x6a: {  	v3 =	vld [tilespmem:s7+$0x1080]  }
0x6b: {  	v4 =	vld [tilespmem:s7+$0x2080]  }
0x6c: {  	v5 =	vld [tilespmem:s7+$0x3080]  }
0x6d: {  	v7 =	vld [tilespmem:s7+$0x4080]  }
0x6e: {  	v8 =	vld [tilespmem:s7+$0x1090]  }
0x6f: {  	v10 =	vld [tilespmem:s7+$0x3090];
	v3 =	vadd.f32 v3, v2  }
0x70: {  	v9 =	vld [tilespmem:s7+$0x2090];
	v4 =	vadd.f32 v4, v2  }
0x71: {  	v11 =	vld [tilespmem:s7+$0x4090];
	[tilespmem:s7+$0x1080] =	vst v3;
	v3 =	vadd.f32 v5, v2  }
0x72: {  	v12 =	vld [tilespmem:s7+$0x10A0];
	[tilespmem:s7+$0x2080] =	vst v4;
	v2 =	vadd.f32 v7, v2  }
0x73: {  	v5 =	vadd.f32 v8, v6;
	[tilespmem:s7+$0x3080] =	vst v3;
	v3 =	vld [tilespmem:s7+$0x20A0]  }
0x74: {  	v4 =	vld [tilespmem:s7+$0x30A0];
	v8 =	vadd.f32 v10, v6;
	[tilespmem:s7+$0x4080] =	vst v2  }
0x75: {  	v7 =	vadd.f32 v9, v6;
	[tilespmem:s7+$0x1090] =	vst v5;
	v2 =	vld [tilespmem:s7+$0x40A0]  }
0x76: {  	v5 =	vld [tilespmem:s7+$0x10B0];
	[tilespmem:s7+$0x3090] =	vst v8;
	v8 =	vadd.f32 v11, v6  }
0x77: {  	s28 =	simm.s32 $0x40;
	s6 =	simm.s32 $0x100;
	[tilespmem:s7+$0x2090] =	vst v7;
	v7 =	vadd.f32 v12, v1;
	v6 =	vld [tilespmem:s7+$0x20B0]  }
.LBB2_4:
0x78: {  	s8 =	sand.u32 $0x40, s28;
	s30 =	sand.u32 $0xE00, s6;
	p1 =	sne.s32 s28, $0x3C0;
	[tilespmem:s7+$0x4090] =	vst v8;
	v3 =	vadd.f32 v3, v1;
	v8 =	vld [tilespmem:s7+$0x30B0]  }
0x79: {  	s8 =	sor.u32 s8, s30;
	[tilespmem:s7+$0x10A0] =	vst v7;
	v4 =	vadd.f32 v4, v1;
	v7 =	vld [tilespmem:s7+$0x40B0]  }
0x7a: {  	v9 =	vld [tilespmem:s8+$0x80];
	[tilespmem:s7+$0x20A0] =	vst v3;
	v2 =	vadd.f32 v2, v1  }
0x7b: {  	v10 =	vld [tilespmem:s8+$0x90];
	[tilespmem:s7+$0x30A0] =	vst v4;
	v3 =	vadd.f32 v5, v0  }
0x7c: {  	v1 =	vld [tilespmem:s8+$0xA0];
	[tilespmem:s7+$0x40A0] =	vst v2;
	v2 =	vadd.f32 v6, v0  }
0x7d: {  	v4 =	vld [tilespmem:s8+$0xB0];
	[tilespmem:s7+$0x10B0] =	vst v3;
	v3 =	vadd.f32 v8, v0  }
0x7e: {  	v5 =	vld [tilespmem:s8+$0x1080];
	[tilespmem:s7+$0x20B0] =	vst v2;
	v0 =	vadd.f32 v7, v0  }
0x7f: {  	v2 =	vld [tilespmem:s8+$0x2080];
	[tilespmem:s7+$0x30B0] =	vst v3  }
0x80: {  	p0 =	por $0x0, $0x0;
	v3 =	vld [tilespmem:s8+$0x3080];
	[tilespmem:s7+$0x40B0] =	vst v0;
	s7 =	smov.u32 s8  }
0x81: {  	v6 =	vld [tilespmem:s7+$0x4080]  }
0x82: {  	v7 =	vld [tilespmem:s7+$0x1090];
	v0 =	vmov v4  }
0x83: {  	v4 =	vadd.f32 v5, v9;
	v5 =	vld [tilespmem:s7+$0x2090]  }
0x84: {  	v2 =	vadd.f32 v2, v9;
	v8 =	vld [tilespmem:s7+$0x3090]  }
0x85: {  	[tilespmem:s7+$0x1080] =	vst v4;
	v3 =	vadd.f32 v3, v9;
	v11 =	vld [tilespmem:s7+$0x4090]  }
0x86: {  	[tilespmem:s7+$0x2080] =	vst v2;
	v2 =	vadd.f32 v6, v9;
	v6 =	vld [tilespmem:s7+$0x10A0]  }
.Ltmp1:
0x87: {  	[tilespmem:s7+$0x3080] =	vst v3;
	v7 =	vadd.f32 v7, v10;
	v3 =	vld [tilespmem:s7+$0x20A0];
	(pc) =	sbr.rel @p1 .LBB2_4-.Ltmp1, $4  }
0x88: {  	[tilespmem:s7+$0x4080] =	vst v2;
	v5 =	vadd.f32 v5, v10;
	v4 =	vld [tilespmem:s7+$0x30A0]  }
0x89: {  	[tilespmem:s7+$0x1090] =	vst v7;
	v7 =	vadd.f32 v8, v10;
	v2 =	vld [tilespmem:s7+$0x40A0]  }
0x8a: {  	[tilespmem:s7+$0x2090] =	vst v5;
	v8 =	vadd.f32 v11, v10;
	v5 =	vld [tilespmem:s7+$0x10B0]  }
0x8b: {  	s6 =	sadd.s32 $0x100, s6;
	s28 =	sadd.s32 $0x40, s28;
	[tilespmem:s7+$0x3090] =	vst v7;
	v7 =	vadd.f32 v6, v1;
	v6 =	vld [tilespmem:s7+$0x20B0]  }
0x8c: {  	[tilespmem:s7+$0x4090] =	vst v8;
	v61 =	vld [tilespmem:s7+$0x30B0];
	v3 =	vadd.f32 v3, v1  }
0x8d: {  	v62 =	vld [tilespmem:s7+$0x40B0];
	[tilespmem:s7+$0x10A0] =	vst v7;
	v4 =	vadd.f32 v4, v1  }
0x8e: {  	[tilespmem:s7+$0x20A0] =	vst v3;
	v1 =	vadd.f32 v2, v1  }
0x8f: {  	[tilespmem:s7+$0x30A0] =	vst v4;
	v2 =	vadd.f32 v5, v0  }
0x90: {  	s6 =	simm.s32 $0x1;
	[tilespmem:s7+$0x40A0] =	vst v1;
	v1 =	vadd.f32 v6, v0  }
0x91: {  	s6 =	simm.s32 @!p0 $0x0;
	[tilespmem:s7+$0x10B0] =	vst v2;
	v2 =	vadd.f32 v61, v0  }
0x92: {  	s6 =	sshll.u32 s6, $0x6;
	v0 =	vadd.f32 v62, v0;
	[tilespmem:s7+$0x20B0] =	vst v1  }
0x93: {  	s28 =	sadd.s32 $0x0, s6;
	[tilespmem:s7+$0x30B0] =	vst v2  }
0x94: {  	s8 =	sor.u32 $0x100, s28;
	[tilespmem:s7+$0x40B0] =	vst v0  }
0x95: {  	v0 =	vld [tilespmem:s8+$0x2000]  }
0x96: {  	v1 =	vld [tilespmem:s8+$0x0]  }
0x97: {  	v2 =	vld [tilespmem:s8+$0x3000]  }
0x98: {  	v3 =	vld [tilespmem:s8+$0x1000]  }
0x99: {  	v4 =	vld [tilespmem:s8+$0x4000];
	_ =	sdelay $0x1  }
0x9a: {  	v0 =	vadd.f32 v0, v1  }
0x9b: {  	v2 =	vadd.f32 v2, v1  }
0x9c: {  	v3 =	vadd.f32 v3, v1;
	[tilespmem:s8+$0x2000] =	vst v0  }
0x9d: {  	v0 =	vadd.f32 v4, v1;
	[tilespmem:s8+$0x3000] =	vst v2  }
0x9e: {  	[tilespmem:s8+$0x1000] =	vst v3  }
0x9f: {  	s30 =	sor.u32 $0x110, s28;
	[tilespmem:s8+$0x4000] =	vst v0  }
0xa0: {  	v0 =	vld [tilespmem:s30+$0x0]  }
0xa1: {  	v1 =	vld [tilespmem:s30+$0x1000]  }
0xa2: {  	v2 =	vld [tilespmem:s30+$0x2000]  }
0xa3: {  	v3 =	vld [tilespmem:s30+$0x4000]  }
0xa4: {  	v63 =	vld [tilespmem:s30+$0x3000];
	_ =	sdelay $0x1  }
0xa5: {  	v1 =	vadd.f32 v1, v0  }
0xa6: {  	v2 =	vadd.f32 v2, v0  }
0xa7: {  	[tilespmem:s30+$0x1000] =	vst v1;
	v1 =	vadd.f32 v3, v0  }
0xa8: {  	[tilespmem:s30+$0x2000] =	vst v2;
	v0 =	vadd.f32 v63, v0  }
0xa9: {  	[tilespmem:s30+$0x4000] =	vst v1  }
0xaa: {  	s8 =	sor.u32 $0x120, s28;
	[tilespmem:s30+$0x3000] =	vst v0  }
0xab: {  	v0 =	vld [tilespmem:s8+$0x0]  }
0xac: {  	v1 =	vld [tilespmem:s8+$0x1000]  }
0xad: {  	p1 =	por $0x0, $0x0;
	s7 =	simm.s32 $0x40;
	v2 =	vld [tilespmem:s8+$0x2000]  }
.LBB2_6:
0xae: {  	p2 =	sne.s32 s7, $0x3C0;
	v3 =	vld [tilespmem:s8+$0x4000];
	s26 =	sadd.s32 $0x100, s26;
	p1 =	por !p1, !p1  }
0xaf: {  	s7 =	sadd.s32 $0x40, s7;
	v4 =	vld [tilespmem:s8+$0x3000];
	_ =	sdelay $0x1  }
0xb0: {  	v1 =	vadd.f32 v1, v0  }
0xb1: {  	v2 =	vadd.f32 v2, v0  }
0xb2: {  	[tilespmem:s8+$0x1000] =	vst v1;
	v1 =	vadd.f32 v3, v0  }
0xb3: {  	[tilespmem:s8+$0x2000] =	vst v2;
	v0 =	vadd.f32 v4, v0  }
0xb4: {  	[tilespmem:s8+$0x4000] =	vst v1  }
0xb5: {  	[tilespmem:s8+$0x3000] =	vst v0;
	s8 =	sor.u32 $0x130, s28  }
0xb6: {  	v0 =	vld [tilespmem:s8+$0x0]  }
0xb7: {  	v1 =	vld [tilespmem:s8+$0x1000]  }
0xb8: {  	v2 =	vld [tilespmem:s8+$0x2000]  }
0xb9: {  	v3 =	vld [tilespmem:s8+$0x3000]  }
0xba: {  	v4 =	vld [tilespmem:s8+$0x4000]  }
0xbb: {  	s28 =	simm.s32 $0x1  }
0xbc: {  	s28 =	simm.s32 @!p1 $0x0;
	v1 =	vadd.f32 v1, v0  }
0xbd: {  	s28 =	sshll.u32 s28, $0x6;
	v2 =	vadd.f32 v2, v0  }
0xbe: {  	s28 =	sadd.s32 s28, s26;
	[tilespmem:s8+$0x1000] =	vst v1;
	v1 =	vadd.f32 v3, v0  }
0xbf: {  	s30 =	sor.u32 $0x100, s28;
	[tilespmem:s8+$0x2000] =	vst v2;
	v0 =	vadd.f32 v4, v0  }
0xc0: {  	[tilespmem:s8+$0x3000] =	vst v1  }
0xc1: {  	[tilespmem:s8+$0x4000] =	vst v0  }
0xc2: {  	v0 =	vld [tilespmem:s30+$0x2000]  }
0xc3: {  	v1 =	vld [tilespmem:s30+$0x1000]  }
0xc4: {  	v2 =	vld [tilespmem:s30+$0x4000]  }
0xc5: {  	v3 =	vld [tilespmem:s30+$0x0]  }
0xc6: {  	v4 =	vld [tilespmem:s30+$0x3000];
	_ =	sdelay $0x3  }
0xc7: {  	v1 =	vadd.f32 v1, v3;
	v0 =	vadd.f32 v0, v3  }
0xc8: {  	v2 =	vadd.f32 v2, v3;
	v4 =	vadd.f32 v4, v3  }
0xc9: {  	[tilespmem:s30+$0x2000] =	vst v0  }
0xca: {  	[tilespmem:s30+$0x3000] =	vst v4  }
0xcb: {  	[tilespmem:s30+$0x1000] =	vst v1  }
0xcc: {  	s8 =	sor.u32 $0x110, s28;
	[tilespmem:s30+$0x4000] =	vst v2  }
0xcd: {  	v0 =	vld [tilespmem:s8+$0x0]  }
0xce: {  	v1 =	vld [tilespmem:s8+$0x1000]  }
0xcf: {  	v2 =	vld [tilespmem:s8+$0x2000]  }
0xd0: {  	v3 =	vld [tilespmem:s8+$0x4000]  }
0xd1: {  	v4 =	vld [tilespmem:s8+$0x3000];
	_ =	sdelay $0x1  }
0xd2: {  	v1 =	vadd.f32 v1, v0  }
0xd3: {  	v2 =	vadd.f32 v2, v0  }
0xd4: {  	[tilespmem:s8+$0x1000] =	vst v1;
	v1 =	vadd.f32 v3, v0  }
0xd5: {  	[tilespmem:s8+$0x2000] =	vst v2;
	v0 =	vadd.f32 v4, v0  }
.Ltmp2:
0xd6: {  	[tilespmem:s8+$0x4000] =	vst v1;
	(pc) =	sbr.rel @p2 .LBB2_6-.Ltmp2, $4  }
0xd7: {  	[tilespmem:s8+$0x3000] =	vst v0;
	s8 =	sor.u32 $0x120, s28  }
0xd8: {  	v0 =	vld [tilespmem:s8+$0x0]  }
0xd9: {  	v1 =	vld [tilespmem:s8+$0x1000]  }
0xda: {  	v2 =	vld [tilespmem:s8+$0x2000]  }
0xdb: {  	v3 =	vld [tilespmem:s8+$0x4000]  }
0xdc: {  	v4 =	vld [tilespmem:s8+$0x3000];
	_ =	sdelay $0x1  }
0xdd: {  	v1 =	vadd.f32 v1, v0  }
0xde: {  	v2 =	vadd.f32 v2, v0  }
0xdf: {  	[tilespmem:s8+$0x1000] =	vst v1;
	v1 =	vadd.f32 v3, v0  }
0xe0: {  	v0 =	vadd.f32 v4, v0;
	[tilespmem:s8+$0x2000] =	vst v2  }
0xe1: {  	[tilespmem:s8+$0x4000] =	vst v1  }
0xe2: {  	s7 =	sor.u32 $0x130, s28;
	[tilespmem:s8+$0x3000] =	vst v0  }
0xe3: {  	v0 =	vld [tilespmem:s7+$0x0]  }
0xe4: {  	v1 =	vld [tilespmem:s7+$0x1000]  }
0xe5: {  	v2 =	vld [tilespmem:s7+$0x2000]  }
0xe6: {  	v3 =	vld [tilespmem:s7+$0x3000]  }
0xe7: {  	v61 =	vld [tilespmem:s7+$0x4000];
	_ =	sdelay $0x1  }
0xe8: {  	v1 =	vadd.f32 v1, v0  }
0xe9: {  	v2 =	vadd.f32 v2, v0  }
0xea: {  	[tilespmem:s7+$0x1000] =	vst v1;
	v1 =	vadd.f32 v3, v0  }
0xeb: {  	[tilespmem:s7+$0x2000] =	vst v2;
	v0 =	vadd.f32 v61, v0  }
0xec: {  	s6 =	sadd.s32 $0x0, s6;
	[tilespmem:s7+$0x3000] =	vst v1  }
0xed: {  	s28 =	sor.u32 $0x180, s6;
	[tilespmem:s7+$0x4000] =	vst v0  }
0xee: {  	v0 =	vld [tilespmem:s28+$0x2000]  }
0xef: {  	v1 =	vld [tilespmem:s28+$0x0]  }
0xf0: {  	v2 =	vld [tilespmem:s28+$0x3000]  }
0xf1: {  	v3 =	vld [tilespmem:s28+$0x1000]  }
0xf2: {  	v62 =	vld [tilespmem:s28+$0x4000];
	_ =	sdelay $0x1  }
0xf3: {  	v0 =	vadd.f32 v0, v1  }
0xf4: {  	v2 =	vadd.f32 v2, v1  }
0xf5: {  	v3 =	vadd.f32 v3, v1;
	[tilespmem:s28+$0x2000] =	vst v0  }
0xf6: {  	v0 =	vadd.f32 v62, v1;
	[tilespmem:s28+$0x3000] =	vst v2  }
0xf7: {  	[tilespmem:s28+$0x1000] =	vst v3  }
0xf8: {  	s30 =	sor.u32 $0x190, s6;
	[tilespmem:s28+$0x4000] =	vst v0  }
0xf9: {  	v0 =	vld [tilespmem:s30+$0x0]  }
0xfa: {  	v1 =	vld [tilespmem:s30+$0x1000]  }
0xfb: {  	v2 =	vld [tilespmem:s30+$0x2000]  }
0xfc: {  	v3 =	vld [tilespmem:s30+$0x4000]  }
0xfd: {  	v63 =	vld [tilespmem:s30+$0x3000];
	_ =	sdelay $0x1  }
0xfe: {  	v1 =	vadd.f32 v1, v0  }
0xff: {  	v2 =	vadd.f32 v2, v0  }
0x100: {  	[tilespmem:s30+$0x1000] =	vst v1;
	v1 =	vadd.f32 v3, v0  }
0x101: {  	[tilespmem:s30+$0x2000] =	vst v2;
	v0 =	vadd.f32 v63, v0  }
0x102: {  	[tilespmem:s30+$0x4000] =	vst v1  }
0x103: {  	s8 =	sor.u32 $0x1A0, s6;
	[tilespmem:s30+$0x3000] =	vst v0  }
0x104: {  	v0 =	vld [tilespmem:s8+$0x0]  }
0x105: {  	v1 =	vld [tilespmem:s8+$0x1000]  }
0x106: {  	s26 =	simm.s32 $0x40;
	s7 =	simm.s32 $0x0;
	v2 =	vld [tilespmem:s8+$0x2000]  }
.LBB2_8:
0x107: {  	p1 =	sne.s32 s26, $0x3C0;
	v3 =	vld [tilespmem:s8+$0x4000];
	s7 =	sadd.s32 $0x100, s7;
	p0 =	por !p0, !p0  }
0x108: {  	s26 =	sadd.s32 $0x40, s26;
	v4 =	vld [tilespmem:s8+$0x3000];
	_ =	sdelay $0x1  }
0x109: {  	v1 =	vadd.f32 v1, v0  }
0x10a: {  	v2 =	vadd.f32 v2, v0  }
0x10b: {  	[tilespmem:s8+$0x1000] =	vst v1;
	v1 =	vadd.f32 v3, v0  }
0x10c: {  	[tilespmem:s8+$0x2000] =	vst v2;
	v0 =	vadd.f32 v4, v0  }
0x10d: {  	[tilespmem:s8+$0x4000] =	vst v1  }
0x10e: {  	[tilespmem:s8+$0x3000] =	vst v0;
	s8 =	sor.u32 $0x1B0, s6  }
0x10f: {  	v0 =	vld [tilespmem:s8+$0x0]  }
0x110: {  	v1 =	vld [tilespmem:s8+$0x1000]  }
0x111: {  	v2 =	vld [tilespmem:s8+$0x2000]  }
0x112: {  	v3 =	vld [tilespmem:s8+$0x3000]  }
0x113: {  	v4 =	vld [tilespmem:s8+$0x4000]  }
0x114: {  	s6 =	simm.s32 $0x1  }
0x115: {  	s6 =	simm.s32 @!p0 $0x0;
	v1 =	vadd.f32 v1, v0  }
0x116: {  	s6 =	sshll.u32 s6, $0x6;
	v2 =	vadd.f32 v2, v0  }
0x117: {  	s6 =	sadd.s32 s6, s7;
	[tilespmem:s8+$0x1000] =	vst v1;
	v1 =	vadd.f32 v3, v0  }
0x118: {  	s28 =	sor.u32 $0x180, s6;
	[tilespmem:s8+$0x2000] =	vst v2;
	v0 =	vadd.f32 v4, v0  }
0x119: {  	[tilespmem:s8+$0x3000] =	vst v1  }
0x11a: {  	[tilespmem:s8+$0x4000] =	vst v0  }
0x11b: {  	v0 =	vld [tilespmem:s28+$0x2000]  }
0x11c: {  	v1 =	vld [tilespmem:s28+$0x1000]  }
0x11d: {  	v2 =	vld [tilespmem:s28+$0x4000]  }
0x11e: {  	v3 =	vld [tilespmem:s28+$0x0]  }
0x11f: {  	v4 =	vld [tilespmem:s28+$0x3000];
	_ =	sdelay $0x3  }
0x120: {  	v1 =	vadd.f32 v1, v3;
	v0 =	vadd.f32 v0, v3  }
0x121: {  	v2 =	vadd.f32 v2, v3;
	v4 =	vadd.f32 v4, v3  }
0x122: {  	[tilespmem:s28+$0x2000] =	vst v0  }
0x123: {  	[tilespmem:s28+$0x3000] =	vst v4  }
0x124: {  	[tilespmem:s28+$0x1000] =	vst v1  }
0x125: {  	s8 =	sor.u32 $0x190, s6;
	[tilespmem:s28+$0x4000] =	vst v2  }
0x126: {  	v0 =	vld [tilespmem:s8+$0x0]  }
0x127: {  	v1 =	vld [tilespmem:s8+$0x1000]  }
0x128: {  	v2 =	vld [tilespmem:s8+$0x2000]  }
0x129: {  	v3 =	vld [tilespmem:s8+$0x4000]  }
0x12a: {  	v4 =	vld [tilespmem:s8+$0x3000];
	_ =	sdelay $0x1  }
0x12b: {  	v1 =	vadd.f32 v1, v0  }
0x12c: {  	v2 =	vadd.f32 v2, v0  }
0x12d: {  	[tilespmem:s8+$0x1000] =	vst v1;
	v1 =	vadd.f32 v3, v0  }
0x12e: {  	[tilespmem:s8+$0x2000] =	vst v2;
	v0 =	vadd.f32 v4, v0  }
.Ltmp3:
0x12f: {  	[tilespmem:s8+$0x4000] =	vst v1;
	(pc) =	sbr.rel @p1 .LBB2_8-.Ltmp3, $4  }
0x130: {  	[tilespmem:s8+$0x3000] =	vst v0;
	s8 =	sor.u32 $0x1A0, s6  }
0x131: {  	v0 =	vld [tilespmem:s8+$0x0]  }
0x132: {  	v1 =	vld [tilespmem:s8+$0x1000]  }
0x133: {  	v2 =	vld [tilespmem:s8+$0x2000]  }
0x134: {  	v3 =	vld [tilespmem:s8+$0x4000]  }
0x135: {  	v4 =	vld [tilespmem:s8+$0x3000];
	_ =	sdelay $0x1  }
0x136: {  	v1 =	vadd.f32 v1, v0  }
0x137: {  	v2 =	vadd.f32 v2, v0  }
0x138: {  	[tilespmem:s8+$0x1000] =	vst v1;
	v1 =	vadd.f32 v3, v0  }
0x139: {  	v0 =	vadd.f32 v4, v0;
	[tilespmem:s8+$0x2000] =	vst v2  }
0x13a: {  	[tilespmem:s8+$0x4000] =	vst v1  }
0x13b: {  	s6 =	sor.u32 $0x1B0, s6;
	[tilespmem:s8+$0x3000] =	vst v0  }
0x13c: {  	v0 =	vld [tilespmem:s6+$0x0]  }
0x13d: {  	v1 =	vld [tilespmem:s6+$0x1000]  }
0x13e: {  	v2 =	vld [tilespmem:s6+$0x2000]  }
0x13f: {  	v3 =	vld [tilespmem:s6+$0x3000]  }
0x140: {  	v4 =	vld [tilespmem:s6+$0x4000];
	_ =	sdelay $0x1  }
0x141: {  	v1 =	vadd.f32 v1, v0  }
0x142: {  	v2 =	vadd.f32 v2, v0  }
0x143: {  	[tilespmem:s6+$0x1000] =	vst v1;
	v1 =	vadd.f32 v3, v0  }
0x144: {  	[tilespmem:s6+$0x2000] =	vst v2;
	v0 =	vadd.f32 v4, v0  }
0x145: {  	[tilespmem:s6+$0x3000] =	vst v1  }
0x146: {  	[tilespmem:s6+$0x4000] =	vst v0  }
0x147: {  	[hbm4b:s13+s22] =	stream.strided.scatter [tilespmem:s31], [sflag:$0x3], $0x1000, s23, s22, $0x38;
	[tilespmem:$0xA000] =	vst v63  }
0x148: {  	s8 =	simm.s32 $0x2000  }
0x149: {  	[hbm4b:s14+s22] =	stream.strided.scatter [tilespmem:s8], [sflag:$0x3], $0x1000, s23, s22, $0x38;
	[tilespmem:$0xA000] =	vst v63  }
0x14a: {  	s26 =	simm.s32 $0x3000  }
0x14b: {  	[hbm4b:s15+s22] =	stream.strided.scatter [tilespmem:s26], [sflag:$0x3], $0x1000, s23, s22, $0x38;
	[tilespmem:$0xA000] =	vst v63  }
0x14c: {  	s30 =	simm.s32 $0x4000  }
0x14d: {  	[hbm4b:s16+s22] =	stream.strided.scatter [tilespmem:s30], [sflag:$0x3], $0x1000, s23, s22, $0x38;
	[tilespmem:$0xA000] =	vst v63  }
0x14e: {  	_ =	swait.ge [sflag:s24], $0x1000  }
0x14f: {  	[sflag:s24] =	ssyncset.done $0x0  }
0x150: {  	[sflag:s24] =	ssyncadd.s32 $0xFFFFF000  }
0x151: {  	_ =	swait.ge [sflag:s24], $0x1000  }
0x152: {  	[sflag:s24] =	ssyncset.done $0x0  }
0x153: {  	[sflag:s24] =	ssyncadd.s32 $0xFFFFF000  }
0x154: {  	_ =	swait.ge [sflag:s24], $0x1000  }
0x155: {  	[sflag:s24] =	ssyncset.done $0x0  }
0x156: {  	[sflag:s24] =	ssyncadd.s32 $0xFFFFF000  }
0x157: {  	_ =	swait.ge [sflag:s24], $0x1000  }
0x158: {  	[sflag:s24] =	ssyncset.done $0x0  }
0x159: {  	[sflag:s24] =	ssyncadd.s32 $0xFFFFF000  }
0x15a: {  	s31 =	simm.s32 $0x0;
	_ =	swait.ge [sflag:s24], $0x1000  }
0x15b: {  	s7 =	sand.u32 $0x40, s31;
	s6 =	sand.u32 $0xE00, s31;
	[sflag:s24] =	ssyncset.done $0x0  }
0x15c: {  	s26 =	sor.u32 s7, s6;
	[sflag:s24] =	ssyncadd.s32 $0xFFFFF000  }
0x15d: {  	v2 =	vld [tilespmem:s26+$0x5000]  }
0x15e: {  	v6 =	vld [tilespmem:s26+$0x5010]  }
0x15f: {  	v1 =	vld [tilespmem:s26+$0x5020]  }
0x160: {  	v0 =	vld [tilespmem:s26+$0x5030]  }
0x161: {  	v3 =	vld [tilespmem:s26+$0x6000]  }
0x162: {  	v4 =	vld [tilespmem:s26+$0x7000]  }
0x163: {  	v5 =	vld [tilespmem:s26+$0x8000]  }
0x164: {  	v7 =	vld [tilespmem:s26+$0x9000]  }
0x165: {  	v8 =	vld [tilespmem:s26+$0x6010]  }
0x166: {  	v10 =	vld [tilespmem:s26+$0x8010];
	v3 =	vadd.f32 v3, v2  }
0x167: {  	v9 =	vld [tilespmem:s26+$0x7010];
	v4 =	vadd.f32 v4, v2  }
0x168: {  	v11 =	vld [tilespmem:s26+$0x9010];
	[tilespmem:s26+$0x6000] =	vst v3;
	v3 =	vadd.f32 v5, v2  }
0x169: {  	v12 =	vld [tilespmem:s26+$0x6020];
	[tilespmem:s26+$0x7000] =	vst v4;
	v2 =	vadd.f32 v7, v2  }
0x16a: {  	v5 =	vadd.f32 v8, v6;
	[tilespmem:s26+$0x8000] =	vst v3;
	v3 =	vld [tilespmem:s26+$0x7020]  }
0x16b: {  	v4 =	vld [tilespmem:s26+$0x8020];
	v8 =	vadd.f32 v10, v6;
	[tilespmem:s26+$0x9000] =	vst v2  }
0x16c: {  	v7 =	vadd.f32 v9, v6;
	[tilespmem:s26+$0x6010] =	vst v5;
	v2 =	vld [tilespmem:s26+$0x9020]  }
0x16d: {  	v5 =	vld [tilespmem:s26+$0x6030];
	[tilespmem:s26+$0x8010] =	vst v8;
	v8 =	vadd.f32 v11, v6  }
0x16e: {  	s28 =	simm.s32 $0x40;
	s7 =	simm.s32 $0x100;
	s6 =	smov.u32 s26;
	[tilespmem:s26+$0x7010] =	vst v7;
	v7 =	vadd.f32 v12, v1;
	v6 =	vld [tilespmem:s26+$0x7030]  }
.LBB2_10:
0x16f: {  	s8 =	sand.u32 $0x40, s28;
	s30 =	sand.u32 $0xE00, s7;
	p0 =	sne.s32 s28, $0x3C0;
	[tilespmem:s6+$0x9010] =	vst v8;
	v3 =	vadd.f32 v3, v1;
	v8 =	vld [tilespmem:s6+$0x8030]  }
0x170: {  	s8 =	sor.u32 s8, s30;
	[tilespmem:s6+$0x6020] =	vst v7;
	v4 =	vadd.f32 v4, v1;
	v7 =	vld [tilespmem:s6+$0x9030]  }
0x171: {  	v9 =	vld [tilespmem:s8+$0x5000];
	[tilespmem:s6+$0x7020] =	vst v3;
	v2 =	vadd.f32 v2, v1  }
0x172: {  	v10 =	vld [tilespmem:s8+$0x5010];
	[tilespmem:s6+$0x8020] =	vst v4;
	v3 =	vadd.f32 v5, v0  }
0x173: {  	v1 =	vld [tilespmem:s8+$0x5020];
	[tilespmem:s6+$0x9020] =	vst v2;
	v2 =	vadd.f32 v6, v0  }
0x174: {  	v4 =	vld [tilespmem:s8+$0x5030];
	[tilespmem:s6+$0x6030] =	vst v3;
	v3 =	vadd.f32 v8, v0  }
0x175: {  	v5 =	vld [tilespmem:s8+$0x6000];
	[tilespmem:s6+$0x7030] =	vst v2;
	v0 =	vadd.f32 v7, v0  }
0x176: {  	v2 =	vld [tilespmem:s8+$0x7000];
	[tilespmem:s6+$0x8030] =	vst v3  }
0x177: {  	v3 =	vld [tilespmem:s8+$0x8000];
	[tilespmem:s6+$0x9030] =	vst v0;
	s6 =	smov.u32 s8  }
0x178: {  	v6 =	vld [tilespmem:s6+$0x9000]  }
0x179: {  	v7 =	vld [tilespmem:s6+$0x6010];
	v0 =	vmov v4  }
0x17a: {  	v4 =	vadd.f32 v5, v9;
	v5 =	vld [tilespmem:s6+$0x7010]  }
0x17b: {  	v2 =	vadd.f32 v2, v9;
	v8 =	vld [tilespmem:s6+$0x8010]  }
0x17c: {  	[tilespmem:s6+$0x6000] =	vst v4;
	v3 =	vadd.f32 v3, v9;
	v11 =	vld [tilespmem:s6+$0x9010]  }
0x17d: {  	[tilespmem:s6+$0x7000] =	vst v2;
	v2 =	vadd.f32 v6, v9;
	v6 =	vld [tilespmem:s6+$0x6020]  }
.Ltmp4:
0x17e: {  	[tilespmem:s6+$0x8000] =	vst v3;
	v7 =	vadd.f32 v7, v10;
	v3 =	vld [tilespmem:s6+$0x7020];
	(pc) =	sbr.rel @p0 .LBB2_10-.Ltmp4, $4  }
0x17f: {  	[tilespmem:s6+$0x9000] =	vst v2;
	v5 =	vadd.f32 v5, v10;
	v4 =	vld [tilespmem:s6+$0x8020]  }
0x180: {  	[tilespmem:s6+$0x6010] =	vst v7;
	v7 =	vadd.f32 v8, v10;
	v2 =	vld [tilespmem:s6+$0x9020]  }
0x181: {  	[tilespmem:s6+$0x7010] =	vst v5;
	v8 =	vadd.f32 v11, v10;
	v5 =	vld [tilespmem:s6+$0x6030]  }
0x182: {  	s7 =	sadd.s32 $0x100, s7;
	s28 =	sadd.s32 $0x40, s28;
	[tilespmem:s6+$0x8010] =	vst v7;
	v7 =	vadd.f32 v6, v1;
	v6 =	vld [tilespmem:s6+$0x7030]  }
0x183: {  	[tilespmem:s6+$0x9010] =	vst v8;
	v8 =	vld [tilespmem:s6+$0x8030];
	v3 =	vadd.f32 v3, v1  }
0x184: {  	[tilespmem:s6+$0x6020] =	vst v7;
	v4 =	vadd.f32 v4, v1;
	v7 =	vld [tilespmem:s6+$0x9030]  }
0x185: {  	[tilespmem:s6+$0x7020] =	vst v3;
	v1 =	vadd.f32 v2, v1  }
0x186: {  	[tilespmem:s6+$0x8020] =	vst v4;
	v2 =	vadd.f32 v5, v0  }
0x187: {  	[tilespmem:s6+$0x9020] =	vst v1;
	v1 =	vadd.f32 v6, v0  }
0x188: {  	[tilespmem:s6+$0x6030] =	vst v2;
	v2 =	vadd.f32 v8, v0  }
0x189: {  	[tilespmem:s6+$0x7030] =	vst v1;
	v0 =	vadd.f32 v7, v0  }
0x18a: {  	[tilespmem:s6+$0x8030] =	vst v2  }
0x18b: {  	[tilespmem:s6+$0x9030] =	vst v0  }
0x18c: {  	v2 =	vld [tilespmem:s26+$0x5080]  }
0x18d: {  	v6 =	vld [tilespmem:s26+$0x5090]  }
0x18e: {  	v1 =	vld [tilespmem:s26+$0x50A0]  }
0x18f: {  	v0 =	vld [tilespmem:s26+$0x50B0]  }
0x190: {  	v3 =	vld [tilespmem:s26+$0x6080]  }
0x191: {  	v4 =	vld [tilespmem:s26+$0x7080]  }
0x192: {  	v5 =	vld [tilespmem:s26+$0x8080]  }
0x193: {  	v7 =	vld [tilespmem:s26+$0x9080]  }
0x194: {  	v8 =	vld [tilespmem:s26+$0x6090]  }
0x195: {  	v10 =	vld [tilespmem:s26+$0x8090];
	v3 =	vadd.f32 v3, v2  }
0x196: {  	v9 =	vld [tilespmem:s26+$0x7090];
	v4 =	vadd.f32 v4, v2  }
0x197: {  	v11 =	vld [tilespmem:s26+$0x9090];
	[tilespmem:s26+$0x6080] =	vst v3;
	v3 =	vadd.f32 v5, v2  }
0x198: {  	v12 =	vld [tilespmem:s26+$0x60A0];
	[tilespmem:s26+$0x7080] =	vst v4;
	v2 =	vadd.f32 v7, v2  }
0x199: {  	v5 =	vadd.f32 v8, v6;
	[tilespmem:s26+$0x8080] =	vst v3;
	v3 =	vld [tilespmem:s26+$0x70A0]  }
0x19a: {  	v4 =	vld [tilespmem:s26+$0x80A0];
	v8 =	vadd.f32 v10, v6;
	[tilespmem:s26+$0x9080] =	vst v2  }
0x19b: {  	v7 =	vadd.f32 v9, v6;
	[tilespmem:s26+$0x6090] =	vst v5;
	v2 =	vld [tilespmem:s26+$0x90A0]  }
0x19c: {  	v5 =	vld [tilespmem:s26+$0x60B0];
	[tilespmem:s26+$0x8090] =	vst v8;
	v8 =	vadd.f32 v11, v6  }
0x19d: {  	s7 =	simm.s32 $0x40;
	s6 =	simm.s32 $0x100;
	[tilespmem:s26+$0x7090] =	vst v7;
	v7 =	vadd.f32 v12, v1;
	v6 =	vld [tilespmem:s26+$0x70B0]  }
.LBB2_12:
0x19e: {  	s8 =	sand.u32 $0x40, s7;
	s28 =	sand.u32 $0xE00, s6;
	p0 =	sne.s32 s7, $0x3C0;
	[tilespmem:s26+$0x9090] =	vst v8;
	v3 =	vadd.f32 v3, v1;
	v8 =	vld [tilespmem:s26+$0x80B0]  }
0x19f: {  	s8 =	sor.u32 s8, s28;
	[tilespmem:s26+$0x60A0] =	vst v7;
	v4 =	vadd.f32 v4, v1;
	v7 =	vld [tilespmem:s26+$0x90B0]  }
0x1a0: {  	v9 =	vld [tilespmem:s8+$0x5080];
	[tilespmem:s26+$0x70A0] =	vst v3;
	v2 =	vadd.f32 v2, v1  }
0x1a1: {  	v10 =	vld [tilespmem:s8+$0x5090];
	[tilespmem:s26+$0x80A0] =	vst v4;
	v3 =	vadd.f32 v5, v0  }
0x1a2: {  	v1 =	vld [tilespmem:s8+$0x50A0];
	[tilespmem:s26+$0x90A0] =	vst v2;
	v2 =	vadd.f32 v6, v0  }
0x1a3: {  	v4 =	vld [tilespmem:s8+$0x50B0];
	[tilespmem:s26+$0x60B0] =	vst v3;
	v3 =	vadd.f32 v8, v0  }
0x1a4: {  	v5 =	vld [tilespmem:s8+$0x6080];
	[tilespmem:s26+$0x70B0] =	vst v2;
	v0 =	vadd.f32 v7, v0  }
0x1a5: {  	v2 =	vld [tilespmem:s8+$0x7080];
	[tilespmem:s26+$0x80B0] =	vst v3  }
0x1a6: {  	v3 =	vld [tilespmem:s8+$0x8080];
	[tilespmem:s26+$0x90B0] =	vst v0;
	s26 =	smov.u32 s8  }
0x1a7: {  	v6 =	vld [tilespmem:s26+$0x9080]  }
0x1a8: {  	v7 =	vld [tilespmem:s26+$0x6090];
	v0 =	vmov v4  }
0x1a9: {  	v4 =	vadd.f32 v5, v9;
	v5 =	vld [tilespmem:s26+$0x7090]  }
0x1aa: {  	v2 =	vadd.f32 v2, v9;
	v8 =	vld [tilespmem:s26+$0x8090]  }
0x1ab: {  	[tilespmem:s26+$0x6080] =	vst v4;
	v3 =	vadd.f32 v3, v9;
	v11 =	vld [tilespmem:s26+$0x9090]  }
0x1ac: {  	[tilespmem:s26+$0x7080] =	vst v2;
	v2 =	vadd.f32 v6, v9;
	v6 =	vld [tilespmem:s26+$0x60A0]  }
.Ltmp5:
0x1ad: {  	[tilespmem:s26+$0x8080] =	vst v3;
	v7 =	vadd.f32 v7, v10;
	v3 =	vld [tilespmem:s26+$0x70A0];
	(pc) =	sbr.rel @p0 .LBB2_12-.Ltmp5, $4  }
0x1ae: {  	[tilespmem:s26+$0x9080] =	vst v2;
	v5 =	vadd.f32 v5, v10;
	v4 =	vld [tilespmem:s26+$0x80A0]  }
0x1af: {  	[tilespmem:s26+$0x6090] =	vst v7;
	v7 =	vadd.f32 v8, v10;
	v2 =	vld [tilespmem:s26+$0x90A0]  }
0x1b0: {  	[tilespmem:s26+$0x7090] =	vst v5;
	v8 =	vadd.f32 v11, v10;
	v5 =	vld [tilespmem:s26+$0x60B0]  }
0x1b1: {  	s6 =	sadd.s32 $0x100, s6;
	s7 =	sadd.s32 $0x40, s7;
	[tilespmem:s26+$0x8090] =	vst v7;
	v7 =	vadd.f32 v6, v1;
	v6 =	vld [tilespmem:s26+$0x70B0]  }
0x1b2: {  	[tilespmem:s26+$0x9090] =	vst v8;
	v61 =	vld [tilespmem:s26+$0x80B0];
	v3 =	vadd.f32 v3, v1  }
0x1b3: {  	v62 =	vld [tilespmem:s26+$0x90B0];
	[tilespmem:s26+$0x60A0] =	vst v7;
	v4 =	vadd.f32 v4, v1  }
0x1b4: {  	[tilespmem:s26+$0x70A0] =	vst v3;
	v1 =	vadd.f32 v2, v1  }
0x1b5: {  	[tilespmem:s26+$0x80A0] =	vst v4;
	v2 =	vadd.f32 v5, v0  }
0x1b6: {  	p0 =	por $0x0, $0x0;
	s6 =	simm.s32 $0x1;
	[tilespmem:s26+$0x90A0] =	vst v1;
	v1 =	vadd.f32 v6, v0  }
0x1b7: {  	s6 =	simm.s32 @!p0 $0x0;
	[tilespmem:s26+$0x60B0] =	vst v2;
	v2 =	vadd.f32 v61, v0  }
0x1b8: {  	s6 =	sshll.u32 s6, $0x6;
	v0 =	vadd.f32 v62, v0;
	[tilespmem:s26+$0x70B0] =	vst v1  }
0x1b9: {  	s28 =	sadd.s32 $0x0, s6;
	[tilespmem:s26+$0x80B0] =	vst v2  }
0x1ba: {  	s7 =	sor.u32 $0x100, s28;
	[tilespmem:s26+$0x90B0] =	vst v0  }
0x1bb: {  	v0 =	vld [tilespmem:s7+$0x7000]  }
0x1bc: {  	v1 =	vld [tilespmem:s7+$0x5000]  }
0x1bd: {  	v2 =	vld [tilespmem:s7+$0x8000]  }
0x1be: {  	v3 =	vld [tilespmem:s7+$0x6000]  }
0x1bf: {  	v4 =	vld [tilespmem:s7+$0x9000];
	_ =	sdelay $0x1  }
0x1c0: {  	v0 =	vadd.f32 v0, v1  }
0x1c1: {  	v2 =	vadd.f32 v2, v1  }
0x1c2: {  	v3 =	vadd.f32 v3, v1;
	[tilespmem:s7+$0x7000] =	vst v0  }
0x1c3: {  	v0 =	vadd.f32 v4, v1;
	[tilespmem:s7+$0x8000] =	vst v2  }
0x1c4: {  	[tilespmem:s7+$0x6000] =	vst v3  }
0x1c5: {  	s31 =	sor.u32 $0x110, s28;
	[tilespmem:s7+$0x9000] =	vst v0  }
0x1c6: {  	v0 =	vld [tilespmem:s31+$0x5000]  }
0x1c7: {  	v1 =	vld [tilespmem:s31+$0x6000]  }
0x1c8: {  	v2 =	vld [tilespmem:s31+$0x7000]  }
0x1c9: {  	v3 =	vld [tilespmem:s31+$0x9000]  }
0x1ca: {  	v63 =	vld [tilespmem:s31+$0x8000];
	_ =	sdelay $0x1  }
0x1cb: {  	v1 =	vadd.f32 v1, v0  }
0x1cc: {  	v2 =	vadd.f32 v2, v0  }
0x1cd: {  	[tilespmem:s31+$0x6000] =	vst v1;
	v1 =	vadd.f32 v3, v0  }
0x1ce: {  	[tilespmem:s31+$0x7000] =	vst v2;
	v0 =	vadd.f32 v63, v0  }
0x1cf: {  	[tilespmem:s31+$0x9000] =	vst v1  }
0x1d0: {  	s8 =	sor.u32 $0x120, s28;
	[tilespmem:s31+$0x8000] =	vst v0  }
0x1d1: {  	v0 =	vld [tilespmem:s8+$0x5000]  }
0x1d2: {  	s30 =	simm.s32 $0x0;
	v1 =	vld [tilespmem:s8+$0x6000]  }
0x1d3: {  	p1 =	por $0x0, $0x0;
	s26 =	simm.s32 $0x0;
	s7 =	simm.s32 $0x40;
	v2 =	vld [tilespmem:s8+$0x7000]  }
.LBB2_14:
0x1d4: {  	p2 =	sne.s32 s7, $0x3C0;
	v3 =	vld [tilespmem:s8+$0x9000];
	s30 =	sadd.s32 $0x100, s30;
	p1 =	por !p1, !p1  }
0x1d5: {  	s7 =	sadd.s32 $0x40, s7;
	v4 =	vld [tilespmem:s8+$0x8000];
	_ =	sdelay $0x1  }
0x1d6: {  	v1 =	vadd.f32 v1, v0  }
0x1d7: {  	v2 =	vadd.f32 v2, v0  }
0x1d8: {  	[tilespmem:s8+$0x6000] =	vst v1;
	v1 =	vadd.f32 v3, v0  }
0x1d9: {  	[tilespmem:s8+$0x7000] =	vst v2;
	v0 =	vadd.f32 v4, v0  }
0x1da: {  	[tilespmem:s8+$0x9000] =	vst v1  }
0x1db: {  	[tilespmem:s8+$0x8000] =	vst v0;
	s8 =	sor.u32 $0x130, s28  }
0x1dc: {  	v0 =	vld [tilespmem:s8+$0x5000]  }
0x1dd: {  	v1 =	vld [tilespmem:s8+$0x6000]  }
0x1de: {  	v2 =	vld [tilespmem:s8+$0x7000]  }
0x1df: {  	v3 =	vld [tilespmem:s8+$0x8000]  }
0x1e0: {  	v4 =	vld [tilespmem:s8+$0x9000]  }
0x1e1: {  	s28 =	simm.s32 $0x1  }
0x1e2: {  	s28 =	simm.s32 @!p1 $0x0;
	v1 =	vadd.f32 v1, v0  }
0x1e3: {  	s28 =	sshll.u32 s28, $0x6;
	v2 =	vadd.f32 v2, v0  }
0x1e4: {  	s28 =	sadd.s32 s28, s30;
	[tilespmem:s8+$0x6000] =	vst v1;
	v1 =	vadd.f32 v3, v0  }
0x1e5: {  	s31 =	sor.u32 $0x100, s28;
	[tilespmem:s8+$0x7000] =	vst v2;
	v0 =	vadd.f32 v4, v0  }
0x1e6: {  	[tilespmem:s8+$0x8000] =	vst v1  }
0x1e7: {  	[tilespmem:s8+$0x9000] =	vst v0  }
0x1e8: {  	v0 =	vld [tilespmem:s31+$0x7000]  }
0x1e9: {  	v1 =	vld [tilespmem:s31+$0x6000]  }
0x1ea: {  	v2 =	vld [tilespmem:s31+$0x9000]  }
0x1eb: {  	v3 =	vld [tilespmem:s31+$0x5000]  }
0x1ec: {  	v4 =	vld [tilespmem:s31+$0x8000];
	_ =	sdelay $0x3  }
0x1ed: {  	v1 =	vadd.f32 v1, v3;
	v0 =	vadd.f32 v0, v3  }
0x1ee: {  	v2 =	vadd.f32 v2, v3;
	v4 =	vadd.f32 v4, v3  }
0x1ef: {  	[tilespmem:s31+$0x7000] =	vst v0  }
0x1f0: {  	[tilespmem:s31+$0x8000] =	vst v4  }
0x1f1: {  	[tilespmem:s31+$0x6000] =	vst v1  }
0x1f2: {  	s8 =	sor.u32 $0x110, s28;
	[tilespmem:s31+$0x9000] =	vst v2  }
0x1f3: {  	v0 =	vld [tilespmem:s8+$0x5000]  }
0x1f4: {  	v1 =	vld [tilespmem:s8+$0x6000]  }
0x1f5: {  	v2 =	vld [tilespmem:s8+$0x7000]  }
0x1f6: {  	v3 =	vld [tilespmem:s8+$0x9000]  }
0x1f7: {  	v4 =	vld [tilespmem:s8+$0x8000];
	_ =	sdelay $0x1  }
0x1f8: {  	v1 =	vadd.f32 v1, v0  }
0x1f9: {  	v2 =	vadd.f32 v2, v0  }
0x1fa: {  	[tilespmem:s8+$0x6000] =	vst v1;
	v1 =	vadd.f32 v3, v0  }
0x1fb: {  	[tilespmem:s8+$0x7000] =	vst v2;
	v0 =	vadd.f32 v4, v0  }
.Ltmp6:
0x1fc: {  	[tilespmem:s8+$0x9000] =	vst v1;
	(pc) =	sbr.rel @p2 .LBB2_14-.Ltmp6, $4  }
0x1fd: {  	[tilespmem:s8+$0x8000] =	vst v0;
	s8 =	sor.u32 $0x120, s28  }
0x1fe: {  	v0 =	vld [tilespmem:s8+$0x5000]  }
0x1ff: {  	v1 =	vld [tilespmem:s8+$0x6000]  }
0x200: {  	v2 =	vld [tilespmem:s8+$0x7000]  }
0x201: {  	v3 =	vld [tilespmem:s8+$0x9000]  }
0x202: {  	v4 =	vld [tilespmem:s8+$0x8000];
	_ =	sdelay $0x1  }
0x203: {  	v1 =	vadd.f32 v1, v0  }
0x204: {  	v2 =	vadd.f32 v2, v0  }
0x205: {  	[tilespmem:s8+$0x6000] =	vst v1;
	v1 =	vadd.f32 v3, v0  }
0x206: {  	v0 =	vadd.f32 v4, v0;
	[tilespmem:s8+$0x7000] =	vst v2  }
0x207: {  	[tilespmem:s8+$0x9000] =	vst v1  }
0x208: {  	s7 =	sor.u32 $0x130, s28;
	[tilespmem:s8+$0x8000] =	vst v0  }
0x209: {  	v0 =	vld [tilespmem:s7+$0x5000]  }
0x20a: {  	v1 =	vld [tilespmem:s7+$0x6000]  }
0x20b: {  	v2 =	vld [tilespmem:s7+$0x7000]  }
0x20c: {  	v3 =	vld [tilespmem:s7+$0x8000]  }
0x20d: {  	v61 =	vld [tilespmem:s7+$0x9000];
	_ =	sdelay $0x1  }
0x20e: {  	v1 =	vadd.f32 v1, v0  }
0x20f: {  	v2 =	vadd.f32 v2, v0  }
0x210: {  	[tilespmem:s7+$0x6000] =	vst v1;
	v1 =	vadd.f32 v3, v0  }
0x211: {  	[tilespmem:s7+$0x7000] =	vst v2;
	v0 =	vadd.f32 v61, v0  }
0x212: {  	s6 =	sadd.s32 $0x0, s6;
	[tilespmem:s7+$0x8000] =	vst v1  }
0x213: {  	s30 =	sor.u32 $0x180, s6;
	[tilespmem:s7+$0x9000] =	vst v0  }
0x214: {  	v0 =	vld [tilespmem:s30+$0x7000]  }
0x215: {  	v1 =	vld [tilespmem:s30+$0x5000]  }
0x216: {  	v2 =	vld [tilespmem:s30+$0x8000]  }
0x217: {  	v3 =	vld [tilespmem:s30+$0x6000]  }
0x218: {  	v62 =	vld [tilespmem:s30+$0x9000];
	_ =	sdelay $0x1  }
0x219: {  	v0 =	vadd.f32 v0, v1  }
0x21a: {  	v2 =	vadd.f32 v2, v1  }
0x21b: {  	v3 =	vadd.f32 v3, v1;
	[tilespmem:s30+$0x7000] =	vst v0  }
0x21c: {  	v0 =	vadd.f32 v62, v1;
	[tilespmem:s30+$0x8000] =	vst v2  }
0x21d: {  	[tilespmem:s30+$0x6000] =	vst v3  }
0x21e: {  	s31 =	sor.u32 $0x190, s6;
	[tilespmem:s30+$0x9000] =	vst v0  }
0x21f: {  	v0 =	vld [tilespmem:s31+$0x5000]  }
0x220: {  	v1 =	vld [tilespmem:s31+$0x6000]  }
0x221: {  	v2 =	vld [tilespmem:s31+$0x7000]  }
0x222: {  	v3 =	vld [tilespmem:s31+$0x9000]  }
0x223: {  	v63 =	vld [tilespmem:s31+$0x8000];
	_ =	sdelay $0x1  }
0x224: {  	v1 =	vadd.f32 v1, v0  }
0x225: {  	v2 =	vadd.f32 v2, v0  }
0x226: {  	[tilespmem:s31+$0x6000] =	vst v1;
	v1 =	vadd.f32 v3, v0  }
0x227: {  	[tilespmem:s31+$0x7000] =	vst v2;
	v0 =	vadd.f32 v63, v0  }
0x228: {  	[tilespmem:s31+$0x9000] =	vst v1  }
0x229: {  	s8 =	sor.u32 $0x1A0, s6;
	[tilespmem:s31+$0x8000] =	vst v0  }
0x22a: {  	v0 =	vld [tilespmem:s8+$0x5000]  }
0x22b: {  	v1 =	vld [tilespmem:s8+$0x6000]  }
0x22c: {  	s7 =	simm.s32 $0x40;
	v2 =	vld [tilespmem:s8+$0x7000]  }
.LBB2_16:
0x22d: {  	p1 =	sne.s32 s7, $0x3C0;
	v3 =	vld [tilespmem:s8+$0x9000];
	s26 =	sadd.s32 $0x100, s26;
	p0 =	por !p0, !p0  }
0x22e: {  	s7 =	sadd.s32 $0x40, s7;
	v4 =	vld [tilespmem:s8+$0x8000];
	_ =	sdelay $0x1  }
0x22f: {  	v1 =	vadd.f32 v1, v0  }
0x230: {  	v2 =	vadd.f32 v2, v0  }
0x231: {  	[tilespmem:s8+$0x6000] =	vst v1;
	v1 =	vadd.f32 v3, v0  }
0x232: {  	[tilespmem:s8+$0x7000] =	vst v2;
	v0 =	vadd.f32 v4, v0  }
0x233: {  	[tilespmem:s8+$0x9000] =	vst v1  }
0x234: {  	[tilespmem:s8+$0x8000] =	vst v0;
	s8 =	sor.u32 $0x1B0, s6  }
0x235: {  	v0 =	vld [tilespmem:s8+$0x5000]  }
0x236: {  	v1 =	vld [tilespmem:s8+$0x6000]  }
0x237: {  	v2 =	vld [tilespmem:s8+$0x7000]  }
0x238: {  	v3 =	vld [tilespmem:s8+$0x8000]  }
0x239: {  	v4 =	vld [tilespmem:s8+$0x9000]  }
0x23a: {  	s6 =	simm.s32 $0x1  }
0x23b: {  	s6 =	simm.s32 @!p0 $0x0;
	v1 =	vadd.f32 v1, v0  }
0x23c: {  	s6 =	sshll.u32 s6, $0x6;
	v2 =	vadd.f32 v2, v0  }
0x23d: {  	s6 =	sadd.s32 s6, s26;
	[tilespmem:s8+$0x6000] =	vst v1;
	v1 =	vadd.f32 v3, v0  }
0x23e: {  	s28 =	sor.u32 $0x180, s6;
	[tilespmem:s8+$0x7000] =	vst v2;
	v0 =	vadd.f32 v4, v0  }
0x23f: {  	[tilespmem:s8+$0x8000] =	vst v1  }
0x240: {  	[tilespmem:s8+$0x9000] =	vst v0  }
0x241: {  	v0 =	vld [tilespmem:s28+$0x7000]  }
0x242: {  	v1 =	vld [tilespmem:s28+$0x6000]  }
0x243: {  	v2 =	vld [tilespmem:s28+$0x9000]  }
0x244: {  	v3 =	vld [tilespmem:s28+$0x5000]  }
0x245: {  	v4 =	vld [tilespmem:s28+$0x8000];
	_ =	sdelay $0x3  }
0x246: {  	v1 =	vadd.f32 v1, v3;
	v0 =	vadd.f32 v0, v3  }
0x247: {  	v2 =	vadd.f32 v2, v3;
	v4 =	vadd.f32 v4, v3  }
0x248: {  	[tilespmem:s28+$0x7000] =	vst v0  }
0x249: {  	[tilespmem:s28+$0x8000] =	vst v4  }
0x24a: {  	[tilespmem:s28+$0x6000] =	vst v1  }
0x24b: {  	s8 =	sor.u32 $0x190, s6;
	[tilespmem:s28+$0x9000] =	vst v2  }
0x24c: {  	v0 =	vld [tilespmem:s8+$0x5000]  }
0x24d: {  	v1 =	vld [tilespmem:s8+$0x6000]  }
0x24e: {  	v2 =	vld [tilespmem:s8+$0x7000]  }
0x24f: {  	v3 =	vld [tilespmem:s8+$0x9000]  }
0x250: {  	v4 =	vld [tilespmem:s8+$0x8000];
	_ =	sdelay $0x1  }
0x251: {  	v1 =	vadd.f32 v1, v0  }
0x252: {  	v2 =	vadd.f32 v2, v0  }
0x253: {  	[tilespmem:s8+$0x6000] =	vst v1;
	v1 =	vadd.f32 v3, v0  }
0x254: {  	[tilespmem:s8+$0x7000] =	vst v2;
	v0 =	vadd.f32 v4, v0  }
.Ltmp7:
0x255: {  	[tilespmem:s8+$0x9000] =	vst v1;
	(pc) =	sbr.rel @p1 .LBB2_16-.Ltmp7, $4  }
0x256: {  	[tilespmem:s8+$0x8000] =	vst v0;
	s8 =	sor.u32 $0x1A0, s6  }
0x257: {  	v0 =	vld [tilespmem:s8+$0x5000]  }
0x258: {  	v1 =	vld [tilespmem:s8+$0x6000]  }
0x259: {  	v2 =	vld [tilespmem:s8+$0x7000]  }
0x25a: {  	v3 =	vld [tilespmem:s8+$0x9000]  }
0x25b: {  	v4 =	vld [tilespmem:s8+$0x8000];
	_ =	sdelay $0x1  }
0x25c: {  	v1 =	vadd.f32 v1, v0  }
0x25d: {  	v2 =	vadd.f32 v2, v0  }
0x25e: {  	[tilespmem:s8+$0x6000] =	vst v1;
	v59 =	vadd.f32 v3, v0  }
0x25f: {  	v60 =	vadd.f32 v4, v0;
	[tilespmem:s8+$0x7000] =	vst v2  }
0x260: {  	[tilespmem:s8+$0x9000] =	vst v59  }
0x261: {  	s6 =	sor.u32 $0x1B0, s6;
	[tilespmem:s8+$0x8000] =	vst v60  }
0x262: {  	v0 =	vld [tilespmem:s6+$0x5000]  }
0x263: {  	v1 =	vld [tilespmem:s6+$0x6000]  }
0x264: {  	v2 =	vld [tilespmem:s6+$0x7000]  }
0x265: {  	v61 =	vld [tilespmem:s6+$0x8000]  }
0x266: {  	v62 =	vld [tilespmem:s6+$0x9000];
	_ =	sdelay $0x1  }
0x267: {  	v1 =	vadd.f32 v1, v0  }
0x268: {  	v2 =	vadd.f32 v2, v0  }
0x269: {  	v63 =	vadd.f32 v61, v0;
	[tilespmem:s6+$0x6000] =	vst v1  }
0x26a: {  	v0 =	vadd.f32 v62, v0;
	[tilespmem:s6+$0x7000] =	vst v2  }
0x26b: {  	[tilespmem:s6+$0x8000] =	vst v63  }
0x26c: {  	s8 =	simm.s32 $0x6000;
	[tilespmem:s6+$0x9000] =	vst v0  }
0x26d: {  	[hbm4b:s17+s22] =	stream.strided.scatter [tilespmem:s8], [sflag:$0x4], $0x1000, s23, s22, $0x38;
	[tilespmem:$0xA000] =	vst v63  }
0x26e: {  	s26 =	simm.s32 $0x7000  }
0x26f: {  	[hbm4b:s18+s22] =	stream.strided.scatter [tilespmem:s26], [sflag:$0x4], $0x1000, s23, s22, $0x38;
	[tilespmem:$0xA000] =	vst v63  }
0x270: {  	_ = 	snop  }
0x271: {  	[hbm4b:s19+s22] =	stream.strided.scatter [tilespmem:s0], [sflag:$0x4], $0x1000, s23, s22, $0x38;
	[tilespmem:$0xA000] =	vst v63  }
0x272: {  	_ = 	snop  }
0x273: {  	[hbm4b:s20+s22] =	stream.strided.scatter [tilespmem:s1], [sflag:$0x4], $0x1000, s23, s22, $0x38;
	[tilespmem:$0xA000] =	vst v63  }
0x274: {  	_ =	swait.ge [sflag:s4], $0x1000  }
0x275: {  	[sflag:s4] =	ssyncset.done $0x0  }
0x276: {  	[sflag:s4] =	ssyncadd.s32 $0xFFFFF000  }
0x277: {  	_ =	swait.ge [sflag:s4], $0x1000  }
0x278: {  	[sflag:s4] =	ssyncset.done $0x0  }
0x279: {  	[sflag:s4] =	ssyncadd.s32 $0xFFFFF000  }
0x27a: {  	_ =	swait.ge [sflag:s4], $0x1000  }
0x27b: {  	[sflag:s4] =	ssyncset.done $0x0  }
0x27c: {  	[sflag:s4] =	ssyncadd.s32 $0xFFFFF000  }
0x27d: {  	_ =	swait.ge [sflag:s4], $0x1000  }
0x27e: {  	[sflag:s4] =	ssyncset.done $0x0  }
0x27f: {  	[sflag:s4] =	ssyncadd.s32 $0xFFFFF000  }
0x280: {  	_ =	swait.ge [sflag:s25], $0x1000  }
0x281: {  	[sflag:s25] =	ssyncset.done $0x0  }
0x282: {  	[sflag:s25] =	ssyncadd.s32 $0xFFFFF000  }
0x283: {  	_ =	swait.ge [sflag:s25], $0x1000  }
0x284: {  	[sflag:s25] =	ssyncset.done $0x0  }
0x285: {  	s5 =	sadd.s32 $0x1, s5;
	[sflag:s25] =	ssyncadd.s32 $0xFFFFF000  }
0x286: {  	p0 =	sne.s32 s5, s21;
	_ =	swait.ge [sflag:s25], $0x1000  }
.Ltmp8:
0x287: {  	[sflag:s25] =	ssyncset.done $0x0;
	(pc) =	sbr.rel @p0 .LBB2_1-.Ltmp8, $4  }
0x288: {  	[sflag:s25] =	ssyncadd.s32 $0xFFFFF000  }
0x289: {  	_ =	swait.ge [sflag:s25], $0x1000  }
0x28a: {  	[sflag:s25] =	ssyncset.done $0x0  }
0x28b: {  	s31 =	simm.s32 $0x1000;
	[sflag:s25] =	ssyncadd.s32 $0xFFFFF000  }
0x28c: {  	_ =	sfence.sel $0x180000  }
0x28d: {  	[bflag:$0x0] =	sbarrier.arrive $0xFFFF  }
0x28e: {  	_ =	strace $0x90000047  }
0x28f: {  	s0 =	stileid.u32;
	[bflag:$0x2] =	sbarrier.arrive $0xFFFF  }
0x290: {  	p0 =	sne.s32 s0, $0x0;
	s0 =	rddreg [dreg:$0x3]  }
0x291: {  	s0 =	sadd.s32 @!p0 $0x100000, s0  }
0x292: {  	[sflag:s0] =	ssyncadd.tile.s32 @!p0 $0x1;
	_ =	shalt  }
.Lfunc_end2:
_tile_overlayer_lowered:
.L_overlay_start_2:
0x293: {  	(tag) =	ssettag $0x2  }
0x294: {  	s0 =	rddreg [dreg:$0x0];
	s2 =	stileid.u32  }
0x295: {  	s1 =	rddreg [dreg:$0x1];
	p0 =	sne.s32 s2, $0x0  }
0x296: {  	s3 =	rddreg [dreg:$0x2];
	[bflag:$0x3] =	sbarrier.arrive $0xFFFF;
	s2 =	simm.s32 @!p0 $0x1C05  }
0x297: {  	[timem:s3], [sflag:s2] =	dma.local @!p0 [hbm:s0], s1  }
0x298: {  	s0 =	simm.s32 @!p0 $0x5  }
0x299: {  	_ =	swait.ge @!p0 [sflag:s0], s1  }
0x29a: {  	s1 =	ssub.s32 @!p0 $0x0, s1;
	[sflag:s0] =	ssyncset.done @!p0 $0x0  }
0x29b: {  	[sflag:s0] =	ssyncadd.s32 @!p0 s1  }
0x29c: {  	[bflag:$0x3] =	sbarrier.arrive $0xFFFF  }
0x29d: {  	_ =	shalt  }

</sc_bundles>
